<compile_context>
chip_gen: v7x
topology: tpu7x:2x2x1
jax: 0.10.2.dev20260603
libtpu: 0.0.44.dev20260713+nightly
codegen_flags: <defaults>
</compile_context>

<pallas_src>
import functools

import jax
import jax.numpy as jnp
from jax import lax
from jax.experimental import pallas as pl
from jax.experimental.pallas import tpu as pltpu
from jax.experimental.pallas import tpu_sc as plsc

N = 6_400_000
S = 100_000
SP = 106_496
B = 4000
NBLK = N // B
NW = 32
NIT = NBLK // NW
STRIPE = SP // 16
CB = B + 160


def _sc_body(qa_hbm, rx_hbm, ry_hbm, rz_hbm, seg_hbm, out_hbm,
             qa_v0, rx_v0, ry_v0, rz_v0, seg_v0,
             qa_v1, rx_v1, ry_v1, rz_v1, seg_v1, cs_v,
             cseg_v, cpx_v, cpy_v, cpz_v, zb_v,
             acc_x, acc_y, acc_z, sem, sem_in):
    c = lax.axis_index("c")
    s = lax.axis_index("s")
    wid = c * 16 + s
    accs = (acc_x, acc_y, acc_z)
    banks = ((qa_v0, rx_v0, ry_v0, rz_v0, seg_v0),
             (qa_v1, rx_v1, ry_v1, rz_v1, seg_v1))
    cps = (cpx_v, cpy_v, cpz_v)
    r_hbms = (rx_hbm, ry_hbm, rz_hbm)

    iota = lax.iota(jnp.int32, 16)
    zero16 = jnp.zeros((16,), jnp.float32)
    neg1_16 = jnp.full((16,), -1, jnp.int32)

    def _zb(k, _):
        zb_v[pl.ds(k * 16, 16)] = zero16
        return 0

    lax.fori_loop(0, STRIPE // 16, _zb, 0)
    for a in accs:
        pltpu.sync_copy(zb_v, a.at[pl.ds(s * STRIPE, STRIPE)])
    plsc.subcore_barrier()

    for bank in banks:
        bank[4][pl.ds(0, 16)] = neg1_16
        bank[4][pl.ds(B + 16, 16)] = neg1_16

    dump16 = S + wid * 16 + iota

    def _issue_inputs(blk, bank):
        base = blk * B
        qa_b, rx_b, ry_b, rz_b, seg_b = bank
        pltpu.async_copy(qa_hbm.at[pl.ds(base, B)], qa_b, sem_in)
        pltpu.async_copy(seg_hbm.at[pl.ds(base, B)],
                         seg_b.at[pl.ds(16, B)], sem_in)
        for t in range(3):
            pltpu.async_copy(r_hbms[t].at[pl.ds(base, B)],
                             (rx_b, ry_b, rz_b)[t], sem_in)

    def _wait_inputs(bank):
        qa_b, rx_b, ry_b, rz_b, seg_b = bank
        base0 = 0
        pltpu.make_async_copy(qa_hbm.at[pl.ds(base0, B)], qa_b, sem_in).wait()
        pltpu.make_async_copy(seg_hbm.at[pl.ds(base0, B)],
                              seg_b.at[pl.ds(16, B)], sem_in).wait()
        for t in range(3):
            pltpu.make_async_copy(r_hbms[t].at[pl.ds(base0, B)],
                                  (rx_b, ry_b, rz_b)[t], sem_in).wait()

    _issue_inputs(wid, banks[0])

    def _phase(i, prev_trips, bank, nbank):
        qa_v, rx_v, ry_v, rz_v, seg_v = bank
        rs = (rx_v, ry_v, rz_v)

        _wait_inputs(bank)

        @pl.when(i + 1 < NIT)
        def _():
            _issue_inputs(wid + NW * (i + 1), nbank)

        def _drain(k, _):
            for t, a in enumerate(accs):
                pltpu.make_async_copy(
                    cps[t].at[pl.ds(k * 128, 128)],
                    a.at[cseg_v.at[pl.ds(k * 128, 128)]],
                    sem,
                ).wait()
            return 0

        lax.fori_loop(0, prev_trips, _drain, 0)

        @plsc.parallel_loop(0, B // 16, unroll=5, carry=neg1_16)
        def cursor(j, cursor):
            jb = j * 16
            csbase = j * 48
            q16 = qa_v[pl.ds(jb, 16)]
            seg = seg_v[pl.ds(jb + 16, 16)]
            segn = plsc.load_gather(seg_v, [iota + (jb + 17)])
            segp = plsc.load_gather(seg_v, [iota + (jb + 15)])
            end = jnp.logical_or(seg != segn, iota == 15)
            sp = seg != segp
            rank = plsc.cumsum(jnp.where(end, 1, 0))
            pe = plsc.cummax(jnp.where(sp, iota - 1, -1))
            pe_ok = pe >= 0
            pec = jnp.maximum(pe, 0) + csbase
            rsum = []
            for t in range(3):
                cs = plsc.cumsum(q16 * rs[t][pl.ds(jb, 16)])
                cs_v[pl.ds(csbase + t * 16, 16)] = cs
                g = plsc.load_gather(cs_v, [pec + t * 16])
                rsum.append(cs - jnp.where(pe_ok, g, 0.0))
            idxv = cursor + rank
            plsc.store_scatter(cseg_v, [idxv], seg, mask=end)
            for t in range(3):
                plsc.store_scatter(cps[t], [idxv], rsum[t], mask=end)
            nst = plsc.all_reduce_population_count(end)
            return cursor + nst
        count = jnp.max(cursor) + 1
        fl = (count // 16) * 16
        for k in range(10):
            pos = fl + 16 * k + iota
            plsc.store_scatter(cseg_v, [pos], dump16, mask=pos >= count)
        trips = (count + 127) // 128

        def _scat(k, _):
            for t, a in enumerate(accs):
                pltpu.async_copy(
                    cps[t].at[pl.ds(k * 128, 128)],
                    a.at[cseg_v.at[pl.ds(k * 128, 128)]],
                    sem,
                    add=True,
                )
            return 0

        lax.fori_loop(0, trips, _scat, 0)
        return trips

    def _block(d, prev_trips):
        t0 = _phase(2 * d, prev_trips, banks[0], banks[1])
        return _phase(2 * d + 1, t0, banks[1], banks[0])

    final_trips = lax.fori_loop(0, NIT // 2, _block, jnp.int32(0))

    def _drain_last(k, _):
        for t, a in enumerate(accs):
            pltpu.make_async_copy(
                cps[t].at[pl.ds(k * 128, 128)],
                a.at[cseg_v.at[pl.ds(k * 128, 128)]],
                sem,
            ).wait()
        return 0

    lax.fori_loop(0, final_trips, _drain_last, 0)
    plsc.subcore_barrier()
    for t, a in enumerate(accs):
        pltpu.sync_copy(a.at[pl.ds(s * STRIPE, STRIPE)],
                        out_hbm.at[pl.ds((c * 3 + t) * SP + s * STRIPE, STRIPE)])


_sc_call = functools.partial(
    pl.kernel,
    out_type=jax.ShapeDtypeStruct((6 * SP,), jnp.float32),
    mesh=plsc.VectorSubcoreMesh(core_axis_name="c", subcore_axis_name="s"),
    compiler_params=pltpu.CompilerParams(needs_layout_passes=False),
    scratch_types=[
        pltpu.VMEM((B,), jnp.float32),
        pltpu.VMEM((B,), jnp.float32),
        pltpu.VMEM((B,), jnp.float32),
        pltpu.VMEM((B,), jnp.float32),
        pltpu.VMEM((B + 32,), jnp.int32),
        pltpu.VMEM((B,), jnp.float32),
        pltpu.VMEM((B,), jnp.float32),
        pltpu.VMEM((B,), jnp.float32),
        pltpu.VMEM((B,), jnp.float32),
        pltpu.VMEM((B + 32,), jnp.int32),
        pltpu.VMEM((B // 16 * 48,), jnp.float32),
        pltpu.VMEM((CB,), jnp.int32),
        pltpu.VMEM((CB,), jnp.float32),
        pltpu.VMEM((CB,), jnp.float32),
        pltpu.VMEM((CB,), jnp.float32),
        pltpu.VMEM((STRIPE,), jnp.float32),
        pltpu.VMEM_SHARED((SP,), jnp.float32),
        pltpu.VMEM_SHARED((SP,), jnp.float32),
        pltpu.VMEM_SHARED((SP,), jnp.float32),
        pltpu.SemaphoreType.DMA,
        pltpu.SemaphoreType.DMA,
    ],
)(_sc_body)


def _combine_body(a_ref, o_ref):
    o_ref[...] = a_ref[0] + a_ref[1]


_combine = pl.pallas_call(
    _combine_body,
    out_shape=jax.ShapeDtypeStruct((3, SP), jnp.float32),
)


def kernel(Qa, Ra, batch_seg):
    seg32 = batch_seg.astype(jnp.int32)
    rx, ry, rz = Ra[:, 0], Ra[:, 1], Ra[:, 2]
    partial = _sc_call(Qa, rx, ry, rz, seg32)
    out = _combine(partial.reshape(2, 3, SP))
    return out[:, :S].T

# --- scband reference (transcript-rebuilt; emitter-appended) ---
"""Pipeline reference for scband-atomic-charge2-dipole-layer-47691316855482 (READ-ONLY COPY).

The authoritative reference and input builder live on the scoring server;
editing this copy changes nothing except your own understanding.
"""

import jax, jax.numpy as jnp
import numpy as np

N = 6400000
NUM_SEGMENTS = 100000

def setup_inputs(seed: int = 0) -> dict:
    key = jax.random.key(seed)
    k1, k2, k3 = jax.random.split(key, 3)
    Qa = jax.random.normal(k1, (N,), dtype=jnp.float32)
    Ra = jax.random.normal(k2, (N, 3), dtype=jnp.float32)
    batch_seg = jnp.sort(jax.random.randint(k3, (N,), 0, NUM_SEGMENTS, dtype=jnp.int64))
    return {"Qa": Qa, "Ra": Ra, "batch_seg": batch_seg}

def reference(Qa, Ra, batch_seg):
    # Pa = Qa.unsqueeze(1) * Ra  (per-atom dipole contribution)
    Pa = Qa[:, None] * Ra
    # segment_sum_coo over batch_seg -> molecular dipole M2
    M2 = jax.ops.segment_sum(Pa, batch_seg, num_segments=NUM_SEGMENTS)
    return M2

if __name__ == "__main__":
    import jax
    _d = setup_inputs()
    print(jax.jit(kernel)(*tuple(_d.values())))

</pallas_src>

<mosaic_0001>
#map = affine_map<(d0, d1) -> (0)>
module attributes {stable_mosaic.version = 14 : i64} {
  func.func @_sc_body(%arg0: i32, %arg1: i32, %arg2: memref<6400000xf32, #tpu.memory_space<hbm>>, %arg3: memref<6400000xf32, #tpu.memory_space<hbm>>, %arg4: memref<6400000xf32, #tpu.memory_space<hbm>>, %arg5: memref<6400000xf32, #tpu.memory_space<hbm>>, %arg6: memref<6400000xi32, #tpu.memory_space<hbm>>, %arg7: memref<638976xf32, #tpu.memory_space<hbm>>, %arg8: memref<4000xf32, #tpu.memory_space<vmem>>, %arg9: memref<4000xf32, #tpu.memory_space<vmem>>, %arg10: memref<4000xf32, #tpu.memory_space<vmem>>, %arg11: memref<4000xf32, #tpu.memory_space<vmem>>, %arg12: memref<4032xi32, #tpu.memory_space<vmem>>, %arg13: memref<4000xf32, #tpu.memory_space<vmem>>, %arg14: memref<4000xf32, #tpu.memory_space<vmem>>, %arg15: memref<4000xf32, #tpu.memory_space<vmem>>, %arg16: memref<4000xf32, #tpu.memory_space<vmem>>, %arg17: memref<4032xi32, #tpu.memory_space<vmem>>, %arg18: memref<12000xf32, #tpu.memory_space<vmem>>, %arg19: memref<4160xi32, #tpu.memory_space<vmem>>, %arg20: memref<4160xf32, #tpu.memory_space<vmem>>, %arg21: memref<4160xf32, #tpu.memory_space<vmem>>, %arg22: memref<4160xf32, #tpu.memory_space<vmem>>, %arg23: memref<6656xf32, #tpu.memory_space<vmem>>, %arg24: memref<106496xf32, #tpu.memory_space<vmem_shared>>, %arg25: memref<106496xf32, #tpu.memory_space<vmem_shared>>, %arg26: memref<106496xf32, #tpu.memory_space<vmem_shared>>, %arg27: memref<!tpu.dma_semaphore, #tpu.memory_space<semaphore_mem>>, %arg28: memref<!tpu.dma_semaphore, #tpu.memory_space<semaphore_mem>>) attributes {dimension_semantics = [#tpu.dimension_semantics<core_parallel>, #tpu.dimension_semantics<subcore_parallel>], iteration_bounds = array<i64: 2, 16>, scalar_prefetch = 0 : i64, scratch_operands = 21 : i64, tpu.core_type = #tpu.core_type<sc_vector_subcore>, window_params = [{transform_indices = #map}, {transform_indices = #map}, {transform_indices = #map}, {transform_indices = #map}, {transform_indices = #map}, {transform_indices = #map}]} {
    %mul3A = arith.constant 16 : i32
    %mul3A_0 = arith.muli %arg0, %mul3A : i32
    %add3A = arith.addi %mul3A_0, %arg1 : i32
    %iota3A = tpu.iota {dimensions = array<i32: 0>} : vector<16xi32>
    %broadcast_in_dim3A = arith.constant 0.000000e+00 : f32
    %broadcast_in_dim3A_1 = vector.broadcast %broadcast_in_dim3A : f32 to vector<16xf32>
    %broadcast_in_dim3A_2 = arith.constant -1 : i32
    %broadcast_in_dim3A_3 = vector.broadcast %broadcast_in_dim3A_2 : i32 to vector<16xi32>
    %scan3A = arith.constant 0 : i32
    %scan3A_4 = arith.constant 0 : i32
    %scan3A_5 = arith.constant 416 : i32
    %scan3A_6 = arith.addi %scan3A_4, %scan3A_5 : i32
    %scan3A_7 = arith.constant 1 : i32
    %scan3A_8 = scf.for %scan3A_96 = %scan3A_4 to %scan3A_6 step %scan3A_7 iter_args(%scan3A_97 = %scan3A) -> (i32)  : i32 {
      %mul3A_98 = arith.constant 16 : i32
      %mul3A_99 = arith.muli %scan3A_96, %mul3A_98 : i32
      %swap3A_100 = arith.index_cast %mul3A_99 : i32 to index
      %swap3A_101 = tpu.vector_load %arg23[%swap3A_100] {strides = array<i32>} : memref<6656xf32, #tpu.memory_space<vmem>>, vector<16xf32>,
      tpu.vector_store %arg23[%swap3A_100], %broadcast_in_dim3A_1 {strides = array<i32>} : memref<6656xf32, #tpu.memory_space<vmem>>, vector<16xf32>,
      %scan3A_102 = arith.constant 0 : i32
      scf.yield %scan3A_102 : i32
    }
    %scan3A_9 = arith.constant 416 : i32
    %mul3A_10 = arith.constant 6656 : i32
    %mul3A_11 = arith.muli %arg1, %mul3A_10 : i32
    "tpu.region"() ({
      %run_scoped3A = tpu.sem_alloc : memref<!tpu.dma_semaphore, #tpu.memory_space<semaphore_mem>>
      %dma_start3A_96 = tpu.memref_slice %arg24[%mul3A_11] : memref<106496xf32, #tpu.memory_space<vmem_shared>> -> memref<6656xf32, #tpu.memory_space<vmem_shared>>
      %dma_start3A_97 = tpu.memref_slice %arg24[%mul3A_11] : memref<106496xf32, #tpu.memory_space<vmem_shared>> -> memref<6656xf32, #tpu.memory_space<vmem_shared>>
      tpu.enqueue_dma source(%arg23 : memref<6656xf32, #tpu.memory_space<vmem>>) target(%dma_start3A_97 : memref<6656xf32, #tpu.memory_space<vmem_shared>>) target_semaphore(%run_scoped3A : memref<!tpu.dma_semaphore, #tpu.memory_space<semaphore_mem>>)
      %dma_wait3A = tpu.memref_slice %arg24[%mul3A_11] : memref<106496xf32, #tpu.memory_space<vmem_shared>> -> memref<6656xf32, #tpu.memory_space<vmem_shared>>
      %dma_wait3A_98 = tpu.memref_slice %arg24[%mul3A_11] : memref<106496xf32, #tpu.memory_space<vmem_shared>> -> memref<6656xf32, #tpu.memory_space<vmem_shared>>
      tpu.wait_dma2 semaphore(%run_scoped3A : memref<!tpu.dma_semaphore, #tpu.memory_space<semaphore_mem>>) src(%arg23 : memref<6656xf32, #tpu.memory_space<vmem>>) dst(%dma_wait3A_98 : memref<6656xf32, #tpu.memory_space<vmem_shared>>)
      tpu.yield
    }) : () -> ()
    %mul3A_12 = arith.constant 6656 : i32
    %mul3A_13 = arith.muli %arg1, %mul3A_12 : i32
    "tpu.region"() ({
      %run_scoped3A = tpu.sem_alloc : memref<!tpu.dma_semaphore, #tpu.memory_space<semaphore_mem>>
      %dma_start3A_96 = tpu.memref_slice %arg25[%mul3A_13] : memref<106496xf32, #tpu.memory_space<vmem_shared>> -> memref<6656xf32, #tpu.memory_space<vmem_shared>>
      %dma_start3A_97 = tpu.memref_slice %arg25[%mul3A_13] : memref<106496xf32, #tpu.memory_space<vmem_shared>> -> memref<6656xf32, #tpu.memory_space<vmem_shared>>
      tpu.enqueue_dma source(%arg23 : memref<6656xf32, #tpu.memory_space<vmem>>) target(%dma_start3A_97 : memref<6656xf32, #tpu.memory_space<vmem_shared>>) target_semaphore(%run_scoped3A : memref<!tpu.dma_semaphore, #tpu.memory_space<semaphore_mem>>)
      %dma_wait3A = tpu.memref_slice %arg25[%mul3A_13] : memref<106496xf32, #tpu.memory_space<vmem_shared>> -> memref<6656xf32, #tpu.memory_space<vmem_shared>>
      %dma_wait3A_98 = tpu.memref_slice %arg25[%mul3A_13] : memref<106496xf32, #tpu.memory_space<vmem_shared>> -> memref<6656xf32, #tpu.memory_space<vmem_shared>>
      tpu.wait_dma2 semaphore(%run_scoped3A : memref<!tpu.dma_semaphore, #tpu.memory_space<semaphore_mem>>) src(%arg23 : memref<6656xf32, #tpu.memory_space<vmem>>) dst(%dma_wait3A_98 : memref<6656xf32, #tpu.memory_space<vmem_shared>>)
      tpu.yield
    }) : () -> ()
    %mul3A_14 = arith.constant 6656 : i32
    %mul3A_15 = arith.muli %arg1, %mul3A_14 : i32
    "tpu.region"() ({
      %run_scoped3A = tpu.sem_alloc : memref<!tpu.dma_semaphore, #tpu.memory_space<semaphore_mem>>
      %dma_start3A_96 = tpu.memref_slice %arg26[%mul3A_15] : memref<106496xf32, #tpu.memory_space<vmem_shared>> -> memref<6656xf32, #tpu.memory_space<vmem_shared>>
      %dma_start3A_97 = tpu.memref_slice %arg26[%mul3A_15] : memref<106496xf32, #tpu.memory_space<vmem_shared>> -> memref<6656xf32, #tpu.memory_space<vmem_shared>>
      tpu.enqueue_dma source(%arg23 : memref<6656xf32, #tpu.memory_space<vmem>>) target(%dma_start3A_97 : memref<6656xf32, #tpu.memory_space<vmem_shared>>) target_semaphore(%run_scoped3A : memref<!tpu.dma_semaphore, #tpu.memory_space<semaphore_mem>>)
      %dma_wait3A = tpu.memref_slice %arg26[%mul3A_15] : memref<106496xf32, #tpu.memory_space<vmem_shared>> -> memref<6656xf32, #tpu.memory_space<vmem_shared>>
      %dma_wait3A_98 = tpu.memref_slice %arg26[%mul3A_15] : memref<106496xf32, #tpu.memory_space<vmem_shared>> -> memref<6656xf32, #tpu.memory_space<vmem_shared>>
      tpu.wait_dma2 semaphore(%run_scoped3A : memref<!tpu.dma_semaphore, #tpu.memory_space<semaphore_mem>>) src(%arg23 : memref<6656xf32, #tpu.memory_space<vmem>>) dst(%dma_wait3A_98 : memref<6656xf32, #tpu.memory_space<vmem_shared>>)
      tpu.yield
    }) : () -> ()
    %barrier3A = arith.constant 0 : index
    tpu.barrier barrier_id(%barrier3A)
    %swap3A = arith.constant 0 : index
    %swap3A_16 = tpu.vector_load %arg12[%swap3A] {strides = array<i32>} : memref<4032xi32, #tpu.memory_space<vmem>>, vector<16xi32>,
    tpu.vector_store %arg12[%swap3A], %broadcast_in_dim3A_3 {strides = array<i32>} : memref<4032xi32, #tpu.memory_space<vmem>>, vector<16xi32>,
    %swap3A_17 = arith.constant 4016 : index
    %swap3A_18 = tpu.vector_load %arg12[%swap3A_17] {strides = array<i32>} : memref<4032xi32, #tpu.memory_space<vmem>>, vector<16xi32>,
    tpu.vector_store %arg12[%swap3A_17], %broadcast_in_dim3A_3 {strides = array<i32>} : memref<4032xi32, #tpu.memory_space<vmem>>, vector<16xi32>,
    %swap3A_19 = arith.constant 0 : index
    %swap3A_20 = tpu.vector_load %arg17[%swap3A_19] {strides = array<i32>} : memref<4032xi32, #tpu.memory_space<vmem>>, vector<16xi32>,
    tpu.vector_store %arg17[%swap3A_19], %broadcast_in_dim3A_3 {strides = array<i32>} : memref<4032xi32, #tpu.memory_space<vmem>>, vector<16xi32>,
    %swap3A_21 = arith.constant 4016 : index
    %swap3A_22 = tpu.vector_load %arg17[%swap3A_21] {strides = array<i32>} : memref<4032xi32, #tpu.memory_space<vmem>>, vector<16xi32>,
    tpu.vector_store %arg17[%swap3A_21], %broadcast_in_dim3A_3 {strides = array<i32>} : memref<4032xi32, #tpu.memory_space<vmem>>, vector<16xi32>,
    %mul3A_23 = arith.constant 16 : i32
    %mul3A_24 = arith.muli %add3A, %mul3A_23 : i32
    %add3A_25 = arith.constant 100000 : i32
    %add3A_26 = arith.addi %add3A_25, %mul3A_24 : i32
    %add3A_27 = vector.broadcast %add3A_26 : i32 to vector<16xi32>
    %add3A_28 = arith.addi %add3A_27, %iota3A : vector<16xi32>
    %mul3A_29 = arith.constant 4000 : i32
    %mul3A_30 = arith.muli %add3A, %mul3A_29 : i32
    %dma_start3A = tpu.memref_slice %arg2[%mul3A_30] : memref<6400000xf32, #tpu.memory_space<hbm>> -> memref<4000xf32, #tpu.memory_space<hbm>>
    %dma_start3A_31 = tpu.memref_slice %arg2[%mul3A_30] : memref<6400000xf32, #tpu.memory_space<hbm>> -> memref<4000xf32, #tpu.memory_space<hbm>>
    tpu.enqueue_dma source(%dma_start3A_31 : memref<4000xf32, #tpu.memory_space<hbm>>) target(%arg8 : memref<4000xf32, #tpu.memory_space<vmem>>) target_semaphore(%arg28 : memref<!tpu.dma_semaphore, #tpu.memory_space<semaphore_mem>>)
    %dma_start3A_32 = arith.constant 16 : i32
    %dma_start3A_33 = tpu.memref_slice %arg12[%dma_start3A_32] : memref<4032xi32, #tpu.memory_space<vmem>> -> memref<4000xi32, #tpu.memory_space<vmem>>
    %dma_start3A_34 = tpu.memref_slice %arg6[%mul3A_30] : memref<6400000xi32, #tpu.memory_space<hbm>> -> memref<4000xi32, #tpu.memory_space<hbm>>
    %dma_start3A_35 = arith.constant 16 : i32
    %dma_start3A_36 = tpu.memref_slice %arg12[%dma_start3A_35] : memref<4032xi32, #tpu.memory_space<vmem>> -> memref<4000xi32, #tpu.memory_space<vmem>>
    %dma_start3A_37 = tpu.memref_slice %arg6[%mul3A_30] : memref<6400000xi32, #tpu.memory_space<hbm>> -> memref<4000xi32, #tpu.memory_space<hbm>>
    tpu.enqueue_dma source(%dma_start3A_37 : memref<4000xi32, #tpu.memory_space<hbm>>) target(%dma_start3A_36 : memref<4000xi32, #tpu.memory_space<vmem>>) target_semaphore(%arg28 : memref<!tpu.dma_semaphore, #tpu.memory_space<semaphore_mem>>)
    %dma_start3A_38 = tpu.memref_slice %arg3[%mul3A_30] : memref<6400000xf32, #tpu.memory_space<hbm>> -> memref<4000xf32, #tpu.memory_space<hbm>>
    %dma_start3A_39 = tpu.memref_slice %arg3[%mul3A_30] : memref<6400000xf32, #tpu.memory_space<hbm>> -> memref<4000xf32, #tpu.memory_space<hbm>>
    tpu.enqueue_dma source(%dma_start3A_39 : memref<4000xf32, #tpu.memory_space<hbm>>) target(%arg9 : memref<4000xf32, #tpu.memory_space<vmem>>) target_semaphore(%arg28 : memref<!tpu.dma_semaphore, #tpu.memory_space<semaphore_mem>>)
    %dma_start3A_40 = tpu.memref_slice %arg4[%mul3A_30] : memref<6400000xf32, #tpu.memory_space<hbm>> -> memref<4000xf32, #tpu.memory_space<hbm>>
    %dma_start3A_41 = tpu.memref_slice %arg4[%mul3A_30] : memref<6400000xf32, #tpu.memory_space<hbm>> -> memref<4000xf32, #tpu.memory_space<hbm>>
    tpu.enqueue_dma source(%dma_start3A_41 : memref<4000xf32, #tpu.memory_space<hbm>>) target(%arg10 : memref<4000xf32, #tpu.memory_space<vmem>>) target_semaphore(%arg28 : memref<!tpu.dma_semaphore, #tpu.memory_space<semaphore_mem>>)
    %dma_start3A_42 = tpu.memref_slice %arg5[%mul3A_30] : memref<6400000xf32, #tpu.memory_space<hbm>> -> memref<4000xf32, #tpu.memory_space<hbm>>
    %dma_start3A_43 = tpu.memref_slice %arg5[%mul3A_30] : memref<6400000xf32, #tpu.memory_space<hbm>> -> memref<4000xf32, #tpu.memory_space<hbm>>
    tpu.enqueue_dma source(%dma_start3A_43 : memref<4000xf32, #tpu.memory_space<hbm>>) target(%arg11 : memref<4000xf32, #tpu.memory_space<vmem>>) target_semaphore(%arg28 : memref<!tpu.dma_semaphore, #tpu.memory_space<semaphore_mem>>)
    %scan3A_44 = arith.constant 0 : i32
    %scan3A_45 = arith.constant 0 : i32
    %scan3A_46 = arith.constant 25 : i32
    %scan3A_47 = arith.addi %scan3A_45, %scan3A_46 : i32
    %scan3A_48 = arith.constant 1 : i32
    %scan3A_49 = scf.for %scan3A_96 = %scan3A_45 to %scan3A_47 step %scan3A_48 iter_args(%scan3A_97 = %scan3A_44) -> (i32)  : i32 {
      %mul3A_98 = arith.constant 2 : i32
      %mul3A_99 = arith.muli %mul3A_98, %scan3A_96 : i32
      %dma_wait3A = arith.constant 0 : i32
      %dma_wait3A_100 = tpu.memref_slice %arg2[%dma_wait3A] : memref<6400000xf32, #tpu.memory_space<hbm>> -> memref<4000xf32, #tpu.memory_space<hbm>>
      %dma_wait3A_101 = arith.constant 0 : i32
      %dma_wait3A_102 = tpu.memref_slice %arg2[%dma_wait3A_101] : memref<6400000xf32, #tpu.memory_space<hbm>> -> memref<4000xf32, #tpu.memory_space<hbm>>
      tpu.wait_dma2 semaphore(%arg28 : memref<!tpu.dma_semaphore, #tpu.memory_space<semaphore_mem>>) src(%dma_wait3A_102 : memref<4000xf32, #tpu.memory_space<hbm>>) dst(%arg8 : memref<4000xf32, #tpu.memory_space<vmem>>)
      %dma_wait3A_103 = arith.constant 16 : i32
      %dma_wait3A_104 = tpu.memref_slice %arg12[%dma_wait3A_103] : memref<4032xi32, #tpu.memory_space<vmem>> -> memref<4000xi32, #tpu.memory_space<vmem>>
      %dma_wait3A_105 = arith.constant 0 : i32
      %dma_wait3A_106 = tpu.memref_slice %arg6[%dma_wait3A_105] : memref<6400000xi32, #tpu.memory_space<hbm>> -> memref<4000xi32, #tpu.memory_space<hbm>>
      %dma_wait3A_107 = arith.constant 16 : i32
      %dma_wait3A_108 = tpu.memref_slice %arg12[%dma_wait3A_107] : memref<4032xi32, #tpu.memory_space<vmem>> -> memref<4000xi32, #tpu.memory_space<vmem>>
      %dma_wait3A_109 = arith.constant 0 : i32
      %dma_wait3A_110 = tpu.memref_slice %arg6[%dma_wait3A_109] : memref<6400000xi32, #tpu.memory_space<hbm>> -> memref<4000xi32, #tpu.memory_space<hbm>>
      tpu.wait_dma2 semaphore(%arg28 : memref<!tpu.dma_semaphore, #tpu.memory_space<semaphore_mem>>) src(%dma_wait3A_110 : memref<4000xi32, #tpu.memory_space<hbm>>) dst(%dma_wait3A_108 : memref<4000xi32, #tpu.memory_space<vmem>>)
      %dma_wait3A_111 = arith.constant 0 : i32
      %dma_wait3A_112 = tpu.memref_slice %arg3[%dma_wait3A_111] : memref<6400000xf32, #tpu.memory_space<hbm>> -> memref<4000xf32, #tpu.memory_space<hbm>>
      %dma_wait3A_113 = arith.constant 0 : i32
      %dma_wait3A_114 = tpu.memref_slice %arg3[%dma_wait3A_113] : memref<6400000xf32, #tpu.memory_space<hbm>> -> memref<4000xf32, #tpu.memory_space<hbm>>
      tpu.wait_dma2 semaphore(%arg28 : memref<!tpu.dma_semaphore, #tpu.memory_space<semaphore_mem>>) src(%dma_wait3A_114 : memref<4000xf32, #tpu.memory_space<hbm>>) dst(%arg9 : memref<4000xf32, #tpu.memory_space<vmem>>)
      %dma_wait3A_115 = arith.constant 0 : i32
      %dma_wait3A_116 = tpu.memref_slice %arg4[%dma_wait3A_115] : memref<6400000xf32, #tpu.memory_space<hbm>> -> memref<4000xf32, #tpu.memory_space<hbm>>
      %dma_wait3A_117 = arith.constant 0 : i32
      %dma_wait3A_118 = tpu.memref_slice %arg4[%dma_wait3A_117] : memref<6400000xf32, #tpu.memory_space<hbm>> -> memref<4000xf32, #tpu.memory_space<hbm>>
      tpu.wait_dma2 semaphore(%arg28 : memref<!tpu.dma_semaphore, #tpu.memory_space<semaphore_mem>>) src(%dma_wait3A_118 : memref<4000xf32, #tpu.memory_space<hbm>>) dst(%arg10 : memref<4000xf32, #tpu.memory_space<vmem>>)
      %dma_wait3A_119 = arith.constant 0 : i32
      %dma_wait3A_120 = tpu.memref_slice %arg5[%dma_wait3A_119] : memref<6400000xf32, #tpu.memory_space<hbm>> -> memref<4000xf32, #tpu.memory_space<hbm>>
      %dma_wait3A_121 = arith.constant 0 : i32
      %dma_wait3A_122 = tpu.memref_slice %arg5[%dma_wait3A_121] : memref<6400000xf32, #tpu.memory_space<hbm>> -> memref<4000xf32, #tpu.memory_space<hbm>>
      tpu.wait_dma2 semaphore(%arg28 : memref<!tpu.dma_semaphore, #tpu.memory_space<semaphore_mem>>) src(%dma_wait3A_122 : memref<4000xf32, #tpu.memory_space<hbm>>) dst(%arg11 : memref<4000xf32, #tpu.memory_space<vmem>>)
      %add3A_123 = arith.constant 1 : i32
      %add3A_124 = arith.addi %mul3A_99, %add3A_123 : i32
      %lt3A = arith.constant 50 : i32
      %lt3A_125 = arith.cmpi slt, %add3A_124, %lt3A : i32
      %convert_element_type3A = arith.extui %lt3A_125 : i1 to i32
      %cond3A = arith.constant 0 : i32
      %cond3A_126 = arith.cmpi ne, %convert_element_type3A, %cond3A : i32
      scf.if %cond3A_126 {
        %add3A_451 = arith.constant 1 : i32
        %add3A_452 = arith.addi %mul3A_99, %add3A_451 : i32
        %mul3A_453 = arith.constant 32 : i32
        %mul3A_454 = arith.muli %mul3A_453, %add3A_452 : i32
        %add3A_455 = arith.addi %add3A, %mul3A_454 : i32
        %mul3A_456 = arith.constant 4000 : i32
        %mul3A_457 = arith.muli %add3A_455, %mul3A_456 : i32
        %dma_start3A_458 = tpu.memref_slice %arg2[%mul3A_457] : memref<6400000xf32, #tpu.memory_space<hbm>> -> memref<4000xf32, #tpu.memory_space<hbm>>
        %dma_start3A_459 = tpu.memref_slice %arg2[%mul3A_457] : memref<6400000xf32, #tpu.memory_space<hbm>> -> memref<4000xf32, #tpu.memory_space<hbm>>
        tpu.enqueue_dma source(%dma_start3A_459 : memref<4000xf32, #tpu.memory_space<hbm>>) target(%arg13 : memref<4000xf32, #tpu.memory_space<vmem>>) target_semaphore(%arg28 : memref<!tpu.dma_semaphore, #tpu.memory_space<semaphore_mem>>)
        %dma_start3A_460 = arith.constant 16 : i32
        %dma_start3A_461 = tpu.memref_slice %arg17[%dma_start3A_460] : memref<4032xi32, #tpu.memory_space<vmem>> -> memref<4000xi32, #tpu.memory_space<vmem>>
        %dma_start3A_462 = tpu.memref_slice %arg6[%mul3A_457] : memref<6400000xi32, #tpu.memory_space<hbm>> -> memref<4000xi32, #tpu.memory_space<hbm>>
        %dma_start3A_463 = arith.constant 16 : i32
        %dma_start3A_464 = tpu.memref_slice %arg17[%dma_start3A_463] : memref<4032xi32, #tpu.memory_space<vmem>> -> memref<4000xi32, #tpu.memory_space<vmem>>
        %dma_start3A_465 = tpu.memref_slice %arg6[%mul3A_457] : memref<6400000xi32, #tpu.memory_space<hbm>> -> memref<4000xi32, #tpu.memory_space<hbm>>
        tpu.enqueue_dma source(%dma_start3A_465 : memref<4000xi32, #tpu.memory_space<hbm>>) target(%dma_start3A_464 : memref<4000xi32, #tpu.memory_space<vmem>>) target_semaphore(%arg28 : memref<!tpu.dma_semaphore, #tpu.memory_space<semaphore_mem>>)
        %dma_start3A_466 = tpu.memref_slice %arg3[%mul3A_457] : memref<6400000xf32, #tpu.memory_space<hbm>> -> memref<4000xf32, #tpu.memory_space<hbm>>
        %dma_start3A_467 = tpu.memref_slice %arg3[%mul3A_457] : memref<6400000xf32, #tpu.memory_space<hbm>> -> memref<4000xf32, #tpu.memory_space<hbm>>
        tpu.enqueue_dma source(%dma_start3A_467 : memref<4000xf32, #tpu.memory_space<hbm>>) target(%arg14 : memref<4000xf32, #tpu.memory_space<vmem>>) target_semaphore(%arg28 : memref<!tpu.dma_semaphore, #tpu.memory_space<semaphore_mem>>)
        %dma_start3A_468 = tpu.memref_slice %arg4[%mul3A_457] : memref<6400000xf32, #tpu.memory_space<hbm>> -> memref<4000xf32, #tpu.memory_space<hbm>>
        %dma_start3A_469 = tpu.memref_slice %arg4[%mul3A_457] : memref<6400000xf32, #tpu.memory_space<hbm>> -> memref<4000xf32, #tpu.memory_space<hbm>>
        tpu.enqueue_dma source(%dma_start3A_469 : memref<4000xf32, #tpu.memory_space<hbm>>) target(%arg15 : memref<4000xf32, #tpu.memory_space<vmem>>) target_semaphore(%arg28 : memref<!tpu.dma_semaphore, #tpu.memory_space<semaphore_mem>>)
        %dma_start3A_470 = tpu.memref_slice %arg5[%mul3A_457] : memref<6400000xf32, #tpu.memory_space<hbm>> -> memref<4000xf32, #tpu.memory_space<hbm>>
        %dma_start3A_471 = tpu.memref_slice %arg5[%mul3A_457] : memref<6400000xf32, #tpu.memory_space<hbm>> -> memref<4000xf32, #tpu.memory_space<hbm>>
        tpu.enqueue_dma source(%dma_start3A_471 : memref<4000xf32, #tpu.memory_space<hbm>>) target(%arg16 : memref<4000xf32, #tpu.memory_space<vmem>>) target_semaphore(%arg28 : memref<!tpu.dma_semaphore, #tpu.memory_space<semaphore_mem>>)
      } else {
      }
      %while3A_127 = arith.constant 0 : i32
      %while3A_128 = arith.constant 0 : i32
      %while3A_129 = arith.subi %scan3A_97, %while3A_127 : i32
      %while3A_130 = arith.addi %while3A_127, %while3A_129 : i32
      %while3A_131 = arith.constant 1 : i32
      %while3A_132 = arith.divsi %while3A_129, %while3A_131 : i32
      %while3A_133 = arith.muli %while3A_132, %while3A_131 : i32
      %while3A_134 = arith.addi %while3A_127, %while3A_133 : i32
      %while3A_135 = arith.constant 1 : i32
      %while3A_136 = scf.for %while3A_451 = %while3A_127 to %while3A_134 step %while3A_135 iter_args(%while3A_452 = %while3A_128) -> (i32)  : i32 {
        %mul3A_453 = arith.constant 128 : i32
        %mul3A_454 = arith.muli %while3A_451, %mul3A_453 : i32
        %mul3A_455 = arith.constant 128 : i32
        %mul3A_456 = arith.muli %while3A_451, %mul3A_455 : i32
        %dma_wait3A_457 = tpu.memref_slice %arg20[%mul3A_454] : memref<4160xf32, #tpu.memory_space<vmem>> -> memref<128xf32, #tpu.memory_space<vmem>>
        %dma_wait3A_458 = tpu.memref_slice %arg19[%mul3A_456] : memref<4160xi32, #tpu.memory_space<vmem>> -> memref<128xi32, #tpu.memory_space<vmem>>
        %dma_wait3A_459 = arith.constant 0 : i32
        %dma_wait3A_460 = tpu.memref_slice %arg24[%dma_wait3A_459] : memref<106496xf32, #tpu.memory_space<vmem_shared>> -> memref<106496xf32, #tpu.memory_space<vmem_shared>>
        tpu.wait_indirect_dma semaphore(%arg27 : memref<!tpu.dma_semaphore, #tpu.memory_space<semaphore_mem>>) src(%dma_wait3A_457 : memref<128xf32, #tpu.memory_space<vmem>>) dst(%dma_wait3A_460 : memref<106496xf32, #tpu.memory_space<vmem_shared>>)
        %mul3A_461 = arith.constant 128 : i32
        %mul3A_462 = arith.muli %while3A_451, %mul3A_461 : i32
        %mul3A_463 = arith.constant 128 : i32
        %mul3A_464 = arith.muli %while3A_451, %mul3A_463 : i32
        %dma_wait3A_465 = tpu.memref_slice %arg21[%mul3A_462] : memref<4160xf32, #tpu.memory_space<vmem>> -> memref<128xf32, #tpu.memory_space<vmem>>
        %dma_wait3A_466 = tpu.memref_slice %arg19[%mul3A_464] : memref<4160xi32, #tpu.memory_space<vmem>> -> memref<128xi32, #tpu.memory_space<vmem>>
        %dma_wait3A_467 = arith.constant 0 : i32
        %dma_wait3A_468 = tpu.memref_slice %arg25[%dma_wait3A_467] : memref<106496xf32, #tpu.memory_space<vmem_shared>> -> memref<106496xf32, #tpu.memory_space<vmem_shared>>
        tpu.wait_indirect_dma semaphore(%arg27 : memref<!tpu.dma_semaphore, #tpu.memory_space<semaphore_mem>>) src(%dma_wait3A_465 : memref<128xf32, #tpu.memory_space<vmem>>) dst(%dma_wait3A_468 : memref<106496xf32, #tpu.memory_space<vmem_shared>>)
        %mul3A_469 = arith.constant 128 : i32
        %mul3A_470 = arith.muli %while3A_451, %mul3A_469 : i32
        %mul3A_471 = arith.constant 128 : i32
        %mul3A_472 = arith.muli %while3A_451, %mul3A_471 : i32
        %dma_wait3A_473 = tpu.memref_slice %arg22[%mul3A_470] : memref<4160xf32, #tpu.memory_space<vmem>> -> memref<128xf32, #tpu.memory_space<vmem>>
        %dma_wait3A_474 = tpu.memref_slice %arg19[%mul3A_472] : memref<4160xi32, #tpu.memory_space<vmem>> -> memref<128xi32, #tpu.memory_space<vmem>>
        %dma_wait3A_475 = arith.constant 0 : i32
        %dma_wait3A_476 = tpu.memref_slice %arg26[%dma_wait3A_475] : memref<106496xf32, #tpu.memory_space<vmem_shared>> -> memref<106496xf32, #tpu.memory_space<vmem_shared>>
        tpu.wait_indirect_dma semaphore(%arg27 : memref<!tpu.dma_semaphore, #tpu.memory_space<semaphore_mem>>) src(%dma_wait3A_473 : memref<128xf32, #tpu.memory_space<vmem>>) dst(%dma_wait3A_476 : memref<106496xf32, #tpu.memory_space<vmem_shared>>)
        %while3A_477 = arith.constant 0 : i32
        scf.yield %while3A_477 : i32
      }
      %while3A_137 = arith.constant 1 : i32
      %while3A_138 = scf.for %while3A_451 = %while3A_134 to %while3A_130 step %while3A_137 iter_args(%while3A_452 = %while3A_136) -> (i32)  : i32 {
        %mul3A_453 = arith.constant 128 : i32
        %mul3A_454 = arith.muli %while3A_451, %mul3A_453 : i32
        %mul3A_455 = arith.constant 128 : i32
        %mul3A_456 = arith.muli %while3A_451, %mul3A_455 : i32
        %dma_wait3A_457 = tpu.memref_slice %arg20[%mul3A_454] : memref<4160xf32, #tpu.memory_space<vmem>> -> memref<128xf32, #tpu.memory_space<vmem>>
        %dma_wait3A_458 = tpu.memref_slice %arg19[%mul3A_456] : memref<4160xi32, #tpu.memory_space<vmem>> -> memref<128xi32, #tpu.memory_space<vmem>>
        %dma_wait3A_459 = arith.constant 0 : i32
        %dma_wait3A_460 = tpu.memref_slice %arg24[%dma_wait3A_459] : memref<106496xf32, #tpu.memory_space<vmem_shared>> -> memref<106496xf32, #tpu.memory_space<vmem_shared>>
        tpu.wait_indirect_dma semaphore(%arg27 : memref<!tpu.dma_semaphore, #tpu.memory_space<semaphore_mem>>) src(%dma_wait3A_457 : memref<128xf32, #tpu.memory_space<vmem>>) dst(%dma_wait3A_460 : memref<106496xf32, #tpu.memory_space<vmem_shared>>)
        %mul3A_461 = arith.constant 128 : i32
        %mul3A_462 = arith.muli %while3A_451, %mul3A_461 : i32
        %mul3A_463 = arith.constant 128 : i32
        %mul3A_464 = arith.muli %while3A_451, %mul3A_463 : i32
        %dma_wait3A_465 = tpu.memref_slice %arg21[%mul3A_462] : memref<4160xf32, #tpu.memory_space<vmem>> -> memref<128xf32, #tpu.memory_space<vmem>>
        %dma_wait3A_466 = tpu.memref_slice %arg19[%mul3A_464] : memref<4160xi32, #tpu.memory_space<vmem>> -> memref<128xi32, #tpu.memory_space<vmem>>
        %dma_wait3A_467 = arith.constant 0 : i32
        %dma_wait3A_468 = tpu.memref_slice %arg25[%dma_wait3A_467] : memref<106496xf32, #tpu.memory_space<vmem_shared>> -> memref<106496xf32, #tpu.memory_space<vmem_shared>>
        tpu.wait_indirect_dma semaphore(%arg27 : memref<!tpu.dma_semaphore, #tpu.memory_space<semaphore_mem>>) src(%dma_wait3A_465 : memref<128xf32, #tpu.memory_space<vmem>>) dst(%dma_wait3A_468 : memref<106496xf32, #tpu.memory_space<vmem_shared>>)
        %mul3A_469 = arith.constant 128 : i32
        %mul3A_470 = arith.muli %while3A_451, %mul3A_469 : i32
        %mul3A_471 = arith.constant 128 : i32
        %mul3A_472 = arith.muli %while3A_451, %mul3A_471 : i32
        %dma_wait3A_473 = tpu.memref_slice %arg22[%mul3A_470] : memref<4160xf32, #tpu.memory_space<vmem>> -> memref<128xf32, #tpu.memory_space<vmem>>
        %dma_wait3A_474 = tpu.memref_slice %arg19[%mul3A_472] : memref<4160xi32, #tpu.memory_space<vmem>> -> memref<128xi32, #tpu.memory_space<vmem>>
        %dma_wait3A_475 = arith.constant 0 : i32
        %dma_wait3A_476 = tpu.memref_slice %arg26[%dma_wait3A_475] : memref<106496xf32, #tpu.memory_space<vmem_shared>> -> memref<106496xf32, #tpu.memory_space<vmem_shared>>
        tpu.wait_indirect_dma semaphore(%arg27 : memref<!tpu.dma_semaphore, #tpu.memory_space<semaphore_mem>>) src(%dma_wait3A_473 : memref<128xf32, #tpu.memory_space<vmem>>) dst(%dma_wait3A_476 : memref<106496xf32, #tpu.memory_space<vmem_shared>>)
        %while3A_477 = arith.constant 0 : i32
        scf.yield %while3A_477 : i32
      }
      %parallel_loop3A = arith.constant 0 : i32
      %parallel_loop3A_139 = arith.constant 250 : i32
      %parallel_loop3A_140 = arith.constant 1 : i32
      %parallel_loop3A_141 = scf.for %parallel_loop3A_451 = %parallel_loop3A to %parallel_loop3A_139 step %parallel_loop3A_140 iter_args(%parallel_loop3A_452 = %broadcast_in_dim3A_3) -> (vector<16xi32>)  : i32 {
        %parallel_loop3A_453 = arith.constant 16 : i32
        %parallel_loop3A_454 = arith.muli %parallel_loop3A_451, %parallel_loop3A_453 : i32
        %parallel_loop3A_455 = arith.constant 48 : i32
        %parallel_loop3A_456 = arith.muli %parallel_loop3A_451, %parallel_loop3A_455 : i32
        %parallel_loop3A_457 = arith.index_cast %parallel_loop3A_454 : i32 to index
        %parallel_loop3A_458 = tpu.vector_load %arg8[%parallel_loop3A_457] {strides = array<i32>} : memref<4000xf32, #tpu.memory_space<vmem>>, vector<16xf32>,
        %parallel_loop3A_459 = arith.constant 16 : i32
        %parallel_loop3A_460 = arith.addi %parallel_loop3A_454, %parallel_loop3A_459 : i32
        %parallel_loop3A_461 = arith.index_cast %parallel_loop3A_460 : i32 to index
        %parallel_loop3A_462 = tpu.vector_load %arg12[%parallel_loop3A_461] {strides = array<i32>} : memref<4032xi32, #tpu.memory_space<vmem>>, vector<16xi32>,
        %parallel_loop3A_463 = arith.constant 17 : i32
        %parallel_loop3A_464 = arith.addi %parallel_loop3A_454, %parallel_loop3A_463 : i32
        %parallel_loop3A_465 = vector.broadcast %parallel_loop3A_464 : i32 to vector<16xi32>
        %parallel_loop3A_466 = arith.addi %iota3A, %parallel_loop3A_465 : vector<16xi32>
        %parallel_loop3A_467 = tpu.vector_load_idx %arg12[%parallel_loop3A_466] : memref<4032xi32, #tpu.memory_space<vmem>>[vector<16xi32>], vector<16xi32>,
        %parallel_loop3A_468 = arith.constant 15 : i32
        %parallel_loop3A_469 = arith.addi %parallel_loop3A_454, %parallel_loop3A_468 : i32
        %parallel_loop3A_470 = vector.broadcast %parallel_loop3A_469 : i32 to vector<16xi32>
        %parallel_loop3A_471 = arith.addi %iota3A, %parallel_loop3A_470 : vector<16xi32>
        %parallel_loop3A_472 = tpu.vector_load_idx %arg12[%parallel_loop3A_471] : memref<4032xi32, #tpu.memory_space<vmem>>[vector<16xi32>], vector<16xi32>,
        %parallel_loop3A_473 = arith.cmpi ne, %parallel_loop3A_462, %parallel_loop3A_467 : vector<16xi32>
        %parallel_loop3A_474 = arith.constant 15 : i32
        %parallel_loop3A_475 = vector.broadcast %parallel_loop3A_474 : i32 to vector<16xi32>
        %parallel_loop3A_476 = arith.cmpi eq, %iota3A, %parallel_loop3A_475 : vector<16xi32>
        %parallel_loop3A_477 = arith.ori %parallel_loop3A_473, %parallel_loop3A_476 : vector<16xi1>
        %parallel_loop3A_478 = arith.cmpi ne, %parallel_loop3A_462, %parallel_loop3A_472 : vector<16xi32>
        %parallel_loop3A_479 = arith.constant 1 : i32
        %parallel_loop3A_480 = arith.constant 0 : i32
        %parallel_loop3A_481 = vector.broadcast %parallel_loop3A_479 : i32 to vector<16xi32>
        %parallel_loop3A_482 = vector.broadcast %parallel_loop3A_480 : i32 to vector<16xi32>
        %parallel_loop3A_483 = arith.select %parallel_loop3A_477, %parallel_loop3A_481, %parallel_loop3A_482 : vector<16xi1>, vector<16xi32>
        %parallel_loop3A_484 = arith.constant true
        %parallel_loop3A_485 = vector.broadcast %parallel_loop3A_484 : i1 to vector<16xi1>
        %parallel_loop3A_486 = tpu.scan <sum>, %parallel_loop3A_483 masked %parallel_loop3A_485 : vector<16xi32>, vector<16xi1> -> vector<16xi32>
        %parallel_loop3A_487 = arith.constant 1 : i32
        %parallel_loop3A_488 = vector.broadcast %parallel_loop3A_487 : i32 to vector<16xi32>
        %parallel_loop3A_489 = arith.subi %iota3A, %parallel_loop3A_488 : vector<16xi32>
        %parallel_loop3A_490 = arith.constant -1 : i32
        %parallel_loop3A_491 = vector.broadcast %parallel_loop3A_490 : i32 to vector<16xi32>
        %parallel_loop3A_492 = arith.select %parallel_loop3A_478, %parallel_loop3A_489, %parallel_loop3A_491 : vector<16xi1>, vector<16xi32>
        %parallel_loop3A_493 = arith.constant true
        %parallel_loop3A_494 = vector.broadcast %parallel_loop3A_493 : i1 to vector<16xi1>
        %parallel_loop3A_495 = arith.constant -2147483648 : i32
        %parallel_loop3A_496 = vector.broadcast %parallel_loop3A_495 : i32 to vector<16xi32>
        %parallel_loop3A_497 = arith.xori %parallel_loop3A_492, %parallel_loop3A_496 : vector<16xi32>
        %parallel_loop3A_498 = tpu.scan <max>, %parallel_loop3A_497 masked %parallel_loop3A_494 : vector<16xi32>, vector<16xi1> -> vector<16xi32>
        %parallel_loop3A_499 = arith.xori %parallel_loop3A_498, %parallel_loop3A_496 : vector<16xi32>
        %parallel_loop3A_500 = arith.constant 0 : i32
        %parallel_loop3A_501 = vector.broadcast %parallel_loop3A_500 : i32 to vector<16xi32>
        %parallel_loop3A_502 = arith.cmpi sge, %parallel_loop3A_499, %parallel_loop3A_501 : vector<16xi32>
        %parallel_loop3A_503 = arith.constant 0 : i32
        %parallel_loop3A_504 = vector.broadcast %parallel_loop3A_503 : i32 to vector<16xi32>
        %parallel_loop3A_505 = arith.maxsi %parallel_loop3A_499, %parallel_loop3A_504 : vector<16xi32>
        %parallel_loop3A_506 = vector.broadcast %parallel_loop3A_456 : i32 to vector<16xi32>
        %parallel_loop3A_507 = arith.addi %parallel_loop3A_505, %parallel_loop3A_506 : vector<16xi32>
        %parallel_loop3A_508 = arith.index_cast %parallel_loop3A_454 : i32 to index
        %parallel_loop3A_509 = tpu.vector_load %arg9[%parallel_loop3A_508] {strides = array<i32>} : memref<4000xf32, #tpu.memory_space<vmem>>, vector<16xf32>,
        %parallel_loop3A_510 = arith.mulf %parallel_loop3A_458, %parallel_loop3A_509 : vector<16xf32>
        %parallel_loop3A_511 = arith.constant true
        %parallel_loop3A_512 = vector.broadcast %parallel_loop3A_511 : i1 to vector<16xi1>
        %parallel_loop3A_513 = tpu.scan <sum>, %parallel_loop3A_510 masked %parallel_loop3A_512 : vector<16xf32>, vector<16xi1> -> vector<16xf32>
        %parallel_loop3A_514 = arith.constant 0 : i32
        %parallel_loop3A_515 = arith.addi %parallel_loop3A_456, %parallel_loop3A_514 : i32
        %parallel_loop3A_516 = arith.index_cast %parallel_loop3A_515 : i32 to index
        %parallel_loop3A_517 = tpu.vector_load %arg18[%parallel_loop3A_516] {strides = array<i32>} : memref<12000xf32, #tpu.memory_space<vmem>>, vector<16xf32>,
        tpu.vector_store %arg18[%parallel_loop3A_516], %parallel_loop3A_513 {strides = array<i32>} : memref<12000xf32, #tpu.memory_space<vmem>>, vector<16xf32>,
        %parallel_loop3A_518 = arith.constant 0 : i32
        %parallel_loop3A_519 = vector.broadcast %parallel_loop3A_518 : i32 to vector<16xi32>
        %parallel_loop3A_520 = arith.addi %parallel_loop3A_507, %parallel_loop3A_519 : vector<16xi32>
        %parallel_loop3A_521 = tpu.vector_load_idx %arg18[%parallel_loop3A_520] : memref<12000xf32, #tpu.memory_space<vmem>>[vector<16xi32>], vector<16xf32>,
        %parallel_loop3A_522 = arith.constant 0.000000e+00 : f32
        %parallel_loop3A_523 = vector.broadcast %parallel_loop3A_522 : f32 to vector<16xf32>
        %parallel_loop3A_524 = arith.select %parallel_loop3A_502, %parallel_loop3A_521, %parallel_loop3A_523 : vector<16xi1>, vector<16xf32>
        %parallel_loop3A_525 = arith.subf %parallel_loop3A_513, %parallel_loop3A_524 : vector<16xf32>
        %parallel_loop3A_526 = arith.index_cast %parallel_loop3A_454 : i32 to index
        %parallel_loop3A_527 = tpu.vector_load %arg10[%parallel_loop3A_526] {strides = array<i32>} : memref<4000xf32, #tpu.memory_space<vmem>>, vector<16xf32>,
        %parallel_loop3A_528 = arith.mulf %parallel_loop3A_458, %parallel_loop3A_527 : vector<16xf32>
        %parallel_loop3A_529 = arith.constant true
        %parallel_loop3A_530 = vector.broadcast %parallel_loop3A_529 : i1 to vector<16xi1>
        %parallel_loop3A_531 = tpu.scan <sum>, %parallel_loop3A_528 masked %parallel_loop3A_530 : vector<16xf32>, vector<16xi1> -> vector<16xf32>
        %parallel_loop3A_532 = arith.constant 16 : i32
        %parallel_loop3A_533 = arith.addi %parallel_loop3A_456, %parallel_loop3A_532 : i32
        %parallel_loop3A_534 = arith.index_cast %parallel_loop3A_533 : i32 to index
        %parallel_loop3A_535 = tpu.vector_load %arg18[%parallel_loop3A_534] {strides = array<i32>} : memref<12000xf32, #tpu.memory_space<vmem>>, vector<16xf32>,
        tpu.vector_store %arg18[%parallel_loop3A_534], %parallel_loop3A_531 {strides = array<i32>} : memref<12000xf32, #tpu.memory_space<vmem>>, vector<16xf32>,
        %parallel_loop3A_536 = arith.constant 16 : i32
        %parallel_loop3A_537 = vector.broadcast %parallel_loop3A_536 : i32 to vector<16xi32>
        %parallel_loop3A_538 = arith.addi %parallel_loop3A_507, %parallel_loop3A_537 : vector<16xi32>
        %parallel_loop3A_539 = tpu.vector_load_idx %arg18[%parallel_loop3A_538] : memref<12000xf32, #tpu.memory_space<vmem>>[vector<16xi32>], vector<16xf32>,
        %parallel_loop3A_540 = arith.constant 0.000000e+00 : f32
        %parallel_loop3A_541 = vector.broadcast %parallel_loop3A_540 : f32 to vector<16xf32>
        %parallel_loop3A_542 = arith.select %parallel_loop3A_502, %parallel_loop3A_539, %parallel_loop3A_541 : vector<16xi1>, vector<16xf32>
        %parallel_loop3A_543 = arith.subf %parallel_loop3A_531, %parallel_loop3A_542 : vector<16xf32>
        %parallel_loop3A_544 = arith.index_cast %parallel_loop3A_454 : i32 to index
        %parallel_loop3A_545 = tpu.vector_load %arg11[%parallel_loop3A_544] {strides = array<i32>} : memref<4000xf32, #tpu.memory_space<vmem>>, vector<16xf32>,
        %parallel_loop3A_546 = arith.mulf %parallel_loop3A_458, %parallel_loop3A_545 : vector<16xf32>
        %parallel_loop3A_547 = arith.constant true
        %parallel_loop3A_548 = vector.broadcast %parallel_loop3A_547 : i1 to vector<16xi1>
        %parallel_loop3A_549 = tpu.scan <sum>, %parallel_loop3A_546 masked %parallel_loop3A_548 : vector<16xf32>, vector<16xi1> -> vector<16xf32>
        %parallel_loop3A_550 = arith.constant 32 : i32
        %parallel_loop3A_551 = arith.addi %parallel_loop3A_456, %parallel_loop3A_550 : i32
        %parallel_loop3A_552 = arith.index_cast %parallel_loop3A_551 : i32 to index
        %parallel_loop3A_553 = tpu.vector_load %arg18[%parallel_loop3A_552] {strides = array<i32>} : memref<12000xf32, #tpu.memory_space<vmem>>, vector<16xf32>,
        tpu.vector_store %arg18[%parallel_loop3A_552], %parallel_loop3A_549 {strides = array<i32>} : memref<12000xf32, #tpu.memory_space<vmem>>, vector<16xf32>,
        %parallel_loop3A_554 = arith.constant 32 : i32
        %parallel_loop3A_555 = vector.broadcast %parallel_loop3A_554 : i32 to vector<16xi32>
        %parallel_loop3A_556 = arith.addi %parallel_loop3A_507, %parallel_loop3A_555 : vector<16xi32>
        %parallel_loop3A_557 = tpu.vector_load_idx %arg18[%parallel_loop3A_556] : memref<12000xf32, #tpu.memory_space<vmem>>[vector<16xi32>], vector<16xf32>,
        %parallel_loop3A_558 = arith.constant 0.000000e+00 : f32
        %parallel_loop3A_559 = vector.broadcast %parallel_loop3A_558 : f32 to vector<16xf32>
        %parallel_loop3A_560 = arith.select %parallel_loop3A_502, %parallel_loop3A_557, %parallel_loop3A_559 : vector<16xi1>, vector<16xf32>
        %parallel_loop3A_561 = arith.subf %parallel_loop3A_549, %parallel_loop3A_560 : vector<16xf32>
        %parallel_loop3A_562 = arith.addi %parallel_loop3A_452, %parallel_loop3A_486 : vector<16xi32>
        tpu.vector_store_idx %arg19[%parallel_loop3A_562], %parallel_loop3A_462 masked %parallel_loop3A_477 : memref<4160xi32, #tpu.memory_space<vmem>>[vector<16xi32>], vector<16xi32>, vector<16xi1>
        tpu.vector_store_idx %arg20[%parallel_loop3A_562], %parallel_loop3A_525 masked %parallel_loop3A_477 : memref<4160xf32, #tpu.memory_space<vmem>>[vector<16xi32>], vector<16xf32>, vector<16xi1>
        tpu.vector_store_idx %arg21[%parallel_loop3A_562], %parallel_loop3A_543 masked %parallel_loop3A_477 : memref<4160xf32, #tpu.memory_space<vmem>>[vector<16xi32>], vector<16xf32>, vector<16xi1>
        tpu.vector_store_idx %arg22[%parallel_loop3A_562], %parallel_loop3A_561 masked %parallel_loop3A_477 : memref<4160xf32, #tpu.memory_space<vmem>>[vector<16xi32>], vector<16xf32>, vector<16xi1>
        %parallel_loop3A_563 = tpu.all_reduce %parallel_loop3A_477 {dim = 0 : i64, kind = #tpu.reduction_kind<sum>} : vector<16xi1> -> vector<16xi32>
        %parallel_loop3A_564 = arith.addi %parallel_loop3A_452, %parallel_loop3A_563 : vector<16xi32>
        scf.yield %parallel_loop3A_564 : vector<16xi32>
      } {sc.loop_unroll_factor = 5 : i64, sc.parallel_access}
      %reduce_max3A = arith.constant true
      %reduce_max3A_142 = vector.broadcast %reduce_max3A : i1 to vector<16xi1>
      %reduce_max3A_143 = arith.constant -2147483648 : i32
      %reduce_max3A_144 = vector.broadcast %reduce_max3A_143 : i32 to vector<16xi32>
      %reduce_max3A_145 = arith.xori %parallel_loop3A_141, %reduce_max3A_144 : vector<16xi32>
      %reduce_max3A_146 = tpu.scan <max>, %reduce_max3A_145 masked %reduce_max3A_142 : vector<16xi32>, vector<16xi1> -> vector<16xi32>
      %reduce_max3A_147 = arith.xori %reduce_max3A_146, %reduce_max3A_144 : vector<16xi32>
      %reduce_max3A_148 = vector.extract %reduce_max3A_147[15] : i32 from vector<16xi32>
      %add3A_149 = arith.constant 1 : i32
      %add3A_150 = arith.addi %reduce_max3A_148, %add3A_149 : i32
      %jit3A = arith.constant 16 : i32
      %div3A = arith.divsi %add3A_150, %jit3A : i32
      %sign3A = arith.constant 0 : i32
      %sign3A_151 = arith.cmpi sgt, %add3A_150, %sign3A : i32
      %sign3A_152 = arith.extui %sign3A_151 : i1 to i32
      %sign3A_153 = arith.constant 0 : i32
      %sign3A_154 = arith.cmpi slt, %add3A_150, %sign3A_153 : i32
      %sign3A_155 = arith.extui %sign3A_154 : i1 to i32
      %sign3A_156 = arith.subi %sign3A_152, %sign3A_155 : i32
      %sign3A_157 = arith.constant 0 : i32
      %sign3A_158 = arith.cmpi sgt, %jit3A, %sign3A_157 : i32
      %sign3A_159 = arith.extui %sign3A_158 : i1 to i32
      %sign3A_160 = arith.constant 0 : i32
      %sign3A_161 = arith.cmpi slt, %jit3A, %sign3A_160 : i32
      %sign3A_162 = arith.extui %sign3A_161 : i1 to i32
      %sign3A_163 = arith.subi %sign3A_159, %sign3A_162 : i32
      %ne3A = arith.cmpi ne, %sign3A_156, %sign3A_163 : i32
      %rem3A = arith.remsi %add3A_150, %jit3A : i32
      %ne3A_164 = arith.constant 0 : i32
      %ne3A_165 = arith.cmpi ne, %rem3A, %ne3A_164 : i32
      %and3A = arith.andi %ne3A, %ne3A_165 : i1
      %sub3A = arith.constant 1 : i32
      %sub3A_166 = arith.subi %div3A, %sub3A : i32
      %select_n3A = arith.select %and3A, %sub3A_166, %div3A : i32
      %mul3A_167 = arith.constant 16 : i32
      %mul3A_168 = arith.muli %select_n3A, %mul3A_167 : i32
      %add3A_169 = arith.constant 0 : i32
      %add3A_170 = arith.addi %mul3A_168, %add3A_169 : i32
      %add3A_171 = vector.broadcast %add3A_170 : i32 to vector<16xi32>
      %add3A_172 = arith.addi %add3A_171, %iota3A : vector<16xi32>
      %ge3A = vector.broadcast %add3A_150 : i32 to vector<16xi32>
      %ge3A_173 = arith.cmpi sge, %add3A_172, %ge3A : vector<16xi32>
      tpu.vector_store_idx %arg19[%add3A_172], %add3A_28 masked %ge3A_173 : memref<4160xi32, #tpu.memory_space<vmem>>[vector<16xi32>], vector<16xi32>, vector<16xi1>
      %add3A_174 = arith.constant 16 : i32
      %add3A_175 = arith.addi %mul3A_168, %add3A_174 : i32
      %add3A_176 = vector.broadcast %add3A_175 : i32 to vector<16xi32>
      %add3A_177 = arith.addi %add3A_176, %iota3A : vector<16xi32>
      %ge3A_178 = vector.broadcast %add3A_150 : i32 to vector<16xi32>
      %ge3A_179 = arith.cmpi sge, %add3A_177, %ge3A_178 : vector<16xi32>
      tpu.vector_store_idx %arg19[%add3A_177], %add3A_28 masked %ge3A_179 : memref<4160xi32, #tpu.memory_space<vmem>>[vector<16xi32>], vector<16xi32>, vector<16xi1>
      %add3A_180 = arith.constant 32 : i32
      %add3A_181 = arith.addi %mul3A_168, %add3A_180 : i32
      %add3A_182 = vector.broadcast %add3A_181 : i32 to vector<16xi32>
      %add3A_183 = arith.addi %add3A_182, %iota3A : vector<16xi32>
      %ge3A_184 = vector.broadcast %add3A_150 : i32 to vector<16xi32>
      %ge3A_185 = arith.cmpi sge, %add3A_183, %ge3A_184 : vector<16xi32>
      tpu.vector_store_idx %arg19[%add3A_183], %add3A_28 masked %ge3A_185 : memref<4160xi32, #tpu.memory_space<vmem>>[vector<16xi32>], vector<16xi32>, vector<16xi1>
      %add3A_186 = arith.constant 48 : i32
      %add3A_187 = arith.addi %mul3A_168, %add3A_186 : i32
      %add3A_188 = vector.broadcast %add3A_187 : i32 to vector<16xi32>
      %add3A_189 = arith.addi %add3A_188, %iota3A : vector<16xi32>
      %ge3A_190 = vector.broadcast %add3A_150 : i32 to vector<16xi32>
      %ge3A_191 = arith.cmpi sge, %add3A_189, %ge3A_190 : vector<16xi32>
      tpu.vector_store_idx %arg19[%add3A_189], %add3A_28 masked %ge3A_191 : memref<4160xi32, #tpu.memory_space<vmem>>[vector<16xi32>], vector<16xi32>, vector<16xi1>
      %add3A_192 = arith.constant 64 : i32
      %add3A_193 = arith.addi %mul3A_168, %add3A_192 : i32
      %add3A_194 = vector.broadcast %add3A_193 : i32 to vector<16xi32>
      %add3A_195 = arith.addi %add3A_194, %iota3A : vector<16xi32>
      %ge3A_196 = vector.broadcast %add3A_150 : i32 to vector<16xi32>
      %ge3A_197 = arith.cmpi sge, %add3A_195, %ge3A_196 : vector<16xi32>
      tpu.vector_store_idx %arg19[%add3A_195], %add3A_28 masked %ge3A_197 : memref<4160xi32, #tpu.memory_space<vmem>>[vector<16xi32>], vector<16xi32>, vector<16xi1>
      %add3A_198 = arith.constant 80 : i32
      %add3A_199 = arith.addi %mul3A_168, %add3A_198 : i32
      %add3A_200 = vector.broadcast %add3A_199 : i32 to vector<16xi32>
      %add3A_201 = arith.addi %add3A_200, %iota3A : vector<16xi32>
      %ge3A_202 = vector.broadcast %add3A_150 : i32 to vector<16xi32>
      %ge3A_203 = arith.cmpi sge, %add3A_201, %ge3A_202 : vector<16xi32>
      tpu.vector_store_idx %arg19[%add3A_201], %add3A_28 masked %ge3A_203 : memref<4160xi32, #tpu.memory_space<vmem>>[vector<16xi32>], vector<16xi32>, vector<16xi1>
      %add3A_204 = arith.constant 96 : i32
      %add3A_205 = arith.addi %mul3A_168, %add3A_204 : i32
      %add3A_206 = vector.broadcast %add3A_205 : i32 to vector<16xi32>
      %add3A_207 = arith.addi %add3A_206, %iota3A : vector<16xi32>
      %ge3A_208 = vector.broadcast %add3A_150 : i32 to vector<16xi32>
      %ge3A_209 = arith.cmpi sge, %add3A_207, %ge3A_208 : vector<16xi32>
      tpu.vector_store_idx %arg19[%add3A_207], %add3A_28 masked %ge3A_209 : memref<4160xi32, #tpu.memory_space<vmem>>[vector<16xi32>], vector<16xi32>, vector<16xi1>
      %add3A_210 = arith.constant 112 : i32
      %add3A_211 = arith.addi %mul3A_168, %add3A_210 : i32
      %add3A_212 = vector.broadcast %add3A_211 : i32 to vector<16xi32>
      %add3A_213 = arith.addi %add3A_212, %iota3A : vector<16xi32>
      %ge3A_214 = vector.broadcast %add3A_150 : i32 to vector<16xi32>
      %ge3A_215 = arith.cmpi sge, %add3A_213, %ge3A_214 : vector<16xi32>
      tpu.vector_store_idx %arg19[%add3A_213], %add3A_28 masked %ge3A_215 : memref<4160xi32, #tpu.memory_space<vmem>>[vector<16xi32>], vector<16xi32>, vector<16xi1>
      %add3A_216 = arith.constant 128 : i32
      %add3A_217 = arith.addi %mul3A_168, %add3A_216 : i32
      %add3A_218 = vector.broadcast %add3A_217 : i32 to vector<16xi32>
      %add3A_219 = arith.addi %add3A_218, %iota3A : vector<16xi32>
      %ge3A_220 = vector.broadcast %add3A_150 : i32 to vector<16xi32>
      %ge3A_221 = arith.cmpi sge, %add3A_219, %ge3A_220 : vector<16xi32>
      tpu.vector_store_idx %arg19[%add3A_219], %add3A_28 masked %ge3A_221 : memref<4160xi32, #tpu.memory_space<vmem>>[vector<16xi32>], vector<16xi32>, vector<16xi1>
      %add3A_222 = arith.constant 144 : i32
      %add3A_223 = arith.addi %mul3A_168, %add3A_222 : i32
      %add3A_224 = vector.broadcast %add3A_223 : i32 to vector<16xi32>
      %add3A_225 = arith.addi %add3A_224, %iota3A : vector<16xi32>
      %ge3A_226 = vector.broadcast %add3A_150 : i32 to vector<16xi32>
      %ge3A_227 = arith.cmpi sge, %add3A_225, %ge3A_226 : vector<16xi32>
      tpu.vector_store_idx %arg19[%add3A_225], %add3A_28 masked %ge3A_227 : memref<4160xi32, #tpu.memory_space<vmem>>[vector<16xi32>], vector<16xi32>, vector<16xi1>
      %add3A_228 = arith.constant 127 : i32
      %add3A_229 = arith.addi %add3A_150, %add3A_228 : i32
      %jit3A_230 = arith.constant 128 : i32
      %div3A_231 = arith.divsi %add3A_229, %jit3A_230 : i32
      %sign3A_232 = arith.constant 0 : i32
      %sign3A_233 = arith.cmpi sgt, %add3A_229, %sign3A_232 : i32
      %sign3A_234 = arith.extui %sign3A_233 : i1 to i32
      %sign3A_235 = arith.constant 0 : i32
      %sign3A_236 = arith.cmpi slt, %add3A_229, %sign3A_235 : i32
      %sign3A_237 = arith.extui %sign3A_236 : i1 to i32
      %sign3A_238 = arith.subi %sign3A_234, %sign3A_237 : i32
      %sign3A_239 = arith.constant 0 : i32
      %sign3A_240 = arith.cmpi sgt, %jit3A_230, %sign3A_239 : i32
      %sign3A_241 = arith.extui %sign3A_240 : i1 to i32
      %sign3A_242 = arith.constant 0 : i32
      %sign3A_243 = arith.cmpi slt, %jit3A_230, %sign3A_242 : i32
      %sign3A_244 = arith.extui %sign3A_243 : i1 to i32
      %sign3A_245 = arith.subi %sign3A_241, %sign3A_244 : i32
      %ne3A_246 = arith.cmpi ne, %sign3A_238, %sign3A_245 : i32
      %rem3A_247 = arith.remsi %add3A_229, %jit3A_230 : i32
      %ne3A_248 = arith.constant 0 : i32
      %ne3A_249 = arith.cmpi ne, %rem3A_247, %ne3A_248 : i32
      %and3A_250 = arith.andi %ne3A_246, %ne3A_249 : i1
      %sub3A_251 = arith.constant 1 : i32
      %sub3A_252 = arith.subi %div3A_231, %sub3A_251 : i32
      %select_n3A_253 = arith.select %and3A_250, %sub3A_252, %div3A_231 : i32
      %while3A_254 = arith.constant 0 : i32
      %while3A_255 = arith.constant 0 : i32
      %while3A_256 = arith.subi %select_n3A_253, %while3A_254 : i32
      %while3A_257 = arith.addi %while3A_254, %while3A_256 : i32
      %while3A_258 = arith.constant 1 : i32
      %while3A_259 = arith.divsi %while3A_256, %while3A_258 : i32
      %while3A_260 = arith.muli %while3A_259, %while3A_258 : i32
      %while3A_261 = arith.addi %while3A_254, %while3A_260 : i32
      %while3A_262 = arith.constant 1 : i32
      %while3A_263 = scf.for %while3A_451 = %while3A_254 to %while3A_261 step %while3A_262 iter_args(%while3A_452 = %while3A_255) -> (i32)  : i32 {
        %mul3A_453 = arith.constant 128 : i32
        %mul3A_454 = arith.muli %while3A_451, %mul3A_453 : i32
        %mul3A_455 = arith.constant 128 : i32
        %mul3A_456 = arith.muli %while3A_451, %mul3A_455 : i32
        %dma_start3A_457 = tpu.memref_slice %arg20[%mul3A_454] : memref<4160xf32, #tpu.memory_space<vmem>> -> memref<128xf32, #tpu.memory_space<vmem>>
        %dma_start3A_458 = tpu.memref_slice %arg19[%mul3A_456] : memref<4160xi32, #tpu.memory_space<vmem>> -> memref<128xi32, #tpu.memory_space<vmem>>
        %dma_start3A_459 = arith.constant 0 : i32
        %dma_start3A_460 = tpu.memref_slice %arg24[%dma_start3A_459] : memref<106496xf32, #tpu.memory_space<vmem_shared>> -> memref<106496xf32, #tpu.memory_space<vmem_shared>>
        tpu.enqueue_indirect_dma source(%dma_start3A_457 : memref<128xf32, #tpu.memory_space<vmem>>) target(%dma_start3A_460 : memref<106496xf32, #tpu.memory_space<vmem_shared>>) offsets(%dma_start3A_458 : memref<128xi32, #tpu.memory_space<vmem>>) semaphore(%arg27 : memref<!tpu.dma_semaphore, #tpu.memory_space<semaphore_mem>>) {add = true}
        %mul3A_461 = arith.constant 128 : i32
        %mul3A_462 = arith.muli %while3A_451, %mul3A_461 : i32
        %mul3A_463 = arith.constant 128 : i32
        %mul3A_464 = arith.muli %while3A_451, %mul3A_463 : i32
        %dma_start3A_465 = tpu.memref_slice %arg21[%mul3A_462] : memref<4160xf32, #tpu.memory_space<vmem>> -> memref<128xf32, #tpu.memory_space<vmem>>
        %dma_start3A_466 = tpu.memref_slice %arg19[%mul3A_464] : memref<4160xi32, #tpu.memory_space<vmem>> -> memref<128xi32, #tpu.memory_space<vmem>>
        %dma_start3A_467 = arith.constant 0 : i32
        %dma_start3A_468 = tpu.memref_slice %arg25[%dma_start3A_467] : memref<106496xf32, #tpu.memory_space<vmem_shared>> -> memref<106496xf32, #tpu.memory_space<vmem_shared>>
        tpu.enqueue_indirect_dma source(%dma_start3A_465 : memref<128xf32, #tpu.memory_space<vmem>>) target(%dma_start3A_468 : memref<106496xf32, #tpu.memory_space<vmem_shared>>) offsets(%dma_start3A_466 : memref<128xi32, #tpu.memory_space<vmem>>) semaphore(%arg27 : memref<!tpu.dma_semaphore, #tpu.memory_space<semaphore_mem>>) {add = true}
        %mul3A_469 = arith.constant 128 : i32
        %mul3A_470 = arith.muli %while3A_451, %mul3A_469 : i32
        %mul3A_471 = arith.constant 128 : i32
        %mul3A_472 = arith.muli %while3A_451, %mul3A_471 : i32
        %dma_start3A_473 = tpu.memref_slice %arg22[%mul3A_470] : memref<4160xf32, #tpu.memory_space<vmem>> -> memref<128xf32, #tpu.memory_space<vmem>>
        %dma_start3A_474 = tpu.memref_slice %arg19[%mul3A_472] : memref<4160xi32, #tpu.memory_space<vmem>> -> memref<128xi32, #tpu.memory_space<vmem>>
        %dma_start3A_475 = arith.constant 0 : i32
        %dma_start3A_476 = tpu.memref_slice %arg26[%dma_start3A_475] : memref<106496xf32, #tpu.memory_space<vmem_shared>> -> memref<106496xf32, #tpu.memory_space<vmem_shared>>
        tpu.enqueue_indirect_dma source(%dma_start3A_473 : memref<128xf32, #tpu.memory_space<vmem>>) target(%dma_start3A_476 : memref<106496xf32, #tpu.memory_space<vmem_shared>>) offsets(%dma_start3A_474 : memref<128xi32, #tpu.memory_space<vmem>>) semaphore(%arg27 : memref<!tpu.dma_semaphore, #tpu.memory_space<semaphore_mem>>) {add = true}
        %while3A_477 = arith.constant 0 : i32
        scf.yield %while3A_477 : i32
      }
      %while3A_264 = arith.constant 1 : i32
      %while3A_265 = scf.for %while3A_451 = %while3A_261 to %while3A_257 step %while3A_264 iter_args(%while3A_452 = %while3A_263) -> (i32)  : i32 {
        %mul3A_453 = arith.constant 128 : i32
        %mul3A_454 = arith.muli %while3A_451, %mul3A_453 : i32
        %mul3A_455 = arith.constant 128 : i32
        %mul3A_456 = arith.muli %while3A_451, %mul3A_455 : i32
        %dma_start3A_457 = tpu.memref_slice %arg20[%mul3A_454] : memref<4160xf32, #tpu.memory_space<vmem>> -> memref<128xf32, #tpu.memory_space<vmem>>
        %dma_start3A_458 = tpu.memref_slice %arg19[%mul3A_456] : memref<4160xi32, #tpu.memory_space<vmem>> -> memref<128xi32, #tpu.memory_space<vmem>>
        %dma_start3A_459 = arith.constant 0 : i32
        %dma_start3A_460 = tpu.memref_slice %arg24[%dma_start3A_459] : memref<106496xf32, #tpu.memory_space<vmem_shared>> -> memref<106496xf32, #tpu.memory_space<vmem_shared>>
        tpu.enqueue_indirect_dma source(%dma_start3A_457 : memref<128xf32, #tpu.memory_space<vmem>>) target(%dma_start3A_460 : memref<106496xf32, #tpu.memory_space<vmem_shared>>) offsets(%dma_start3A_458 : memref<128xi32, #tpu.memory_space<vmem>>) semaphore(%arg27 : memref<!tpu.dma_semaphore, #tpu.memory_space<semaphore_mem>>) {add = true}
        %mul3A_461 = arith.constant 128 : i32
        %mul3A_462 = arith.muli %while3A_451, %mul3A_461 : i32
        %mul3A_463 = arith.constant 128 : i32
        %mul3A_464 = arith.muli %while3A_451, %mul3A_463 : i32
        %dma_start3A_465 = tpu.memref_slice %arg21[%mul3A_462] : memref<4160xf32, #tpu.memory_space<vmem>> -> memref<128xf32, #tpu.memory_space<vmem>>
        %dma_start3A_466 = tpu.memref_slice %arg19[%mul3A_464] : memref<4160xi32, #tpu.memory_space<vmem>> -> memref<128xi32, #tpu.memory_space<vmem>>
        %dma_start3A_467 = arith.constant 0 : i32
        %dma_start3A_468 = tpu.memref_slice %arg25[%dma_start3A_467] : memref<106496xf32, #tpu.memory_space<vmem_shared>> -> memref<106496xf32, #tpu.memory_space<vmem_shared>>
        tpu.enqueue_indirect_dma source(%dma_start3A_465 : memref<128xf32, #tpu.memory_space<vmem>>) target(%dma_start3A_468 : memref<106496xf32, #tpu.memory_space<vmem_shared>>) offsets(%dma_start3A_466 : memref<128xi32, #tpu.memory_space<vmem>>) semaphore(%arg27 : memref<!tpu.dma_semaphore, #tpu.memory_space<semaphore_mem>>) {add = true}
        %mul3A_469 = arith.constant 128 : i32
        %mul3A_470 = arith.muli %while3A_451, %mul3A_469 : i32
        %mul3A_471 = arith.constant 128 : i32
        %mul3A_472 = arith.muli %while3A_451, %mul3A_471 : i32
        %dma_start3A_473 = tpu.memref_slice %arg22[%mul3A_470] : memref<4160xf32, #tpu.memory_space<vmem>> -> memref<128xf32, #tpu.memory_space<vmem>>
        %dma_start3A_474 = tpu.memref_slice %arg19[%mul3A_472] : memref<4160xi32, #tpu.memory_space<vmem>> -> memref<128xi32, #tpu.memory_space<vmem>>
        %dma_start3A_475 = arith.constant 0 : i32
        %dma_start3A_476 = tpu.memref_slice %arg26[%dma_start3A_475] : memref<106496xf32, #tpu.memory_space<vmem_shared>> -> memref<106496xf32, #tpu.memory_space<vmem_shared>>
        tpu.enqueue_indirect_dma source(%dma_start3A_473 : memref<128xf32, #tpu.memory_space<vmem>>) target(%dma_start3A_476 : memref<106496xf32, #tpu.memory_space<vmem_shared>>) offsets(%dma_start3A_474 : memref<128xi32, #tpu.memory_space<vmem>>) semaphore(%arg27 : memref<!tpu.dma_semaphore, #tpu.memory_space<semaphore_mem>>) {add = true}
        %while3A_477 = arith.constant 0 : i32
        scf.yield %while3A_477 : i32
      }
      %mul3A_266 = arith.constant 2 : i32
      %mul3A_267 = arith.muli %mul3A_266, %scan3A_96 : i32
      %add3A_268 = arith.constant 1 : i32
      %add3A_269 = arith.addi %mul3A_267, %add3A_268 : i32
      %dma_wait3A_270 = arith.constant 0 : i32
      %dma_wait3A_271 = tpu.memref_slice %arg2[%dma_wait3A_270] : memref<6400000xf32, #tpu.memory_space<hbm>> -> memref<4000xf32, #tpu.memory_space<hbm>>
      %dma_wait3A_272 = arith.constant 0 : i32
      %dma_wait3A_273 = tpu.memref_slice %arg2[%dma_wait3A_272] : memref<6400000xf32, #tpu.memory_space<hbm>> -> memref<4000xf32, #tpu.memory_space<hbm>>
      tpu.wait_dma2 semaphore(%arg28 : memref<!tpu.dma_semaphore, #tpu.memory_space<semaphore_mem>>) src(%dma_wait3A_273 : memref<4000xf32, #tpu.memory_space<hbm>>) dst(%arg13 : memref<4000xf32, #tpu.memory_space<vmem>>)
      %dma_wait3A_274 = arith.constant 16 : i32
      %dma_wait3A_275 = tpu.memref_slice %arg17[%dma_wait3A_274] : memref<4032xi32, #tpu.memory_space<vmem>> -> memref<4000xi32, #tpu.memory_space<vmem>>
      %dma_wait3A_276 = arith.constant 0 : i32
      %dma_wait3A_277 = tpu.memref_slice %arg6[%dma_wait3A_276] : memref<6400000xi32, #tpu.memory_space<hbm>> -> memref<4000xi32, #tpu.memory_space<hbm>>
      %dma_wait3A_278 = arith.constant 16 : i32
      %dma_wait3A_279 = tpu.memref_slice %arg17[%dma_wait3A_278] : memref<4032xi32, #tpu.memory_space<vmem>> -> memref<4000xi32, #tpu.memory_space<vmem>>
      %dma_wait3A_280 = arith.constant 0 : i32
      %dma_wait3A_281 = tpu.memref_slice %arg6[%dma_wait3A_280] : memref<6400000xi32, #tpu.memory_space<hbm>> -> memref<4000xi32, #tpu.memory_space<hbm>>
      tpu.wait_dma2 semaphore(%arg28 : memref<!tpu.dma_semaphore, #tpu.memory_space<semaphore_mem>>) src(%dma_wait3A_281 : memref<4000xi32, #tpu.memory_space<hbm>>) dst(%dma_wait3A_279 : memref<4000xi32, #tpu.memory_space<vmem>>)
      %dma_wait3A_282 = arith.constant 0 : i32
      %dma_wait3A_283 = tpu.memref_slice %arg3[%dma_wait3A_282] : memref<6400000xf32, #tpu.memory_space<hbm>> -> memref<4000xf32, #tpu.memory_space<hbm>>
      %dma_wait3A_284 = arith.constant 0 : i32
      %dma_wait3A_285 = tpu.memref_slice %arg3[%dma_wait3A_284] : memref<6400000xf32, #tpu.memory_space<hbm>> -> memref<4000xf32, #tpu.memory_space<hbm>>
      tpu.wait_dma2 semaphore(%arg28 : memref<!tpu.dma_semaphore, #tpu.memory_space<semaphore_mem>>) src(%dma_wait3A_285 : memref<4000xf32, #tpu.memory_space<hbm>>) dst(%arg14 : memref<4000xf32, #tpu.memory_space<vmem>>)
      %dma_wait3A_286 = arith.constant 0 : i32
      %dma_wait3A_287 = tpu.memref_slice %arg4[%dma_wait3A_286] : memref<6400000xf32, #tpu.memory_space<hbm>> -> memref<4000xf32, #tpu.memory_space<hbm>>
      %dma_wait3A_288 = arith.constant 0 : i32
      %dma_wait3A_289 = tpu.memref_slice %arg4[%dma_wait3A_288] : memref<6400000xf32, #tpu.memory_space<hbm>> -> memref<4000xf32, #tpu.memory_space<hbm>>
      tpu.wait_dma2 semaphore(%arg28 : memref<!tpu.dma_semaphore, #tpu.memory_space<semaphore_mem>>) src(%dma_wait3A_289 : memref<4000xf32, #tpu.memory_space<hbm>>) dst(%arg15 : memref<4000xf32, #tpu.memory_space<vmem>>)
      %dma_wait3A_290 = arith.constant 0 : i32
      %dma_wait3A_291 = tpu.memref_slice %arg5[%dma_wait3A_290] : memref<6400000xf32, #tpu.memory_space<hbm>> -> memref<4000xf32, #tpu.memory_space<hbm>>
      %dma_wait3A_292 = arith.constant 0 : i32
      %dma_wait3A_293 = tpu.memref_slice %arg5[%dma_wait3A_292] : memref<6400000xf32, #tpu.memory_space<hbm>> -> memref<4000xf32, #tpu.memory_space<hbm>>
      tpu.wait_dma2 semaphore(%arg28 : memref<!tpu.dma_semaphore, #tpu.memory_space<semaphore_mem>>) src(%dma_wait3A_293 : memref<4000xf32, #tpu.memory_space<hbm>>) dst(%arg16 : memref<4000xf32, #tpu.memory_space<vmem>>)
      %add3A_294 = arith.constant 1 : i32
      %add3A_295 = arith.addi %add3A_269, %add3A_294 : i32
      %lt3A_296 = arith.constant 50 : i32
      %lt3A_297 = arith.cmpi slt, %add3A_295, %lt3A_296 : i32
      %convert_element_type3A_298 = arith.extui %lt3A_297 : i1 to i32
      %cond3A_299 = arith.constant 0 : i32
      %cond3A_300 = arith.cmpi ne, %convert_element_type3A_298, %cond3A_299 : i32
      scf.if %cond3A_300 {
        %add3A_451 = arith.constant 1 : i32
        %add3A_452 = arith.addi %add3A_269, %add3A_451 : i32
        %mul3A_453 = arith.constant 32 : i32
        %mul3A_454 = arith.muli %mul3A_453, %add3A_452 : i32
        %add3A_455 = arith.addi %add3A, %mul3A_454 : i32
        %mul3A_456 = arith.constant 4000 : i32
        %mul3A_457 = arith.muli %add3A_455, %mul3A_456 : i32
        %dma_start3A_458 = tpu.memref_slice %arg2[%mul3A_457] : memref<6400000xf32, #tpu.memory_space<hbm>> -> memref<4000xf32, #tpu.memory_space<hbm>>
        %dma_start3A_459 = tpu.memref_slice %arg2[%mul3A_457] : memref<6400000xf32, #tpu.memory_space<hbm>> -> memref<4000xf32, #tpu.memory_space<hbm>>
        tpu.enqueue_dma source(%dma_start3A_459 : memref<4000xf32, #tpu.memory_space<hbm>>) target(%arg8 : memref<4000xf32, #tpu.memory_space<vmem>>) target_semaphore(%arg28 : memref<!tpu.dma_semaphore, #tpu.memory_space<semaphore_mem>>)
        %dma_start3A_460 = arith.constant 16 : i32
        %dma_start3A_461 = tpu.memref_slice %arg12[%dma_start3A_460] : memref<4032xi32, #tpu.memory_space<vmem>> -> memref<4000xi32, #tpu.memory_space<vmem>>
        %dma_start3A_462 = tpu.memref_slice %arg6[%mul3A_457] : memref<6400000xi32, #tpu.memory_space<hbm>> -> memref<4000xi32, #tpu.memory_space<hbm>>
        %dma_start3A_463 = arith.constant 16 : i32
        %dma_start3A_464 = tpu.memref_slice %arg12[%dma_start3A_463] : memref<4032xi32, #tpu.memory_space<vmem>> -> memref<4000xi32, #tpu.memory_space<vmem>>
        %dma_start3A_465 = tpu.memref_slice %arg6[%mul3A_457] : memref<6400000xi32, #tpu.memory_space<hbm>> -> memref<4000xi32, #tpu.memory_space<hbm>>
        tpu.enqueue_dma source(%dma_start3A_465 : memref<4000xi32, #tpu.memory_space<hbm>>) target(%dma_start3A_464 : memref<4000xi32, #tpu.memory_space<vmem>>) target_semaphore(%arg28 : memref<!tpu.dma_semaphore, #tpu.memory_space<semaphore_mem>>)
        %dma_start3A_466 = tpu.memref_slice %arg3[%mul3A_457] : memref<6400000xf32, #tpu.memory_space<hbm>> -> memref<4000xf32, #tpu.memory_space<hbm>>
        %dma_start3A_467 = tpu.memref_slice %arg3[%mul3A_457] : memref<6400000xf32, #tpu.memory_space<hbm>> -> memref<4000xf32, #tpu.memory_space<hbm>>
        tpu.enqueue_dma source(%dma_start3A_467 : memref<4000xf32, #tpu.memory_space<hbm>>) target(%arg9 : memref<4000xf32, #tpu.memory_space<vmem>>) target_semaphore(%arg28 : memref<!tpu.dma_semaphore, #tpu.memory_space<semaphore_mem>>)
        %dma_start3A_468 = tpu.memref_slice %arg4[%mul3A_457] : memref<6400000xf32, #tpu.memory_space<hbm>> -> memref<4000xf32, #tpu.memory_space<hbm>>
        %dma_start3A_469 = tpu.memref_slice %arg4[%mul3A_457] : memref<6400000xf32, #tpu.memory_space<hbm>> -> memref<4000xf32, #tpu.memory_space<hbm>>
        tpu.enqueue_dma source(%dma_start3A_469 : memref<4000xf32, #tpu.memory_space<hbm>>) target(%arg10 : memref<4000xf32, #tpu.memory_space<vmem>>) target_semaphore(%arg28 : memref<!tpu.dma_semaphore, #tpu.memory_space<semaphore_mem>>)
        %dma_start3A_470 = tpu.memref_slice %arg5[%mul3A_457] : memref<6400000xf32, #tpu.memory_space<hbm>> -> memref<4000xf32, #tpu.memory_space<hbm>>
        %dma_start3A_471 = tpu.memref_slice %arg5[%mul3A_457] : memref<6400000xf32, #tpu.memory_space<hbm>> -> memref<4000xf32, #tpu.memory_space<hbm>>
        tpu.enqueue_dma source(%dma_start3A_471 : memref<4000xf32, #tpu.memory_space<hbm>>) target(%arg11 : memref<4000xf32, #tpu.memory_space<vmem>>) target_semaphore(%arg28 : memref<!tpu.dma_semaphore, #tpu.memory_space<semaphore_mem>>)
      } else {
      }
      %while3A_301 = arith.constant 0 : i32
      %while3A_302 = arith.constant 0 : i32
      %while3A_303 = arith.subi %select_n3A_253, %while3A_301 : i32
      %while3A_304 = arith.addi %while3A_301, %while3A_303 : i32
      %while3A_305 = arith.constant 1 : i32
      %while3A_306 = arith.divsi %while3A_303, %while3A_305 : i32
      %while3A_307 = arith.muli %while3A_306, %while3A_305 : i32
      %while3A_308 = arith.addi %while3A_301, %while3A_307 : i32
      %while3A_309 = arith.constant 1 : i32
      %while3A_310 = scf.for %while3A_451 = %while3A_301 to %while3A_308 step %while3A_309 iter_args(%while3A_452 = %while3A_302) -> (i32)  : i32 {
        %mul3A_453 = arith.constant 128 : i32
        %mul3A_454 = arith.muli %while3A_451, %mul3A_453 : i32
        %mul3A_455 = arith.constant 128 : i32
        %mul3A_456 = arith.muli %while3A_451, %mul3A_455 : i32
        %dma_wait3A_457 = tpu.memref_slice %arg20[%mul3A_454] : memref<4160xf32, #tpu.memory_space<vmem>> -> memref<128xf32, #tpu.memory_space<vmem>>
        %dma_wait3A_458 = tpu.memref_slice %arg19[%mul3A_456] : memref<4160xi32, #tpu.memory_space<vmem>> -> memref<128xi32, #tpu.memory_space<vmem>>
        %dma_wait3A_459 = arith.constant 0 : i32
        %dma_wait3A_460 = tpu.memref_slice %arg24[%dma_wait3A_459] : memref<106496xf32, #tpu.memory_space<vmem_shared>> -> memref<106496xf32, #tpu.memory_space<vmem_shared>>
        tpu.wait_indirect_dma semaphore(%arg27 : memref<!tpu.dma_semaphore, #tpu.memory_space<semaphore_mem>>) src(%dma_wait3A_457 : memref<128xf32, #tpu.memory_space<vmem>>) dst(%dma_wait3A_460 : memref<106496xf32, #tpu.memory_space<vmem_shared>>)
        %mul3A_461 = arith.constant 128 : i32
        %mul3A_462 = arith.muli %while3A_451, %mul3A_461 : i32
        %mul3A_463 = arith.constant 128 : i32
        %mul3A_464 = arith.muli %while3A_451, %mul3A_463 : i32
        %dma_wait3A_465 = tpu.memref_slice %arg21[%mul3A_462] : memref<4160xf32, #tpu.memory_space<vmem>> -> memref<128xf32, #tpu.memory_space<vmem>>
        %dma_wait3A_466 = tpu.memref_slice %arg19[%mul3A_464] : memref<4160xi32, #tpu.memory_space<vmem>> -> memref<128xi32, #tpu.memory_space<vmem>>
        %dma_wait3A_467 = arith.constant 0 : i32
        %dma_wait3A_468 = tpu.memref_slice %arg25[%dma_wait3A_467] : memref<106496xf32, #tpu.memory_space<vmem_shared>> -> memref<106496xf32, #tpu.memory_space<vmem_shared>>
        tpu.wait_indirect_dma semaphore(%arg27 : memref<!tpu.dma_semaphore, #tpu.memory_space<semaphore_mem>>) src(%dma_wait3A_465 : memref<128xf32, #tpu.memory_space<vmem>>) dst(%dma_wait3A_468 : memref<106496xf32, #tpu.memory_space<vmem_shared>>)
        %mul3A_469 = arith.constant 128 : i32
        %mul3A_470 = arith.muli %while3A_451, %mul3A_469 : i32
        %mul3A_471 = arith.constant 128 : i32
        %mul3A_472 = arith.muli %while3A_451, %mul3A_471 : i32
        %dma_wait3A_473 = tpu.memref_slice %arg22[%mul3A_470] : memref<4160xf32, #tpu.memory_space<vmem>> -> memref<128xf32, #tpu.memory_space<vmem>>
        %dma_wait3A_474 = tpu.memref_slice %arg19[%mul3A_472] : memref<4160xi32, #tpu.memory_space<vmem>> -> memref<128xi32, #tpu.memory_space<vmem>>
        %dma_wait3A_475 = arith.constant 0 : i32
        %dma_wait3A_476 = tpu.memref_slice %arg26[%dma_wait3A_475] : memref<106496xf32, #tpu.memory_space<vmem_shared>> -> memref<106496xf32, #tpu.memory_space<vmem_shared>>
        tpu.wait_indirect_dma semaphore(%arg27 : memref<!tpu.dma_semaphore, #tpu.memory_space<semaphore_mem>>) src(%dma_wait3A_473 : memref<128xf32, #tpu.memory_space<vmem>>) dst(%dma_wait3A_476 : memref<106496xf32, #tpu.memory_space<vmem_shared>>)
        %while3A_477 = arith.constant 0 : i32
        scf.yield %while3A_477 : i32
      }
      %while3A_311 = arith.constant 1 : i32
      %while3A_312 = scf.for %while3A_451 = %while3A_308 to %while3A_304 step %while3A_311 iter_args(%while3A_452 = %while3A_310) -> (i32)  : i32 {
        %mul3A_453 = arith.constant 128 : i32
        %mul3A_454 = arith.muli %while3A_451, %mul3A_453 : i32
        %mul3A_455 = arith.constant 128 : i32
        %mul3A_456 = arith.muli %while3A_451, %mul3A_455 : i32
        %dma_wait3A_457 = tpu.memref_slice %arg20[%mul3A_454] : memref<4160xf32, #tpu.memory_space<vmem>> -> memref<128xf32, #tpu.memory_space<vmem>>
        %dma_wait3A_458 = tpu.memref_slice %arg19[%mul3A_456] : memref<4160xi32, #tpu.memory_space<vmem>> -> memref<128xi32, #tpu.memory_space<vmem>>
        %dma_wait3A_459 = arith.constant 0 : i32
        %dma_wait3A_460 = tpu.memref_slice %arg24[%dma_wait3A_459] : memref<106496xf32, #tpu.memory_space<vmem_shared>> -> memref<106496xf32, #tpu.memory_space<vmem_shared>>
        tpu.wait_indirect_dma semaphore(%arg27 : memref<!tpu.dma_semaphore, #tpu.memory_space<semaphore_mem>>) src(%dma_wait3A_457 : memref<128xf32, #tpu.memory_space<vmem>>) dst(%dma_wait3A_460 : memref<106496xf32, #tpu.memory_space<vmem_shared>>)
        %mul3A_461 = arith.constant 128 : i32
        %mul3A_462 = arith.muli %while3A_451, %mul3A_461 : i32
        %mul3A_463 = arith.constant 128 : i32
        %mul3A_464 = arith.muli %while3A_451, %mul3A_463 : i32
        %dma_wait3A_465 = tpu.memref_slice %arg21[%mul3A_462] : memref<4160xf32, #tpu.memory_space<vmem>> -> memref<128xf32, #tpu.memory_space<vmem>>
        %dma_wait3A_466 = tpu.memref_slice %arg19[%mul3A_464] : memref<4160xi32, #tpu.memory_space<vmem>> -> memref<128xi32, #tpu.memory_space<vmem>>
        %dma_wait3A_467 = arith.constant 0 : i32
        %dma_wait3A_468 = tpu.memref_slice %arg25[%dma_wait3A_467] : memref<106496xf32, #tpu.memory_space<vmem_shared>> -> memref<106496xf32, #tpu.memory_space<vmem_shared>>
        tpu.wait_indirect_dma semaphore(%arg27 : memref<!tpu.dma_semaphore, #tpu.memory_space<semaphore_mem>>) src(%dma_wait3A_465 : memref<128xf32, #tpu.memory_space<vmem>>) dst(%dma_wait3A_468 : memref<106496xf32, #tpu.memory_space<vmem_shared>>)
        %mul3A_469 = arith.constant 128 : i32
        %mul3A_470 = arith.muli %while3A_451, %mul3A_469 : i32
        %mul3A_471 = arith.constant 128 : i32
        %mul3A_472 = arith.muli %while3A_451, %mul3A_471 : i32
        %dma_wait3A_473 = tpu.memref_slice %arg22[%mul3A_470] : memref<4160xf32, #tpu.memory_space<vmem>> -> memref<128xf32, #tpu.memory_space<vmem>>
        %dma_wait3A_474 = tpu.memref_slice %arg19[%mul3A_472] : memref<4160xi32, #tpu.memory_space<vmem>> -> memref<128xi32, #tpu.memory_space<vmem>>
        %dma_wait3A_475 = arith.constant 0 : i32
        %dma_wait3A_476 = tpu.memref_slice %arg26[%dma_wait3A_475] : memref<106496xf32, #tpu.memory_space<vmem_shared>> -> memref<106496xf32, #tpu.memory_space<vmem_shared>>
        tpu.wait_indirect_dma semaphore(%arg27 : memref<!tpu.dma_semaphore, #tpu.memory_space<semaphore_mem>>) src(%dma_wait3A_473 : memref<128xf32, #tpu.memory_space<vmem>>) dst(%dma_wait3A_476 : memref<106496xf32, #tpu.memory_space<vmem_shared>>)
        %while3A_477 = arith.constant 0 : i32
        scf.yield %while3A_477 : i32
      }
      %parallel_loop3A_313 = arith.constant 0 : i32
      %parallel_loop3A_314 = arith.constant 250 : i32
      %parallel_loop3A_315 = arith.constant 1 : i32
      %parallel_loop3A_316 = scf.for %parallel_loop3A_451 = %parallel_loop3A_313 to %parallel_loop3A_314 step %parallel_loop3A_315 iter_args(%parallel_loop3A_452 = %broadcast_in_dim3A_3) -> (vector<16xi32>)  : i32 {
        %parallel_loop3A_453 = arith.constant 16 : i32
        %parallel_loop3A_454 = arith.muli %parallel_loop3A_451, %parallel_loop3A_453 : i32
        %parallel_loop3A_455 = arith.constant 48 : i32
        %parallel_loop3A_456 = arith.muli %parallel_loop3A_451, %parallel_loop3A_455 : i32
        %parallel_loop3A_457 = arith.index_cast %parallel_loop3A_454 : i32 to index
        %parallel_loop3A_458 = tpu.vector_load %arg13[%parallel_loop3A_457] {strides = array<i32>} : memref<4000xf32, #tpu.memory_space<vmem>>, vector<16xf32>,
        %parallel_loop3A_459 = arith.constant 16 : i32
        %parallel_loop3A_460 = arith.addi %parallel_loop3A_454, %parallel_loop3A_459 : i32
        %parallel_loop3A_461 = arith.index_cast %parallel_loop3A_460 : i32 to index
        %parallel_loop3A_462 = tpu.vector_load %arg17[%parallel_loop3A_461] {strides = array<i32>} : memref<4032xi32, #tpu.memory_space<vmem>>, vector<16xi32>,
        %parallel_loop3A_463 = arith.constant 17 : i32
        %parallel_loop3A_464 = arith.addi %parallel_loop3A_454, %parallel_loop3A_463 : i32
        %parallel_loop3A_465 = vector.broadcast %parallel_loop3A_464 : i32 to vector<16xi32>
        %parallel_loop3A_466 = arith.addi %iota3A, %parallel_loop3A_465 : vector<16xi32>
        %parallel_loop3A_467 = tpu.vector_load_idx %arg17[%parallel_loop3A_466] : memref<4032xi32, #tpu.memory_space<vmem>>[vector<16xi32>], vector<16xi32>,
        %parallel_loop3A_468 = arith.constant 15 : i32
        %parallel_loop3A_469 = arith.addi %parallel_loop3A_454, %parallel_loop3A_468 : i32
        %parallel_loop3A_470 = vector.broadcast %parallel_loop3A_469 : i32 to vector<16xi32>
        %parallel_loop3A_471 = arith.addi %iota3A, %parallel_loop3A_470 : vector<16xi32>
        %parallel_loop3A_472 = tpu.vector_load_idx %arg17[%parallel_loop3A_471] : memref<4032xi32, #tpu.memory_space<vmem>>[vector<16xi32>], vector<16xi32>,
        %parallel_loop3A_473 = arith.cmpi ne, %parallel_loop3A_462, %parallel_loop3A_467 : vector<16xi32>
        %parallel_loop3A_474 = arith.constant 15 : i32
        %parallel_loop3A_475 = vector.broadcast %parallel_loop3A_474 : i32 to vector<16xi32>
        %parallel_loop3A_476 = arith.cmpi eq, %iota3A, %parallel_loop3A_475 : vector<16xi32>
        %parallel_loop3A_477 = arith.ori %parallel_loop3A_473, %parallel_loop3A_476 : vector<16xi1>
        %parallel_loop3A_478 = arith.cmpi ne, %parallel_loop3A_462, %parallel_loop3A_472 : vector<16xi32>
        %parallel_loop3A_479 = arith.constant 1 : i32
        %parallel_loop3A_480 = arith.constant 0 : i32
        %parallel_loop3A_481 = vector.broadcast %parallel_loop3A_479 : i32 to vector<16xi32>
        %parallel_loop3A_482 = vector.broadcast %parallel_loop3A_480 : i32 to vector<16xi32>
        %parallel_loop3A_483 = arith.select %parallel_loop3A_477, %parallel_loop3A_481, %parallel_loop3A_482 : vector<16xi1>, vector<16xi32>
        %parallel_loop3A_484 = arith.constant true
        %parallel_loop3A_485 = vector.broadcast %parallel_loop3A_484 : i1 to vector<16xi1>
        %parallel_loop3A_486 = tpu.scan <sum>, %parallel_loop3A_483 masked %parallel_loop3A_485 : vector<16xi32>, vector<16xi1> -> vector<16xi32>
        %parallel_loop3A_487 = arith.constant 1 : i32
        %parallel_loop3A_488 = vector.broadcast %parallel_loop3A_487 : i32 to vector<16xi32>
        %parallel_loop3A_489 = arith.subi %iota3A, %parallel_loop3A_488 : vector<16xi32>
        %parallel_loop3A_490 = arith.constant -1 : i32
        %parallel_loop3A_491 = vector.broadcast %parallel_loop3A_490 : i32 to vector<16xi32>
        %parallel_loop3A_492 = arith.select %parallel_loop3A_478, %parallel_loop3A_489, %parallel_loop3A_491 : vector<16xi1>, vector<16xi32>
        %parallel_loop3A_493 = arith.constant true
        %parallel_loop3A_494 = vector.broadcast %parallel_loop3A_493 : i1 to vector<16xi1>
        %parallel_loop3A_495 = arith.constant -2147483648 : i32
        %parallel_loop3A_496 = vector.broadcast %parallel_loop3A_495 : i32 to vector<16xi32>
        %parallel_loop3A_497 = arith.xori %parallel_loop3A_492, %parallel_loop3A_496 : vector<16xi32>
        %parallel_loop3A_498 = tpu.scan <max>, %parallel_loop3A_497 masked %parallel_loop3A_494 : vector<16xi32>, vector<16xi1> -> vector<16xi32>
        %parallel_loop3A_499 = arith.xori %parallel_loop3A_498, %parallel_loop3A_496 : vector<16xi32>
        %parallel_loop3A_500 = arith.constant 0 : i32
        %parallel_loop3A_501 = vector.broadcast %parallel_loop3A_500 : i32 to vector<16xi32>
        %parallel_loop3A_502 = arith.cmpi sge, %parallel_loop3A_499, %parallel_loop3A_501 : vector<16xi32>
        %parallel_loop3A_503 = arith.constant 0 : i32
        %parallel_loop3A_504 = vector.broadcast %parallel_loop3A_503 : i32 to vector<16xi32>
        %parallel_loop3A_505 = arith.maxsi %parallel_loop3A_499, %parallel_loop3A_504 : vector<16xi32>
        %parallel_loop3A_506 = vector.broadcast %parallel_loop3A_456 : i32 to vector<16xi32>
        %parallel_loop3A_507 = arith.addi %parallel_loop3A_505, %parallel_loop3A_506 : vector<16xi32>
        %parallel_loop3A_508 = arith.index_cast %parallel_loop3A_454 : i32 to index
        %parallel_loop3A_509 = tpu.vector_load %arg14[%parallel_loop3A_508] {strides = array<i32>} : memref<4000xf32, #tpu.memory_space<vmem>>, vector<16xf32>,
        %parallel_loop3A_510 = arith.mulf %parallel_loop3A_458, %parallel_loop3A_509 : vector<16xf32>
        %parallel_loop3A_511 = arith.constant true
        %parallel_loop3A_512 = vector.broadcast %parallel_loop3A_511 : i1 to vector<16xi1>
        %parallel_loop3A_513 = tpu.scan <sum>, %parallel_loop3A_510 masked %parallel_loop3A_512 : vector<16xf32>, vector<16xi1> -> vector<16xf32>
        %parallel_loop3A_514 = arith.constant 0 : i32
        %parallel_loop3A_515 = arith.addi %parallel_loop3A_456, %parallel_loop3A_514 : i32
        %parallel_loop3A_516 = arith.index_cast %parallel_loop3A_515 : i32 to index
        %parallel_loop3A_517 = tpu.vector_load %arg18[%parallel_loop3A_516] {strides = array<i32>} : memref<12000xf32, #tpu.memory_space<vmem>>, vector<16xf32>,
        tpu.vector_store %arg18[%parallel_loop3A_516], %parallel_loop3A_513 {strides = array<i32>} : memref<12000xf32, #tpu.memory_space<vmem>>, vector<16xf32>,
        %parallel_loop3A_518 = arith.constant 0 : i32
        %parallel_loop3A_519 = vector.broadcast %parallel_loop3A_518 : i32 to vector<16xi32>
        %parallel_loop3A_520 = arith.addi %parallel_loop3A_507, %parallel_loop3A_519 : vector<16xi32>
        %parallel_loop3A_521 = tpu.vector_load_idx %arg18[%parallel_loop3A_520] : memref<12000xf32, #tpu.memory_space<vmem>>[vector<16xi32>], vector<16xf32>,
        %parallel_loop3A_522 = arith.constant 0.000000e+00 : f32
        %parallel_loop3A_523 = vector.broadcast %parallel_loop3A_522 : f32 to vector<16xf32>
        %parallel_loop3A_524 = arith.select %parallel_loop3A_502, %parallel_loop3A_521, %parallel_loop3A_523 : vector<16xi1>, vector<16xf32>
        %parallel_loop3A_525 = arith.subf %parallel_loop3A_513, %parallel_loop3A_524 : vector<16xf32>
        %parallel_loop3A_526 = arith.index_cast %parallel_loop3A_454 : i32 to index
        %parallel_loop3A_527 = tpu.vector_load %arg15[%parallel_loop3A_526] {strides = array<i32>} : memref<4000xf32, #tpu.memory_space<vmem>>, vector<16xf32>,
        %parallel_loop3A_528 = arith.mulf %parallel_loop3A_458, %parallel_loop3A_527 : vector<16xf32>
        %parallel_loop3A_529 = arith.constant true
        %parallel_loop3A_530 = vector.broadcast %parallel_loop3A_529 : i1 to vector<16xi1>
        %parallel_loop3A_531 = tpu.scan <sum>, %parallel_loop3A_528 masked %parallel_loop3A_530 : vector<16xf32>, vector<16xi1> -> vector<16xf32>
        %parallel_loop3A_532 = arith.constant 16 : i32
        %parallel_loop3A_533 = arith.addi %parallel_loop3A_456, %parallel_loop3A_532 : i32
        %parallel_loop3A_534 = arith.index_cast %parallel_loop3A_533 : i32 to index
        %parallel_loop3A_535 = tpu.vector_load %arg18[%parallel_loop3A_534] {strides = array<i32>} : memref<12000xf32, #tpu.memory_space<vmem>>, vector<16xf32>,
        tpu.vector_store %arg18[%parallel_loop3A_534], %parallel_loop3A_531 {strides = array<i32>} : memref<12000xf32, #tpu.memory_space<vmem>>, vector<16xf32>,
        %parallel_loop3A_536 = arith.constant 16 : i32
        %parallel_loop3A_537 = vector.broadcast %parallel_loop3A_536 : i32 to vector<16xi32>
        %parallel_loop3A_538 = arith.addi %parallel_loop3A_507, %parallel_loop3A_537 : vector<16xi32>
        %parallel_loop3A_539 = tpu.vector_load_idx %arg18[%parallel_loop3A_538] : memref<12000xf32, #tpu.memory_space<vmem>>[vector<16xi32>], vector<16xf32>,
        %parallel_loop3A_540 = arith.constant 0.000000e+00 : f32
        %parallel_loop3A_541 = vector.broadcast %parallel_loop3A_540 : f32 to vector<16xf32>
        %parallel_loop3A_542 = arith.select %parallel_loop3A_502, %parallel_loop3A_539, %parallel_loop3A_541 : vector<16xi1>, vector<16xf32>
        %parallel_loop3A_543 = arith.subf %parallel_loop3A_531, %parallel_loop3A_542 : vector<16xf32>
        %parallel_loop3A_544 = arith.index_cast %parallel_loop3A_454 : i32 to index
        %parallel_loop3A_545 = tpu.vector_load %arg16[%parallel_loop3A_544] {strides = array<i32>} : memref<4000xf32, #tpu.memory_space<vmem>>, vector<16xf32>,
        %parallel_loop3A_546 = arith.mulf %parallel_loop3A_458, %parallel_loop3A_545 : vector<16xf32>
        %parallel_loop3A_547 = arith.constant true
        %parallel_loop3A_548 = vector.broadcast %parallel_loop3A_547 : i1 to vector<16xi1>
        %parallel_loop3A_549 = tpu.scan <sum>, %parallel_loop3A_546 masked %parallel_loop3A_548 : vector<16xf32>, vector<16xi1> -> vector<16xf32>
        %parallel_loop3A_550 = arith.constant 32 : i32
        %parallel_loop3A_551 = arith.addi %parallel_loop3A_456, %parallel_loop3A_550 : i32
        %parallel_loop3A_552 = arith.index_cast %parallel_loop3A_551 : i32 to index
        %parallel_loop3A_553 = tpu.vector_load %arg18[%parallel_loop3A_552] {strides = array<i32>} : memref<12000xf32, #tpu.memory_space<vmem>>, vector<16xf32>,
        tpu.vector_store %arg18[%parallel_loop3A_552], %parallel_loop3A_549 {strides = array<i32>} : memref<12000xf32, #tpu.memory_space<vmem>>, vector<16xf32>,
        %parallel_loop3A_554 = arith.constant 32 : i32
        %parallel_loop3A_555 = vector.broadcast %parallel_loop3A_554 : i32 to vector<16xi32>
        %parallel_loop3A_556 = arith.addi %parallel_loop3A_507, %parallel_loop3A_555 : vector<16xi32>
        %parallel_loop3A_557 = tpu.vector_load_idx %arg18[%parallel_loop3A_556] : memref<12000xf32, #tpu.memory_space<vmem>>[vector<16xi32>], vector<16xf32>,
        %parallel_loop3A_558 = arith.constant 0.000000e+00 : f32
        %parallel_loop3A_559 = vector.broadcast %parallel_loop3A_558 : f32 to vector<16xf32>
        %parallel_loop3A_560 = arith.select %parallel_loop3A_502, %parallel_loop3A_557, %parallel_loop3A_559 : vector<16xi1>, vector<16xf32>
        %parallel_loop3A_561 = arith.subf %parallel_loop3A_549, %parallel_loop3A_560 : vector<16xf32>
        %parallel_loop3A_562 = arith.addi %parallel_loop3A_452, %parallel_loop3A_486 : vector<16xi32>
        tpu.vector_store_idx %arg19[%parallel_loop3A_562], %parallel_loop3A_462 masked %parallel_loop3A_477 : memref<4160xi32, #tpu.memory_space<vmem>>[vector<16xi32>], vector<16xi32>, vector<16xi1>
        tpu.vector_store_idx %arg20[%parallel_loop3A_562], %parallel_loop3A_525 masked %parallel_loop3A_477 : memref<4160xf32, #tpu.memory_space<vmem>>[vector<16xi32>], vector<16xf32>, vector<16xi1>
        tpu.vector_store_idx %arg21[%parallel_loop3A_562], %parallel_loop3A_543 masked %parallel_loop3A_477 : memref<4160xf32, #tpu.memory_space<vmem>>[vector<16xi32>], vector<16xf32>, vector<16xi1>
        tpu.vector_store_idx %arg22[%parallel_loop3A_562], %parallel_loop3A_561 masked %parallel_loop3A_477 : memref<4160xf32, #tpu.memory_space<vmem>>[vector<16xi32>], vector<16xf32>, vector<16xi1>
        %parallel_loop3A_563 = tpu.all_reduce %parallel_loop3A_477 {dim = 0 : i64, kind = #tpu.reduction_kind<sum>} : vector<16xi1> -> vector<16xi32>
        %parallel_loop3A_564 = arith.addi %parallel_loop3A_452, %parallel_loop3A_563 : vector<16xi32>
        scf.yield %parallel_loop3A_564 : vector<16xi32>
      } {sc.loop_unroll_factor = 5 : i64, sc.parallel_access}
      %reduce_max3A_317 = arith.constant true
      %reduce_max3A_318 = vector.broadcast %reduce_max3A_317 : i1 to vector<16xi1>
      %reduce_max3A_319 = arith.constant -2147483648 : i32
      %reduce_max3A_320 = vector.broadcast %reduce_max3A_319 : i32 to vector<16xi32>
      %reduce_max3A_321 = arith.xori %parallel_loop3A_316, %reduce_max3A_320 : vector<16xi32>
      %reduce_max3A_322 = tpu.scan <max>, %reduce_max3A_321 masked %reduce_max3A_318 : vector<16xi32>, vector<16xi1> -> vector<16xi32>
      %reduce_max3A_323 = arith.xori %reduce_max3A_322, %reduce_max3A_320 : vector<16xi32>
      %reduce_max3A_324 = vector.extract %reduce_max3A_323[15] : i32 from vector<16xi32>
      %add3A_325 = arith.constant 1 : i32
      %add3A_326 = arith.addi %reduce_max3A_324, %add3A_325 : i32
      %jit3A_327 = arith.constant 16 : i32
      %div3A_328 = arith.divsi %add3A_326, %jit3A_327 : i32
      %sign3A_329 = arith.constant 0 : i32
      %sign3A_330 = arith.cmpi sgt, %add3A_326, %sign3A_329 : i32
      %sign3A_331 = arith.extui %sign3A_330 : i1 to i32
      %sign3A_332 = arith.constant 0 : i32
      %sign3A_333 = arith.cmpi slt, %add3A_326, %sign3A_332 : i32
      %sign3A_334 = arith.extui %sign3A_333 : i1 to i32
      %sign3A_335 = arith.subi %sign3A_331, %sign3A_334 : i32
      %sign3A_336 = arith.constant 0 : i32
      %sign3A_337 = arith.cmpi sgt, %jit3A_327, %sign3A_336 : i32
      %sign3A_338 = arith.extui %sign3A_337 : i1 to i32
      %sign3A_339 = arith.constant 0 : i32
      %sign3A_340 = arith.cmpi slt, %jit3A_327, %sign3A_339 : i32
      %sign3A_341 = arith.extui %sign3A_340 : i1 to i32
      %sign3A_342 = arith.subi %sign3A_338, %sign3A_341 : i32
      %ne3A_343 = arith.cmpi ne, %sign3A_335, %sign3A_342 : i32
      %rem3A_344 = arith.remsi %add3A_326, %jit3A_327 : i32
      %ne3A_345 = arith.constant 0 : i32
      %ne3A_346 = arith.cmpi ne, %rem3A_344, %ne3A_345 : i32
      %and3A_347 = arith.andi %ne3A_343, %ne3A_346 : i1
      %sub3A_348 = arith.constant 1 : i32
      %sub3A_349 = arith.subi %div3A_328, %sub3A_348 : i32
      %select_n3A_350 = arith.select %and3A_347, %sub3A_349, %div3A_328 : i32
      %mul3A_351 = arith.constant 16 : i32
      %mul3A_352 = arith.muli %select_n3A_350, %mul3A_351 : i32
      %add3A_353 = arith.constant 0 : i32
      %add3A_354 = arith.addi %mul3A_352, %add3A_353 : i32
      %add3A_355 = vector.broadcast %add3A_354 : i32 to vector<16xi32>
      %add3A_356 = arith.addi %add3A_355, %iota3A : vector<16xi32>
      %ge3A_357 = vector.broadcast %add3A_326 : i32 to vector<16xi32>
      %ge3A_358 = arith.cmpi sge, %add3A_356, %ge3A_357 : vector<16xi32>
      tpu.vector_store_idx %arg19[%add3A_356], %add3A_28 masked %ge3A_358 : memref<4160xi32, #tpu.memory_space<vmem>>[vector<16xi32>], vector<16xi32>, vector<16xi1>
      %add3A_359 = arith.constant 16 : i32
      %add3A_360 = arith.addi %mul3A_352, %add3A_359 : i32
      %add3A_361 = vector.broadcast %add3A_360 : i32 to vector<16xi32>
      %add3A_362 = arith.addi %add3A_361, %iota3A : vector<16xi32>
      %ge3A_363 = vector.broadcast %add3A_326 : i32 to vector<16xi32>
      %ge3A_364 = arith.cmpi sge, %add3A_362, %ge3A_363 : vector<16xi32>
      tpu.vector_store_idx %arg19[%add3A_362], %add3A_28 masked %ge3A_364 : memref<4160xi32, #tpu.memory_space<vmem>>[vector<16xi32>], vector<16xi32>, vector<16xi1>
      %add3A_365 = arith.constant 32 : i32
      %add3A_366 = arith.addi %mul3A_352, %add3A_365 : i32
      %add3A_367 = vector.broadcast %add3A_366 : i32 to vector<16xi32>
      %add3A_368 = arith.addi %add3A_367, %iota3A : vector<16xi32>
      %ge3A_369 = vector.broadcast %add3A_326 : i32 to vector<16xi32>
      %ge3A_370 = arith.cmpi sge, %add3A_368, %ge3A_369 : vector<16xi32>
      tpu.vector_store_idx %arg19[%add3A_368], %add3A_28 masked %ge3A_370 : memref<4160xi32, #tpu.memory_space<vmem>>[vector<16xi32>], vector<16xi32>, vector<16xi1>
      %add3A_371 = arith.constant 48 : i32
      %add3A_372 = arith.addi %mul3A_352, %add3A_371 : i32
      %add3A_373 = vector.broadcast %add3A_372 : i32 to vector<16xi32>
      %add3A_374 = arith.addi %add3A_373, %iota3A : vector<16xi32>
      %ge3A_375 = vector.broadcast %add3A_326 : i32 to vector<16xi32>
      %ge3A_376 = arith.cmpi sge, %add3A_374, %ge3A_375 : vector<16xi32>
      tpu.vector_store_idx %arg19[%add3A_374], %add3A_28 masked %ge3A_376 : memref<4160xi32, #tpu.memory_space<vmem>>[vector<16xi32>], vector<16xi32>, vector<16xi1>
      %add3A_377 = arith.constant 64 : i32
      %add3A_378 = arith.addi %mul3A_352, %add3A_377 : i32
      %add3A_379 = vector.broadcast %add3A_378 : i32 to vector<16xi32>
      %add3A_380 = arith.addi %add3A_379, %iota3A : vector<16xi32>
      %ge3A_381 = vector.broadcast %add3A_326 : i32 to vector<16xi32>
      %ge3A_382 = arith.cmpi sge, %add3A_380, %ge3A_381 : vector<16xi32>
      tpu.vector_store_idx %arg19[%add3A_380], %add3A_28 masked %ge3A_382 : memref<4160xi32, #tpu.memory_space<vmem>>[vector<16xi32>], vector<16xi32>, vector<16xi1>
      %add3A_383 = arith.constant 80 : i32
      %add3A_384 = arith.addi %mul3A_352, %add3A_383 : i32
      %add3A_385 = vector.broadcast %add3A_384 : i32 to vector<16xi32>
      %add3A_386 = arith.addi %add3A_385, %iota3A : vector<16xi32>
      %ge3A_387 = vector.broadcast %add3A_326 : i32 to vector<16xi32>
      %ge3A_388 = arith.cmpi sge, %add3A_386, %ge3A_387 : vector<16xi32>
      tpu.vector_store_idx %arg19[%add3A_386], %add3A_28 masked %ge3A_388 : memref<4160xi32, #tpu.memory_space<vmem>>[vector<16xi32>], vector<16xi32>, vector<16xi1>
      %add3A_389 = arith.constant 96 : i32
      %add3A_390 = arith.addi %mul3A_352, %add3A_389 : i32
      %add3A_391 = vector.broadcast %add3A_390 : i32 to vector<16xi32>
      %add3A_392 = arith.addi %add3A_391, %iota3A : vector<16xi32>
      %ge3A_393 = vector.broadcast %add3A_326 : i32 to vector<16xi32>
      %ge3A_394 = arith.cmpi sge, %add3A_392, %ge3A_393 : vector<16xi32>
      tpu.vector_store_idx %arg19[%add3A_392], %add3A_28 masked %ge3A_394 : memref<4160xi32, #tpu.memory_space<vmem>>[vector<16xi32>], vector<16xi32>, vector<16xi1>
      %add3A_395 = arith.constant 112 : i32
      %add3A_396 = arith.addi %mul3A_352, %add3A_395 : i32
      %add3A_397 = vector.broadcast %add3A_396 : i32 to vector<16xi32>
      %add3A_398 = arith.addi %add3A_397, %iota3A : vector<16xi32>
      %ge3A_399 = vector.broadcast %add3A_326 : i32 to vector<16xi32>
      %ge3A_400 = arith.cmpi sge, %add3A_398, %ge3A_399 : vector<16xi32>
      tpu.vector_store_idx %arg19[%add3A_398], %add3A_28 masked %ge3A_400 : memref<4160xi32, #tpu.memory_space<vmem>>[vector<16xi32>], vector<16xi32>, vector<16xi1>
      %add3A_401 = arith.constant 128 : i32
      %add3A_402 = arith.addi %mul3A_352, %add3A_401 : i32
      %add3A_403 = vector.broadcast %add3A_402 : i32 to vector<16xi32>
      %add3A_404 = arith.addi %add3A_403, %iota3A : vector<16xi32>
      %ge3A_405 = vector.broadcast %add3A_326 : i32 to vector<16xi32>
      %ge3A_406 = arith.cmpi sge, %add3A_404, %ge3A_405 : vector<16xi32>
      tpu.vector_store_idx %arg19[%add3A_404], %add3A_28 masked %ge3A_406 : memref<4160xi32, #tpu.memory_space<vmem>>[vector<16xi32>], vector<16xi32>, vector<16xi1>
      %add3A_407 = arith.constant 144 : i32
      %add3A_408 = arith.addi %mul3A_352, %add3A_407 : i32
      %add3A_409 = vector.broadcast %add3A_408 : i32 to vector<16xi32>
      %add3A_410 = arith.addi %add3A_409, %iota3A : vector<16xi32>
      %ge3A_411 = vector.broadcast %add3A_326 : i32 to vector<16xi32>
      %ge3A_412 = arith.cmpi sge, %add3A_410, %ge3A_411 : vector<16xi32>
      tpu.vector_store_idx %arg19[%add3A_410], %add3A_28 masked %ge3A_412 : memref<4160xi32, #tpu.memory_space<vmem>>[vector<16xi32>], vector<16xi32>, vector<16xi1>
      %add3A_413 = arith.constant 127 : i32
      %add3A_414 = arith.addi %add3A_326, %add3A_413 : i32
      %jit3A_415 = arith.constant 128 : i32
      %div3A_416 = arith.divsi %add3A_414, %jit3A_415 : i32
      %sign3A_417 = arith.constant 0 : i32
      %sign3A_418 = arith.cmpi sgt, %add3A_414, %sign3A_417 : i32
      %sign3A_419 = arith.extui %sign3A_418 : i1 to i32
      %sign3A_420 = arith.constant 0 : i32
      %sign3A_421 = arith.cmpi slt, %add3A_414, %sign3A_420 : i32
      %sign3A_422 = arith.extui %sign3A_421 : i1 to i32
      %sign3A_423 = arith.subi %sign3A_419, %sign3A_422 : i32
      %sign3A_424 = arith.constant 0 : i32
      %sign3A_425 = arith.cmpi sgt, %jit3A_415, %sign3A_424 : i32
      %sign3A_426 = arith.extui %sign3A_425 : i1 to i32
      %sign3A_427 = arith.constant 0 : i32
      %sign3A_428 = arith.cmpi slt, %jit3A_415, %sign3A_427 : i32
      %sign3A_429 = arith.extui %sign3A_428 : i1 to i32
      %sign3A_430 = arith.subi %sign3A_426, %sign3A_429 : i32
      %ne3A_431 = arith.cmpi ne, %sign3A_423, %sign3A_430 : i32
      %rem3A_432 = arith.remsi %add3A_414, %jit3A_415 : i32
      %ne3A_433 = arith.constant 0 : i32
      %ne3A_434 = arith.cmpi ne, %rem3A_432, %ne3A_433 : i32
      %and3A_435 = arith.andi %ne3A_431, %ne3A_434 : i1
      %sub3A_436 = arith.constant 1 : i32
      %sub3A_437 = arith.subi %div3A_416, %sub3A_436 : i32
      %select_n3A_438 = arith.select %and3A_435, %sub3A_437, %div3A_416 : i32
      %while3A_439 = arith.constant 0 : i32
      %while3A_440 = arith.constant 0 : i32
      %while3A_441 = arith.subi %select_n3A_438, %while3A_439 : i32
      %while3A_442 = arith.addi %while3A_439, %while3A_441 : i32
      %while3A_443 = arith.constant 1 : i32
      %while3A_444 = arith.divsi %while3A_441, %while3A_443 : i32
      %while3A_445 = arith.muli %while3A_444, %while3A_443 : i32
      %while3A_446 = arith.addi %while3A_439, %while3A_445 : i32
      %while3A_447 = arith.constant 1 : i32
      %while3A_448 = scf.for %while3A_451 = %while3A_439 to %while3A_446 step %while3A_447 iter_args(%while3A_452 = %while3A_440) -> (i32)  : i32 {
        %mul3A_453 = arith.constant 128 : i32
        %mul3A_454 = arith.muli %while3A_451, %mul3A_453 : i32
        %mul3A_455 = arith.constant 128 : i32
        %mul3A_456 = arith.muli %while3A_451, %mul3A_455 : i32
        %dma_start3A_457 = tpu.memref_slice %arg20[%mul3A_454] : memref<4160xf32, #tpu.memory_space<vmem>> -> memref<128xf32, #tpu.memory_space<vmem>>
        %dma_start3A_458 = tpu.memref_slice %arg19[%mul3A_456] : memref<4160xi32, #tpu.memory_space<vmem>> -> memref<128xi32, #tpu.memory_space<vmem>>
        %dma_start3A_459 = arith.constant 0 : i32
        %dma_start3A_460 = tpu.memref_slice %arg24[%dma_start3A_459] : memref<106496xf32, #tpu.memory_space<vmem_shared>> -> memref<106496xf32, #tpu.memory_space<vmem_shared>>
        tpu.enqueue_indirect_dma source(%dma_start3A_457 : memref<128xf32, #tpu.memory_space<vmem>>) target(%dma_start3A_460 : memref<106496xf32, #tpu.memory_space<vmem_shared>>) offsets(%dma_start3A_458 : memref<128xi32, #tpu.memory_space<vmem>>) semaphore(%arg27 : memref<!tpu.dma_semaphore, #tpu.memory_space<semaphore_mem>>) {add = true}
        %mul3A_461 = arith.constant 128 : i32
        %mul3A_462 = arith.muli %while3A_451, %mul3A_461 : i32
        %mul3A_463 = arith.constant 128 : i32
        %mul3A_464 = arith.muli %while3A_451, %mul3A_463 : i32
        %dma_start3A_465 = tpu.memref_slice %arg21[%mul3A_462] : memref<4160xf32, #tpu.memory_space<vmem>> -> memref<128xf32, #tpu.memory_space<vmem>>
        %dma_start3A_466 = tpu.memref_slice %arg19[%mul3A_464] : memref<4160xi32, #tpu.memory_space<vmem>> -> memref<128xi32, #tpu.memory_space<vmem>>
        %dma_start3A_467 = arith.constant 0 : i32
        %dma_start3A_468 = tpu.memref_slice %arg25[%dma_start3A_467] : memref<106496xf32, #tpu.memory_space<vmem_shared>> -> memref<106496xf32, #tpu.memory_space<vmem_shared>>
        tpu.enqueue_indirect_dma source(%dma_start3A_465 : memref<128xf32, #tpu.memory_space<vmem>>) target(%dma_start3A_468 : memref<106496xf32, #tpu.memory_space<vmem_shared>>) offsets(%dma_start3A_466 : memref<128xi32, #tpu.memory_space<vmem>>) semaphore(%arg27 : memref<!tpu.dma_semaphore, #tpu.memory_space<semaphore_mem>>) {add = true}
        %mul3A_469 = arith.constant 128 : i32
        %mul3A_470 = arith.muli %while3A_451, %mul3A_469 : i32
        %mul3A_471 = arith.constant 128 : i32
        %mul3A_472 = arith.muli %while3A_451, %mul3A_471 : i32
        %dma_start3A_473 = tpu.memref_slice %arg22[%mul3A_470] : memref<4160xf32, #tpu.memory_space<vmem>> -> memref<128xf32, #tpu.memory_space<vmem>>
        %dma_start3A_474 = tpu.memref_slice %arg19[%mul3A_472] : memref<4160xi32, #tpu.memory_space<vmem>> -> memref<128xi32, #tpu.memory_space<vmem>>
        %dma_start3A_475 = arith.constant 0 : i32
        %dma_start3A_476 = tpu.memref_slice %arg26[%dma_start3A_475] : memref<106496xf32, #tpu.memory_space<vmem_shared>> -> memref<106496xf32, #tpu.memory_space<vmem_shared>>
        tpu.enqueue_indirect_dma source(%dma_start3A_473 : memref<128xf32, #tpu.memory_space<vmem>>) target(%dma_start3A_476 : memref<106496xf32, #tpu.memory_space<vmem_shared>>) offsets(%dma_start3A_474 : memref<128xi32, #tpu.memory_space<vmem>>) semaphore(%arg27 : memref<!tpu.dma_semaphore, #tpu.memory_space<semaphore_mem>>) {add = true}
        %while3A_477 = arith.constant 0 : i32
        scf.yield %while3A_477 : i32
      }
      %while3A_449 = arith.constant 1 : i32
      %while3A_450 = scf.for %while3A_451 = %while3A_446 to %while3A_442 step %while3A_449 iter_args(%while3A_452 = %while3A_448) -> (i32)  : i32 {
        %mul3A_453 = arith.constant 128 : i32
        %mul3A_454 = arith.muli %while3A_451, %mul3A_453 : i32
        %mul3A_455 = arith.constant 128 : i32
        %mul3A_456 = arith.muli %while3A_451, %mul3A_455 : i32
        %dma_start3A_457 = tpu.memref_slice %arg20[%mul3A_454] : memref<4160xf32, #tpu.memory_space<vmem>> -> memref<128xf32, #tpu.memory_space<vmem>>
        %dma_start3A_458 = tpu.memref_slice %arg19[%mul3A_456] : memref<4160xi32, #tpu.memory_space<vmem>> -> memref<128xi32, #tpu.memory_space<vmem>>
        %dma_start3A_459 = arith.constant 0 : i32
        %dma_start3A_460 = tpu.memref_slice %arg24[%dma_start3A_459] : memref<106496xf32, #tpu.memory_space<vmem_shared>> -> memref<106496xf32, #tpu.memory_space<vmem_shared>>
        tpu.enqueue_indirect_dma source(%dma_start3A_457 : memref<128xf32, #tpu.memory_space<vmem>>) target(%dma_start3A_460 : memref<106496xf32, #tpu.memory_space<vmem_shared>>) offsets(%dma_start3A_458 : memref<128xi32, #tpu.memory_space<vmem>>) semaphore(%arg27 : memref<!tpu.dma_semaphore, #tpu.memory_space<semaphore_mem>>) {add = true}
        %mul3A_461 = arith.constant 128 : i32
        %mul3A_462 = arith.muli %while3A_451, %mul3A_461 : i32
        %mul3A_463 = arith.constant 128 : i32
        %mul3A_464 = arith.muli %while3A_451, %mul3A_463 : i32
        %dma_start3A_465 = tpu.memref_slice %arg21[%mul3A_462] : memref<4160xf32, #tpu.memory_space<vmem>> -> memref<128xf32, #tpu.memory_space<vmem>>
        %dma_start3A_466 = tpu.memref_slice %arg19[%mul3A_464] : memref<4160xi32, #tpu.memory_space<vmem>> -> memref<128xi32, #tpu.memory_space<vmem>>
        %dma_start3A_467 = arith.constant 0 : i32
        %dma_start3A_468 = tpu.memref_slice %arg25[%dma_start3A_467] : memref<106496xf32, #tpu.memory_space<vmem_shared>> -> memref<106496xf32, #tpu.memory_space<vmem_shared>>
        tpu.enqueue_indirect_dma source(%dma_start3A_465 : memref<128xf32, #tpu.memory_space<vmem>>) target(%dma_start3A_468 : memref<106496xf32, #tpu.memory_space<vmem_shared>>) offsets(%dma_start3A_466 : memref<128xi32, #tpu.memory_space<vmem>>) semaphore(%arg27 : memref<!tpu.dma_semaphore, #tpu.memory_space<semaphore_mem>>) {add = true}
        %mul3A_469 = arith.constant 128 : i32
        %mul3A_470 = arith.muli %while3A_451, %mul3A_469 : i32
        %mul3A_471 = arith.constant 128 : i32
        %mul3A_472 = arith.muli %while3A_451, %mul3A_471 : i32
        %dma_start3A_473 = tpu.memref_slice %arg22[%mul3A_470] : memref<4160xf32, #tpu.memory_space<vmem>> -> memref<128xf32, #tpu.memory_space<vmem>>
        %dma_start3A_474 = tpu.memref_slice %arg19[%mul3A_472] : memref<4160xi32, #tpu.memory_space<vmem>> -> memref<128xi32, #tpu.memory_space<vmem>>
        %dma_start3A_475 = arith.constant 0 : i32
        %dma_start3A_476 = tpu.memref_slice %arg26[%dma_start3A_475] : memref<106496xf32, #tpu.memory_space<vmem_shared>> -> memref<106496xf32, #tpu.memory_space<vmem_shared>>
        tpu.enqueue_indirect_dma source(%dma_start3A_473 : memref<128xf32, #tpu.memory_space<vmem>>) target(%dma_start3A_476 : memref<106496xf32, #tpu.memory_space<vmem_shared>>) offsets(%dma_start3A_474 : memref<128xi32, #tpu.memory_space<vmem>>) semaphore(%arg27 : memref<!tpu.dma_semaphore, #tpu.memory_space<semaphore_mem>>) {add = true}
        %while3A_477 = arith.constant 0 : i32
        scf.yield %while3A_477 : i32
      }
      scf.yield %select_n3A_438 : i32
    }
    %scan3A_50 = arith.constant 25 : i32
    %while3A = arith.constant 0 : i32
    %while3A_51 = arith.constant 0 : i32
    %while3A_52 = arith.subi %scan3A_49, %while3A : i32
    %while3A_53 = arith.addi %while3A, %while3A_52 : i32
    %while3A_54 = arith.constant 1 : i32
    %while3A_55 = arith.divsi %while3A_52, %while3A_54 : i32
    %while3A_56 = arith.muli %while3A_55, %while3A_54 : i32
    %while3A_57 = arith.addi %while3A, %while3A_56 : i32
    %while3A_58 = arith.constant 1 : i32
    %while3A_59 = scf.for %while3A_96 = %while3A to %while3A_57 step %while3A_58 iter_args(%while3A_97 = %while3A_51) -> (i32)  : i32 {
      %mul3A_98 = arith.constant 128 : i32
      %mul3A_99 = arith.muli %while3A_96, %mul3A_98 : i32
      %mul3A_100 = arith.constant 128 : i32
      %mul3A_101 = arith.muli %while3A_96, %mul3A_100 : i32
      %dma_wait3A = tpu.memref_slice %arg20[%mul3A_99] : memref<4160xf32, #tpu.memory_space<vmem>> -> memref<128xf32, #tpu.memory_space<vmem>>
      %dma_wait3A_102 = tpu.memref_slice %arg19[%mul3A_101] : memref<4160xi32, #tpu.memory_space<vmem>> -> memref<128xi32, #tpu.memory_space<vmem>>
      %dma_wait3A_103 = arith.constant 0 : i32
      %dma_wait3A_104 = tpu.memref_slice %arg24[%dma_wait3A_103] : memref<106496xf32, #tpu.memory_space<vmem_shared>> -> memref<106496xf32, #tpu.memory_space<vmem_shared>>
      tpu.wait_indirect_dma semaphore(%arg27 : memref<!tpu.dma_semaphore, #tpu.memory_space<semaphore_mem>>) src(%dma_wait3A : memref<128xf32, #tpu.memory_space<vmem>>) dst(%dma_wait3A_104 : memref<106496xf32, #tpu.memory_space<vmem_shared>>)
      %mul3A_105 = arith.constant 128 : i32
      %mul3A_106 = arith.muli %while3A_96, %mul3A_105 : i32
      %mul3A_107 = arith.constant 128 : i32
      %mul3A_108 = arith.muli %while3A_96, %mul3A_107 : i32
      %dma_wait3A_109 = tpu.memref_slice %arg21[%mul3A_106] : memref<4160xf32, #tpu.memory_space<vmem>> -> memref<128xf32, #tpu.memory_space<vmem>>
      %dma_wait3A_110 = tpu.memref_slice %arg19[%mul3A_108] : memref<4160xi32, #tpu.memory_space<vmem>> -> memref<128xi32, #tpu.memory_space<vmem>>
      %dma_wait3A_111 = arith.constant 0 : i32
      %dma_wait3A_112 = tpu.memref_slice %arg25[%dma_wait3A_111] : memref<106496xf32, #tpu.memory_space<vmem_shared>> -> memref<106496xf32, #tpu.memory_space<vmem_shared>>
      tpu.wait_indirect_dma semaphore(%arg27 : memref<!tpu.dma_semaphore, #tpu.memory_space<semaphore_mem>>) src(%dma_wait3A_109 : memref<128xf32, #tpu.memory_space<vmem>>) dst(%dma_wait3A_112 : memref<106496xf32, #tpu.memory_space<vmem_shared>>)
      %mul3A_113 = arith.constant 128 : i32
      %mul3A_114 = arith.muli %while3A_96, %mul3A_113 : i32
      %mul3A_115 = arith.constant 128 : i32
      %mul3A_116 = arith.muli %while3A_96, %mul3A_115 : i32
      %dma_wait3A_117 = tpu.memref_slice %arg22[%mul3A_114] : memref<4160xf32, #tpu.memory_space<vmem>> -> memref<128xf32, #tpu.memory_space<vmem>>
      %dma_wait3A_118 = tpu.memref_slice %arg19[%mul3A_116] : memref<4160xi32, #tpu.memory_space<vmem>> -> memref<128xi32, #tpu.memory_space<vmem>>
      %dma_wait3A_119 = arith.constant 0 : i32
      %dma_wait3A_120 = tpu.memref_slice %arg26[%dma_wait3A_119] : memref<106496xf32, #tpu.memory_space<vmem_shared>> -> memref<106496xf32, #tpu.memory_space<vmem_shared>>
      tpu.wait_indirect_dma semaphore(%arg27 : memref<!tpu.dma_semaphore, #tpu.memory_space<semaphore_mem>>) src(%dma_wait3A_117 : memref<128xf32, #tpu.memory_space<vmem>>) dst(%dma_wait3A_120 : memref<106496xf32, #tpu.memory_space<vmem_shared>>)
      %while3A_121 = arith.constant 0 : i32
      scf.yield %while3A_121 : i32
    }
    %while3A_60 = arith.constant 1 : i32
    %while3A_61 = scf.for %while3A_96 = %while3A_57 to %while3A_53 step %while3A_60 iter_args(%while3A_97 = %while3A_59) -> (i32)  : i32 {
      %mul3A_98 = arith.constant 128 : i32
      %mul3A_99 = arith.muli %while3A_96, %mul3A_98 : i32
      %mul3A_100 = arith.constant 128 : i32
      %mul3A_101 = arith.muli %while3A_96, %mul3A_100 : i32
      %dma_wait3A = tpu.memref_slice %arg20[%mul3A_99] : memref<4160xf32, #tpu.memory_space<vmem>> -> memref<128xf32, #tpu.memory_space<vmem>>
      %dma_wait3A_102 = tpu.memref_slice %arg19[%mul3A_101] : memref<4160xi32, #tpu.memory_space<vmem>> -> memref<128xi32, #tpu.memory_space<vmem>>
      %dma_wait3A_103 = arith.constant 0 : i32
      %dma_wait3A_104 = tpu.memref_slice %arg24[%dma_wait3A_103] : memref<106496xf32, #tpu.memory_space<vmem_shared>> -> memref<106496xf32, #tpu.memory_space<vmem_shared>>
      tpu.wait_indirect_dma semaphore(%arg27 : memref<!tpu.dma_semaphore, #tpu.memory_space<semaphore_mem>>) src(%dma_wait3A : memref<128xf32, #tpu.memory_space<vmem>>) dst(%dma_wait3A_104 : memref<106496xf32, #tpu.memory_space<vmem_shared>>)
      %mul3A_105 = arith.constant 128 : i32
      %mul3A_106 = arith.muli %while3A_96, %mul3A_105 : i32
      %mul3A_107 = arith.constant 128 : i32
      %mul3A_108 = arith.muli %while3A_96, %mul3A_107 : i32
      %dma_wait3A_109 = tpu.memref_slice %arg21[%mul3A_106] : memref<4160xf32, #tpu.memory_space<vmem>> -> memref<128xf32, #tpu.memory_space<vmem>>
      %dma_wait3A_110 = tpu.memref_slice %arg19[%mul3A_108] : memref<4160xi32, #tpu.memory_space<vmem>> -> memref<128xi32, #tpu.memory_space<vmem>>
      %dma_wait3A_111 = arith.constant 0 : i32
      %dma_wait3A_112 = tpu.memref_slice %arg25[%dma_wait3A_111] : memref<106496xf32, #tpu.memory_space<vmem_shared>> -> memref<106496xf32, #tpu.memory_space<vmem_shared>>
      tpu.wait_indirect_dma semaphore(%arg27 : memref<!tpu.dma_semaphore, #tpu.memory_space<semaphore_mem>>) src(%dma_wait3A_109 : memref<128xf32, #tpu.memory_space<vmem>>) dst(%dma_wait3A_112 : memref<106496xf32, #tpu.memory_space<vmem_shared>>)
      %mul3A_113 = arith.constant 128 : i32
      %mul3A_114 = arith.muli %while3A_96, %mul3A_113 : i32
      %mul3A_115 = arith.constant 128 : i32
      %mul3A_116 = arith.muli %while3A_96, %mul3A_115 : i32
      %dma_wait3A_117 = tpu.memref_slice %arg22[%mul3A_114] : memref<4160xf32, #tpu.memory_space<vmem>> -> memref<128xf32, #tpu.memory_space<vmem>>
      %dma_wait3A_118 = tpu.memref_slice %arg19[%mul3A_116] : memref<4160xi32, #tpu.memory_space<vmem>> -> memref<128xi32, #tpu.memory_space<vmem>>
      %dma_wait3A_119 = arith.constant 0 : i32
      %dma_wait3A_120 = tpu.memref_slice %arg26[%dma_wait3A_119] : memref<106496xf32, #tpu.memory_space<vmem_shared>> -> memref<106496xf32, #tpu.memory_space<vmem_shared>>
      tpu.wait_indirect_dma semaphore(%arg27 : memref<!tpu.dma_semaphore, #tpu.memory_space<semaphore_mem>>) src(%dma_wait3A_117 : memref<128xf32, #tpu.memory_space<vmem>>) dst(%dma_wait3A_120 : memref<106496xf32, #tpu.memory_space<vmem_shared>>)
      %while3A_121 = arith.constant 0 : i32
      scf.yield %while3A_121 : i32
    }
    %barrier3A_62 = arith.constant 0 : index
    tpu.barrier barrier_id(%barrier3A_62)
    %mul3A_63 = arith.constant 6656 : i32
    %mul3A_64 = arith.muli %arg1, %mul3A_63 : i32
    %mul3A_65 = arith.constant 3 : i32
    %mul3A_66 = arith.muli %arg0, %mul3A_65 : i32
    %add3A_67 = arith.constant 0 : i32
    %add3A_68 = arith.addi %mul3A_66, %add3A_67 : i32
    %mul3A_69 = arith.constant 106496 : i32
    %mul3A_70 = arith.muli %add3A_68, %mul3A_69 : i32
    %mul3A_71 = arith.constant 6656 : i32
    %mul3A_72 = arith.muli %arg1, %mul3A_71 : i32
    %add3A_73 = arith.addi %mul3A_70, %mul3A_72 : i32
    "tpu.region"() ({
      %run_scoped3A = tpu.sem_alloc : memref<!tpu.dma_semaphore, #tpu.memory_space<semaphore_mem>>
      %dma_start3A_96 = tpu.memref_slice %arg7[%add3A_73] : memref<638976xf32, #tpu.memory_space<hbm>> -> memref<6656xf32, #tpu.memory_space<hbm>>
      %dma_start3A_97 = tpu.memref_slice %arg24[%mul3A_64] : memref<106496xf32, #tpu.memory_space<vmem_shared>> -> memref<6656xf32, #tpu.memory_space<vmem_shared>>
      tpu.enqueue_dma source(%dma_start3A_97 : memref<6656xf32, #tpu.memory_space<vmem_shared>>) target(%dma_start3A_96 : memref<6656xf32, #tpu.memory_space<hbm>>) target_semaphore(%run_scoped3A : memref<!tpu.dma_semaphore, #tpu.memory_space<semaphore_mem>>)
      %dma_wait3A = tpu.memref_slice %arg7[%add3A_73] : memref<638976xf32, #tpu.memory_space<hbm>> -> memref<6656xf32, #tpu.memory_space<hbm>>
      %dma_wait3A_98 = tpu.memref_slice %arg24[%mul3A_64] : memref<106496xf32, #tpu.memory_space<vmem_shared>> -> memref<6656xf32, #tpu.memory_space<vmem_shared>>
      tpu.wait_dma2 semaphore(%run_scoped3A : memref<!tpu.dma_semaphore, #tpu.memory_space<semaphore_mem>>) src(%dma_wait3A_98 : memref<6656xf32, #tpu.memory_space<vmem_shared>>) dst(%dma_wait3A : memref<6656xf32, #tpu.memory_space<hbm>>)
      tpu.yield
    }) : () -> ()
    %mul3A_74 = arith.constant 6656 : i32
    %mul3A_75 = arith.muli %arg1, %mul3A_74 : i32
    %mul3A_76 = arith.constant 3 : i32
    %mul3A_77 = arith.muli %arg0, %mul3A_76 : i32
    %add3A_78 = arith.constant 1 : i32
    %add3A_79 = arith.addi %mul3A_77, %add3A_78 : i32
    %mul3A_80 = arith.constant 106496 : i32
    %mul3A_81 = arith.muli %add3A_79, %mul3A_80 : i32
    %mul3A_82 = arith.constant 6656 : i32
    %mul3A_83 = arith.muli %arg1, %mul3A_82 : i32
    %add3A_84 = arith.addi %mul3A_81, %mul3A_83 : i32
    "tpu.region"() ({
      %run_scoped3A = tpu.sem_alloc : memref<!tpu.dma_semaphore, #tpu.memory_space<semaphore_mem>>
      %dma_start3A_96 = tpu.memref_slice %arg7[%add3A_84] : memref<638976xf32, #tpu.memory_space<hbm>> -> memref<6656xf32, #tpu.memory_space<hbm>>
      %dma_start3A_97 = tpu.memref_slice %arg25[%mul3A_75] : memref<106496xf32, #tpu.memory_space<vmem_shared>> -> memref<6656xf32, #tpu.memory_space<vmem_shared>>
      tpu.enqueue_dma source(%dma_start3A_97 : memref<6656xf32, #tpu.memory_space<vmem_shared>>) target(%dma_start3A_96 : memref<6656xf32, #tpu.memory_space<hbm>>) target_semaphore(%run_scoped3A : memref<!tpu.dma_semaphore, #tpu.memory_space<semaphore_mem>>)
      %dma_wait3A = tpu.memref_slice %arg7[%add3A_84] : memref<638976xf32, #tpu.memory_space<hbm>> -> memref<6656xf32, #tpu.memory_space<hbm>>
      %dma_wait3A_98 = tpu.memref_slice %arg25[%mul3A_75] : memref<106496xf32, #tpu.memory_space<vmem_shared>> -> memref<6656xf32, #tpu.memory_space<vmem_shared>>
      tpu.wait_dma2 semaphore(%run_scoped3A : memref<!tpu.dma_semaphore, #tpu.memory_space<semaphore_mem>>) src(%dma_wait3A_98 : memref<6656xf32, #tpu.memory_space<vmem_shared>>) dst(%dma_wait3A : memref<6656xf32, #tpu.memory_space<hbm>>)
      tpu.yield
    }) : () -> ()
    %mul3A_85 = arith.constant 6656 : i32
    %mul3A_86 = arith.muli %arg1, %mul3A_85 : i32
    %mul3A_87 = arith.constant 3 : i32
    %mul3A_88 = arith.muli %arg0, %mul3A_87 : i32
    %add3A_89 = arith.constant 2 : i32
    %add3A_90 = arith.addi %mul3A_88, %add3A_89 : i32
    %mul3A_91 = arith.constant 106496 : i32
    %mul3A_92 = arith.muli %add3A_90, %mul3A_91 : i32
    %mul3A_93 = arith.constant 6656 : i32
    %mul3A_94 = arith.muli %arg1, %mul3A_93 : i32
    %add3A_95 = arith.addi %mul3A_92, %mul3A_94 : i32
    "tpu.region"() ({
      %run_scoped3A = tpu.sem_alloc : memref<!tpu.dma_semaphore, #tpu.memory_space<semaphore_mem>>
      %dma_start3A_96 = tpu.memref_slice %arg7[%add3A_95] : memref<638976xf32, #tpu.memory_space<hbm>> -> memref<6656xf32, #tpu.memory_space<hbm>>
      %dma_start3A_97 = tpu.memref_slice %arg26[%mul3A_86] : memref<106496xf32, #tpu.memory_space<vmem_shared>> -> memref<6656xf32, #tpu.memory_space<vmem_shared>>
      tpu.enqueue_dma source(%dma_start3A_97 : memref<6656xf32, #tpu.memory_space<vmem_shared>>) target(%dma_start3A_96 : memref<6656xf32, #tpu.memory_space<hbm>>) target_semaphore(%run_scoped3A : memref<!tpu.dma_semaphore, #tpu.memory_space<semaphore_mem>>)
      %dma_wait3A = tpu.memref_slice %arg7[%add3A_95] : memref<638976xf32, #tpu.memory_space<hbm>> -> memref<6656xf32, #tpu.memory_space<hbm>>
      %dma_wait3A_98 = tpu.memref_slice %arg26[%mul3A_86] : memref<106496xf32, #tpu.memory_space<vmem_shared>> -> memref<6656xf32, #tpu.memory_space<vmem_shared>>
      tpu.wait_dma2 semaphore(%run_scoped3A : memref<!tpu.dma_semaphore, #tpu.memory_space<semaphore_mem>>) src(%dma_wait3A_98 : memref<6656xf32, #tpu.memory_space<vmem_shared>>) dst(%dma_wait3A : memref<6656xf32, #tpu.memory_space<hbm>>)
      tpu.yield
    }) : () -> ()
    return
  }
}

module attributes {stable_mosaic.version = 14 : i64} {
  func.func @_combine_body(%arg0: memref<2x3x106496xf32, #tpu.memory_space<vmem>>, %arg1: memref<3x106496xf32, #tpu.memory_space<vmem>>) attributes {dimension_semantics = [], scalar_prefetch = 0 : i64, scratch_operands = 0 : i64, tpu.core_type = #tpu.core_type<tc>} {
    %get3A = arith.constant 0 : index
    %get3A_0 = arith.constant 0 : index
    %get3A_1 = arith.constant 0 : index
    %get3A_2 = vector.load %arg0[%get3A, %get3A_0, %get3A_1] : memref<2x3x106496xf32, #tpu.memory_space<vmem>>, vector<1x3x106496xf32>
    %get3A_3 = vector.shape_cast %get3A_2 : vector<1x3x106496xf32> to vector<3x106496xf32>
    %get3A_4 = arith.constant 1 : index
    %get3A_5 = arith.constant 0 : index
    %get3A_6 = arith.constant 0 : index
    %get3A_7 = vector.load %arg0[%get3A_4, %get3A_5, %get3A_6] : memref<2x3x106496xf32, #tpu.memory_space<vmem>>, vector<1x3x106496xf32>
    %get3A_8 = vector.shape_cast %get3A_7 : vector<1x3x106496xf32> to vector<3x106496xf32>
    %add3A = arith.addf %get3A_3, %get3A_8 : vector<3x106496xf32>
    %swap3A = arith.constant 0 : index
    %swap3A_9 = arith.constant 0 : index
    %swap3A_10 = vector.load %arg1[%swap3A, %swap3A_9] : memref<3x106496xf32, #tpu.memory_space<vmem>>, vector<3x106496xf32>
    tpu.vector_store %arg1[%swap3A, %swap3A_9], %add3A {strides = array<i32>} : memref<3x106496xf32, #tpu.memory_space<vmem>>, vector<3x106496xf32>,
    return
  }
}

</mosaic_0001>

<sc_bundles>
// kernel: kernel.4.cloned.1.call-start
scs
__scs_entry_jumppad:
0x0: {  	(pc) =	sbr.rel $0x88, $3  }
0x1: {  	(tag) =	ssettag $0x0;
	lr =	simm.s32 $0x1  }
0x2: {  	[smem:$0x3F9E] =	sst lr;
	_ =	strace $0xD0000000  }
0x3: {  	_ = 	snop  }
0x4: {  	_ = 	snop  }
0x5: {  	_ = 	snop  }
0x6: {  	_ = 	snop  }
0x7: {  	_ = 	snop  }
__scs_overlays_trampoline_lowered:
0x8: {  	[smem:$0x3FAD] =	sst s0  }
0x9: {  	[smem:$0x3FAE] =	sst s1  }
0xa: {  	[smem:$0x3FAF] =	sst s2  }
0xb: {  	[smem:$0x3FB0] =	sst s3  }
0xc: {  	[smem:$0x3FB1] =	sst s4  }
0xd: {  	[smem:$0x3FB2] =	sst s5  }
0xe: {  	[smem:$0x3FB3] =	sst s6  }
0xf: {  	[smem:$0x3FB4] =	sst s7  }
0x10: {  	[smem:$0x3FB5] =	sst s8  }
0x11: {  	[smem:$0x3FB6] =	sst s9;
	s0 =	simm.s32 @!p0 $0x0  }
0x12: {  	s1 =	sld [smem:$0x3F9C];
	s0 =	simm.s32 @p0 $0x1  }
0x13: {  	[smem:$0x3FB7] =	sst s0;
	s0 =	simm.s32 @!p1 $0x0  }
0x14: {  	s2 =	sld [smem:$0x3F9B];
	s0 =	simm.s32 @p1 $0x1  }
0x15: {  	[smem:$0x3FB8] =	sst s0;
	s0 =	simm.s32 @!p2 $0x0  }
0x16: {  	s3 =	sld [smem:$0x3FDB];
	s0 =	simm.s32 @p2 $0x1  }
0x17: {  	s4 =	simm.s32 $0x1BF5;
	[smem:$0x3FBA] =	sst s0  }
0x18: {  	s0 =	sld [smem:$0x3F9D];
	_ =	swait.ge [sflag:s4], $0x0  }
0x19: {  	s7 =	sld [smem:$0x3F9E]  }
0x1a: {  	s8 =	sadd.s32 $0xFFFFE003, lr  }
0x1b: {  	s9 =	sadd.s32 $0xFFFFFEF7, lr;
	s5 =	simm.s32 $0xFFFFFFFF;
	p2 =	slt.u32 s8, $0xFFFFF086  }
0x1c: {  	p1 =	slt.u32 s9, $0xF7A;
	s5 =	simm.s32 @!p2 $0x0  }
0x1d: {  	s5 =	simm.s32 @p1 $0x1;
	p0 =	seq.s32 s7, s2  }
0x1e: {  	s7 =	smul.u32 @!p0 $0xF7A, s2;
	p2 =	seq.s32 @!p0 s5, $0x0  }
0x1f: {  	s9 =	smul.u32 $0xF7A, s1;
	s8 =	simm.s32 @!p0 $0x1BF5;
	p2 =	por !p2, p0  }
0x20: {  	[sflag:s8] =	ssyncset.s32 @!p0 $0xFFFFF086;
	s6 =	sadd.s32 @!p0 s3, s7;
	s7 =	simm.s32 @!p0 $0x108  }
0x21: {  	s3 =	sadd.s32 s3, s9;
	s6 =	sadd.s32 @!p0 $0x88, s6;
	s7 =	simm.s32 @p2 $0x1082  }
0x22: {  	[simem:s7], [sflag:s8] =	dma.local @!p0 [hbm:s6], $0xF7A  }
0x23: {  	s9 =	sor.u32 $0xD0000000, s2;
	s6 =	simm.s32 $0x108;
	_ =	swait.ge @!p0 [sflag:s8], $0x0  }
0x24: {  	s3 =	sadd.s32 $0x88, s3;
	s6 =	simm.s32 @!p1 $0x1082;
	[sflag:s4] =	ssyncset.s32 $0xFFFFF086  }
0x25: {  	[simem:s6], [sflag:s4] =	dma.local [hbm:s3], $0xF7A  }
0x26: {  	[smem:$0x3F9E] =	sst s1;
	(tag) =	ssettag s2;
	_ =	strace s9  }
0x27: {  	s1 =	sld [smem:$0x3FAE]  }
0x28: {  	s2 =	sld [smem:$0x3FAF]  }
0x29: {  	s4 =	sld [smem:$0x3FB1]  }
0x2a: {  	p0 =	seq.s32 s5, $0x0;
	s5 =	sld [smem:$0x3FB2]  }
0x2b: {  	s6 =	sld [smem:$0x3FB3]  }
0x2c: {  	s7 =	sld [smem:$0x3FB4]  }
0x2d: {  	s3 =	simm.s32 $0x108;
	s8 =	sld [smem:$0x3FB5]  }
0x2e: {  	s3 =	simm.s32 @!p0 $0x1082;
	s9 =	sld [smem:$0x3FB6]  }
0x2f: {  	lr =	sadd.s32 s0, s3;
	s0 =	sld [smem:$0x3FAD]  }
0x30: {  	s3 =	sld [smem:$0x3FB0]  }
0x31: {  	[smem:$0x3FB9] =	sst s10  }
0x32: {  	s10 =	sld [smem:$0x3FB7];
	_ =	sdelay $0x3  }
0x33: {  	p0 =	seq.s32 s10, $0x1;
	s10 =	sld [smem:$0x3FB9];
	_ =	sdelay $0x3  }
0x34: {  	[smem:$0x3FB9] =	sst s10  }
0x35: {  	s10 =	sld [smem:$0x3FB8];
	_ =	sdelay $0x3  }
0x36: {  	p1 =	seq.s32 s10, $0x1;
	s10 =	sld [smem:$0x3FB9];
	_ =	sdelay $0x3  }
0x37: {  	[smem:$0x3FB9] =	sst s10  }
0x38: {  	s10 =	sld [smem:$0x3FBA]  }
0x39: {  	_ = 	snop;
	(pc) =	sbr.ind lr, $3  }
0x3a: {  	_ = 	snop  }
0x3b: {  	_ = 	snop  }
0x3c: {  	p2 =	seq.s32 s10, $0x1;
	s10 =	sld [smem:$0x3FB9]  }
0x3d: {  	_ =	shalt  }
0x3e: {  	_ =	shalt  }
0x3f: {  	_ =	shalt  }
0x40: {  	_ =	shalt  }
0x41: {  	_ =	shalt  }
0x42: {  	_ =	shalt  }
0x43: {  	_ =	shalt  }
0x44: {  	_ =	shalt  }
0x45: {  	_ =	shalt  }
0x46: {  	_ =	shalt  }
0x47: {  	_ =	shalt  }
0x48: {  	_ =	shalt  }
0x49: {  	_ =	shalt  }
0x4a: {  	_ =	shalt  }
0x4b: {  	_ =	shalt  }
0x4c: {  	_ =	shalt  }
0x4d: {  	_ =	shalt  }
0x4e: {  	_ =	shalt  }
0x4f: {  	_ =	shalt  }
0x50: {  	_ =	shalt  }
0x51: {  	_ =	shalt  }
0x52: {  	_ =	shalt  }
0x53: {  	_ =	shalt  }
0x54: {  	_ =	shalt  }
0x55: {  	_ =	shalt  }
0x56: {  	_ =	shalt  }
0x57: {  	_ =	shalt  }
0x58: {  	_ =	shalt  }
0x59: {  	_ =	shalt  }
0x5a: {  	_ =	shalt  }
0x5b: {  	_ =	shalt  }
0x5c: {  	_ =	shalt  }
0x5d: {  	_ =	shalt  }
0x5e: {  	_ =	shalt  }
0x5f: {  	_ =	shalt  }
0x60: {  	_ =	shalt  }
0x61: {  	_ =	shalt  }
0x62: {  	_ =	shalt  }
0x63: {  	_ =	shalt  }
0x64: {  	_ =	shalt  }
0x65: {  	_ =	shalt  }
0x66: {  	_ =	shalt  }
0x67: {  	_ =	shalt  }
0x68: {  	_ =	shalt  }
0x69: {  	_ =	shalt  }
0x6a: {  	_ =	shalt  }
0x6b: {  	_ =	shalt  }
0x6c: {  	_ =	shalt  }
0x6d: {  	_ =	shalt  }
0x6e: {  	_ =	shalt  }
0x6f: {  	_ =	shalt  }
0x70: {  	_ =	shalt  }
0x71: {  	_ =	shalt  }
0x72: {  	_ =	shalt  }
0x73: {  	_ =	shalt  }
0x74: {  	_ =	shalt  }
0x75: {  	_ =	shalt  }
0x76: {  	_ =	shalt  }
0x77: {  	_ =	shalt  }
0x78: {  	_ =	shalt  }
0x79: {  	_ =	shalt  }
0x7a: {  	_ =	shalt  }
0x7b: {  	_ =	shalt  }
0x7c: {  	_ =	shalt  }
0x7d: {  	_ =	shalt  }
0x7e: {  	_ =	shalt  }
0x7f: {  	_ =	shalt  }
0x80: {  	_ =	shalt  }
0x81: {  	_ =	shalt  }
0x82: {  	_ =	shalt  }
0x83: {  	_ =	shalt  }
0x84: {  	_ =	shalt  }
0x85: {  	_ =	shalt  }
0x86: {  	_ =	shalt  }
0x87: {  	_ =	shalt  }
.Lfunc_end0:
.L_simem_size_0:
called_computation_lowered:
.L_overlay_start_0:
0x88: {  	s2 =	sld [smem:$0x3FD9]  }
0x89: {  	s3 =	sld [smem:$0x3FFE];
	_ =	sdelay $0x1  }
0x8a: {  	s1 =	srdreg.scid  }
0x8b: {  	s0 =	sand.u32 $0x1, s1  }
0x8c: {  	s17 =	sshll.u32 s0, $0xA;
	s2 =	sadd.s32 s3, s2  }
0x8d: {  	s2 =	sadd.s32 s2, s17  }
0x8e: {  	[smem:$0x3FC5] =	sst s2  }
0x8f: {  	_ = 	snop  }
0x90: {  	s2 =	sld [smem:$0x3FC9]  }
0x91: {  	s18 =	sld [smem:$0x3FC7];
	(tm) =	ssettm $0x1  }
0x92: {  	s4 =	sld [smem:$0x3FFB];
	_ =	sdelay $0x3  }
0x93: {  	_ =	strace s4  }
0x94: {  	s4 =	sld [smem:$0x3FFC];
	_ =	sdelay $0x3  }
0x95: {  	_ =	strace s4  }
0x96: {  	s4 =	sld [smem:$0x3FFD];
	_ =	sdelay $0x3  }
0x97: {  	_ =	strace s4  }
0x98: {  	_ =	strace $0x8FFFFFFF  }
0x99: {  	s19 =	sld [smem:$0x3FDB];
	_ =	sdelay $0x1  }
0x9a: {  	s5 =	simm.s32 $_scs_section_size  }
0x9b: {  	s6 =	simm.s32 $_size__tile_overlayer_lowered;
	s7 =	simm.s32 $_tile_overlayer_lowered  }
0x9c: {  	s22 =	simm.s32 $0x1BFF;
	s21 =	sshll.u32 s7, $0x1;
	s4 =	sadd.s32 s5, s19  }
0x9d: {  	s8 =	simm.s32 $0x0;
	s20 =	sshll.u32 s6, $0x1;
	s6 =	sadd.s32 s21, s4  }
0x9e: {  	[timem:s8], [sflag:s22] =	dma.local [hbm:s6], s20  }
0x9f: {  	_ =	swait.ge [sflag:s22], s20  }
0xa0: {  	s5 =	ssub.s32 $0x0, s20;
	[sflag:s22] =	ssyncset.done $0x0  }
0xa1: {  	[sflag:s22] =	ssyncadd.s32 s5;
	_ =	sdelay $0x1  }
0xa2: {  	s23 =	simm.s32 $0x1B8B  }
0xa3: {  	_ =	swait.ge [sflag:s23], $0x1  }
0xa4: {  	[sflag:s23] =	ssyncset.done $0x0  }
0xa5: {  	s25 =	simm.s32 $0x1B8E;
	s24 =	sld [smem:$0x3FFE];
	[sflag:s23] =	ssyncadd.s32 $0xFFFFFFFF  }
0xa6: {  	s26 =	simm.s32 $execute0_lowered;
	[smem:$0x3FD2] =	sst s25  }
0xa7: {  	s6 =	sshll.u32 s26, $0x1;
	_ =	strace $0x80000046;
	[dreg:$0x1] =	wrdreg $0xFFFFFFFF  }
0xa8: {  	s28 =	simm.s32 $_size_execute0_lowered;
	s4 =	sadd.s32 s4, s6;
	[dreg:$0x0] =	wrdreg $0x0  }
0xa9: {  	s6 =	sshll.u32 s28, $0x1;
	[dreg:$0x2] =	wrdreg s4  }
0xaa: {  	[dreg:$0x3] =	wrdreg s6  }
0xab: {  	[dreg:$0x4] =	wrdreg $0xC0  }
0xac: {  	_ =	task [dreg:s8], $0x5FFFF  }
0xad: {  	[dreg:$0x1] =	wrdreg $0xFFFFFFFF  }
0xae: {  	[dreg:$0x0] =	wrdreg $0x60  }
0xaf: {  	[dreg:$0x2] =	wrdreg s2  }
0xb0: {  	[dreg:$0x3] =	wrdreg s24  }
0xb1: {  	[dreg:$0x4] =	wrdreg s18  }
0xb2: {  	[dreg:$0x5] =	wrdreg $0x12B000  }
0xb3: {  	[dreg:$0x6] =	wrdreg $0x145000  }
0xb4: {  	[dreg:$0x7] =	wrdreg $0x15F000  }
0xb5: {  	[dreg:$0x8] =	wrdreg $0x9  }
0xb6: {  	_ =	task.clear_ibuf [dreg:s8], $0x9FFFF;
	_ =	strace $0x90000046  }
0xb7: {  	s29 =	simm.s32 $0x9;
	_ =	strace $0x80000048  }
0xb8: {  	_ =	swait.ge [sflag:s29], $0x1  }
0xb9: {  	[sflag:s29] =	ssyncadd.s32 $0xFFFFFFFF  }
0xba: {  	_ =	strace $0x90000048  }
0xbb: {  	_ =	sfence  }
0xbc: {  	s30 =	sld [smem:$0x0];
	_ =	sdelay $0x2  }
0xbd: {  	s31 =	sshll.u32 s1, $0xD;
	s1 =	sshrl.u32 s1, $0x2  }
0xbe: {  	s3 =	sand.u32 $0x4000, s31;
	s1 =	sadd.s32 s1, s30  }
0xbf: {  	s0 =	sor.u32 s3, s0;
	s1 =	sshll.u32 s1, $0x11  }
0xc0: {  	s0 =	sor.u32 s1, s0  }
0xc1: {  	s0 =	sadd.s32 $0x8F2B, s0  }
0xc2: {  	[sflag:s0] =	ssyncadd.remote.s32 $0x1  }
0xc3: {  	_ =	sfence.sel $0xFFFF  }
0xc4: {  	[dreg:$0x0] =	wrdreg $0xFFFFFFFF;
	(pc) =	sbr.abs _section_cstart, $3  }
0xc5: {  	[dreg:$0x1] =	wrdreg $0xFFFFFFFF  }
0xc6: {  	_ =	task.clear_ibuf [dreg:s8], $0x2FFFF;
	_ =	strace $0x9FFFFFFF  }
0xc7: {  	(tm) =	ssettm $0x7FFFFFFF  }
tec
execute0_lowered:
.L_overlay_start_1:
0x0: {  	(tag) =	ssettag $0x1  }
0x1: {  	s31 =	rddreg [dreg:$0x0]  }
0x2: {  	s0 =	rddreg [dreg:$0x1]  }
0x3: {  	s7 =	rddreg [dreg:$0x2]  }
0x4: {  	s3 =	rddreg [dreg:$0x3]  }
0x5: {  	s5 =	rddreg [dreg:$0x4]  }
0x6: {  	s6 =	rddreg [dreg:$0x5]  }
0x7: {  	s1 =	srdreg.scid;
	s8 =	stileid.u32  }
0x8: {  	s4 =	simm.s32 $0x0;
	s15 =	simm.s32 $0x1;
	s16 =	simm.s32 $0x4000  }
0x9: {  	s17 =	simm.s32 $0xA000;
	s18 =	simm.s32 $0xCF00;
	s1 =	sand.u32 $0x1, s1  }
0xa: {  	s2 =	smul.u32 $0x1A00, s8;
	[smem:$0x7FF] =	sst s4;
	s9 =	sadd.s32 $0x187200, s0  }
0xb: {  	s10 =	sadd.s32 $0xC3C00, s0;
	_ =	strace $0x80000047;
	[dreg:$0x7] =	wrdreg s9  }
0xc: {  	s12 =	sadd.s32 $0x600, s0;
	s19 =	smul.u32 $0x4E000, s1;
	[dreg:$0x8] =	wrdreg s10  }
0xd: {  	s11 =	ssub.s32 $0x2, s1;
	s1 =	sshll.u32 s1, $0x4;
	[dreg:$0x9] =	wrdreg s12  }
0xe: {  	s20 =	sshrl.u32 s11, $0x1;
	s8 =	sor.u32 s8, s1;
	s13 =	sadd.s32 s2, s5  }
0xf: {  	s4 =	sadd.s32 s2, s19;
	s21 =	ssub.s32 s11, s20;
	[dreg:$0xa] =	wrdreg s8  }
0x10: {  	s11 =	sadd.s32 s2, s3;
	s2 =	sadd.s32 s2, s6;
	[dreg:$0xc] =	wrdreg s13  }
0x11: {  	s22 =	smul.u32 $0x1F4, s8;
	s26 =	sor.u32 $0x40, s8;
	[dreg:$0xd] =	wrdreg s2  }
0x12: {  	s23 =	sshll.u32 s8, $0x4;
	s8 =	simm.s32 $0x3;
	[dreg:$0x13] =	wrdreg s26  }
0x13: {  	s19 =	simm.s32 $0xDF80;
	s30 =	smax.u32 s21, $0x1;
	[dreg:$0xb] =	wrdreg s11  }
0x14: {  	s4 =	sshrl.u32 s4, $0x3;
	s14 =	sadd.s32 s31, s22;
	[dreg:$0x17] =	wrdreg s30  }
0x15: {  	s2 =	sadd.s32 $0x186A0, s23;
	s24 =	sadd.s32 s7, s22;
	[dreg:$0xe] =	wrdreg s14  }
0x16: {  	s21 =	simm.s32 $0xF000;
	s9 =	sadd.s32 s9, s22;
	[dreg:$0xf] =	wrdreg s24  }
0x17: {  	s0 =	sadd.s32 s4, s0;
	s25 =	sadd.s32 s10, s22;
	[dreg:$0x10] =	wrdreg s9  }
.Ltmp0:
0x18: {  	s4 =	sadd.s32 s12, s22;
	[dreg:$0x11] =	wrdreg s25;
	(pc) =	sbr.rel .LBB2_1-.Ltmp0, $4  }
0x19: {  	v63 =	vlaneseq.u32;
	s23 =	simm.s32 $0x80;
	[dreg:$0x12] =	wrdreg s4;
	s28 =	sadd.s32 $0x24A800, s0  }
0x1a: {  	v1 =	vadd.s32 $0x7FFFFFFF, v63;
	s22 =	simm.s32 $0x10080;
	s29 =	sadd.s32 $0x24DC00, s0;
	[dreg:$0x14] =	wrdreg s28  }
0x1b: {  	[tilespmem:$0x1FFF0] =	vst v1;
	v0 =	vor.u32 s2, v63;
	s2 =	simm.s32 $0x0;
	s0 =	sadd.s32 $0x251000, s0;
	[dreg:$0x15] =	wrdreg s29  }
0x1c: {  	vm14 =	vcmask $0x3F3C;
	[tilespmem:$0x1FFE0] =	vst v0;
	v0 =	vimm.f32 $0.0e+00;
	s24 =	simm.s32 $0x9000;
	[dreg:$0x16] =	wrdreg s0;
	s0 =	simm.s32 $0x2  }
.LBB2_26:
0x1d: {  	[sflag:s15] =	ssyncadd.s32 $0xFFFFFF80  }
.LBB2_27:
0x1e: {  	s1 =	stileid.u32;
	[bflag:$0x0] =	sbarrier.arrive $0xFFFF  }
0x1f: {  	s8 =	simm.s32 $0x3;
	s1 =	sshll.u32 s1, $0x6;
	s11 =	rddreg [dreg:$0xb]  }
0x20: {  	s4 =	rddreg [dreg:$0x14];
	s1 =	sor.u32 $0x1C03, s1;
	s2 =	sshrl.u32 s11, $0x3  }
0x21: {  	[hbm:s4], [sflag:s1] =	dma.local [spmem:s2], $0x340  }
0x22: {  	_ =	swait.ge [sflag:s8], $0x340  }
0x23: {  	[sflag:s8] =	ssyncset.done $0x0;
	s13 =	rddreg [dreg:$0xc]  }
0x24: {  	s25 =	rddreg [dreg:$0x15];
	[sflag:s8] =	ssyncadd.s32 $0xFFFFFCC0;
	s20 =	sshrl.u32 s13, $0x3  }
0x25: {  	[hbm:s25], [sflag:s1] =	dma.local [spmem:s20], $0x340  }
0x26: {  	_ =	swait.ge [sflag:s8], $0x340  }
0x27: {  	[sflag:s8] =	ssyncset.done $0x0;
	s26 =	rddreg [dreg:$0xd]  }
0x28: {  	s28 =	rddreg [dreg:$0x16];
	[sflag:s8] =	ssyncadd.s32 $0xFFFFFCC0;
	s2 =	sshrl.u32 s26, $0x3  }
0x29: {  	[hbm:s28], [sflag:s1] =	dma.local [spmem:s2], $0x340  }
0x2a: {  	_ =	swait.ge [sflag:s8], $0x340  }
0x2b: {  	s29 =	rddreg [dreg:$0x18]  }
0x2c: {  	s30 =	rddreg [dreg:$0x17];
	s2 =	sadd.s32 $0x1, s29  }
0x2d: {  	p0 =	sne.s32 s2, s30  }
.Ltmp1:
0x2e: {  	_ = 	snop;
	(pc) =	sbr.rel @!p0 .LBB2_28-.Ltmp1, $3  }
0x2f: {  	_ =	sdelay $0x1  }
0x30: {  	[sflag:s8] =	ssyncset.done $0x0  }
0x31: {  	[sflag:s8] =	ssyncadd.s32 $0xFFFFFCC0  }
.LBB2_1:
0x32: {  	[dreg:$0x18] =	wrdreg s2;
	s1 =	simm.s32 $0x40;
	s2 =	simm.s32 $0x0  }
.LBB2_2:
0x33: {  	p0 =	sne.s32 s1, $0x67C0;
	[tilespmem:s2+$0x11100] =	vst v0;
	s2 =	smov.u32 s1;
	s1 =	sadd.s32 $0x40, s1  }
.Ltmp2:
0x34: {  	(pc) =	sbr.rel @p0 .LBB2_2-.Ltmp2, $2  }
0x35: {  	_ =	sdelay $0x2  }
0x36: {  	s2 =	sshra.s32 s2, $0x2  }
0x37: {  	[tilespmem:s2+$0x11100] =	vst v0;
	s12 =	simm.s32 $0x11100  }
0x38: {  	[spmem:s11] =	stream.linear.scatter [tilespmem:s12], [sflag:$0x3], $0x1A00, $0x38;
	[tilespmem:$0x17900] =	vst v63  }
0x39: {  	_ =	swait.ge [sflag:s8], $0x1A00  }
0x3a: {  	[sflag:s8] =	ssyncset.done $0x0  }
0x3b: {  	[sflag:s8] =	ssyncadd.s32 $0xFFFFE600  }
0x3c: {  	[spmem:s13] =	stream.linear.scatter [tilespmem:s12], [sflag:$0x3], $0x1A00, $0x38;
	[tilespmem:$0x17900] =	vst v63  }
0x3d: {  	_ =	swait.ge [sflag:s8], $0x1A00  }
0x3e: {  	[sflag:s8] =	ssyncset.done $0x0  }
0x3f: {  	s1 =	rddreg [dreg:$0xd];
	[sflag:s8] =	ssyncadd.s32 $0xFFFFE600  }
0x40: {  	[spmem:s1] =	stream.linear.scatter [tilespmem:s12], [sflag:$0x3], $0x1A00, $0x38;
	[tilespmem:$0x17900] =	vst v63  }
0x41: {  	_ =	swait.ge [sflag:s8], $0x1A00  }
0x42: {  	[sflag:s8] =	ssyncset.done $0x0  }
0x43: {  	[sflag:s8] =	ssyncadd.s32 $0xFFFFE600  }
0x44: {  	v0 =	vimm.s32 $0xFFFFFFFF;
	[bflag:$0x0] =	sbarrier.arrive $0xFFFF  }
0x45: {  	[tilespmem:$0x4000] =	vst v0  }
0x46: {  	[tilespmem:$0x4FB0] =	vst v0  }
0x47: {  	[tilespmem:$0x9000] =	vst v0  }
0x48: {  	s1 =	simm.s32 $0x0;
	[tilespmem:$0x9FB0] =	vst v0;
	s13 =	rddreg [dreg:$0xe]  }
0x49: {  	[tilespmem:s1], [sflag:$0x2] =	stream.linear.gather [hbm4b:s13+s1], $0xFA0, $0x38;
	[tilespmem:$0x17900] =	vst v63  }
0x4a: {  	s4 =	simm.s32 $0x4010;
	s14 =	rddreg [dreg:$0xf]  }
0x4b: {  	[tilespmem:s4], [sflag:$0x2] =	stream.linear.gather [hbm4b:s14+s1], $0xFA0, $0x38;
	[tilespmem:$0x17900] =	vst v63  }
0x4c: {  	s25 =	simm.s32 $0x1000;
	s20 =	rddreg [dreg:$0x10]  }
0x4d: {  	[tilespmem:s25], [sflag:$0x2] =	stream.linear.gather [hbm4b:s20+s1], $0xFA0, $0x38;
	[tilespmem:$0x17900] =	vst v63  }
.Ltmp3:
0x4e: {  	_ = 	snop;
	(pc) =	sbr.rel .LBB2_4-.Ltmp3, $4  }
0x4f: {  	s28 =	simm.s32 $0x2000;
	s26 =	rddreg [dreg:$0x11]  }
0x50: {  	[tilespmem:s28], [sflag:$0x2] =	stream.linear.gather [hbm4b:s26+s1], $0xFA0, $0x38;
	[tilespmem:$0x17900] =	vst v63  }
0x51: {  	s30 =	simm.s32 $0x3000;
	s12 =	simm.s32 $0x0;
	s29 =	rddreg [dreg:$0x12]  }
0x52: {  	[tilespmem:s30], [sflag:$0x2] =	stream.linear.gather [hbm4b:s29+s1], $0xFA0, $0x38;
	[tilespmem:$0x17900] =	vst v63  }
.LBB2_29:
0x53: {  	s12 =	sadd.s32 $0x1, s12  }
0x54: {  	p0 =	seq.s32 s12, $0x19  }
.Ltmp4:
0x55: {  	_ = 	snop;
	(pc) =	sbr.rel @p0 .LBB2_27-.Ltmp4, $2  }
0x56: {  	_ =	sdelay $0x2  }
0x57: {  	v0 =	vimm.f32 $0.0e+00;
	v1 =	vld [tilespmem:$0x1FFF0]  }
.LBB2_4:
0x58: {  	_ =	swait.ge [sflag:s0], $0xFA0  }
0x59: {  	[sflag:s0] =	ssyncset.done $0x0  }
0x5a: {  	[sflag:s0] =	ssyncadd.s32 $0xFFFFF060  }
0x5b: {  	_ =	swait.ge [sflag:s0], $0xFA0  }
0x5c: {  	[sflag:s0] =	ssyncset.done $0x0  }
0x5d: {  	[sflag:s0] =	ssyncadd.s32 $0xFFFFF060  }
0x5e: {  	_ =	swait.ge [sflag:s0], $0xFA0  }
0x5f: {  	[sflag:s0] =	ssyncset.done $0x0  }
0x60: {  	[sflag:s0] =	ssyncadd.s32 $0xFFFFF060  }
0x61: {  	_ =	swait.ge [sflag:s0], $0xFA0  }
0x62: {  	s13 =	sshll.u32 s12, $0x6;
	s2 =	rddreg [dreg:$0xa]  }
0x63: {  	[sflag:s0] =	ssyncset.done $0x0;
	s2 =	sor.u32 s13, s2  }
0x64: {  	[sflag:s0] =	ssyncadd.s32 $0xFFFFF060;
	s2 =	smul.u32 $0x1F4, s2  }
0x65: {  	_ =	swait.ge [sflag:s0], $0xFA0  }
0x66: {  	s8 =	simm.s32 $0x0;
	[sflag:s0] =	ssyncset.done $0x0;
	s2 =	sadd.s32 $0x3E80, s2  }
0x67: {  	s9 =	simm.s32 $0x5000;
	[sflag:s0] =	ssyncadd.s32 $0xFFFFF060;
	s4 =	sadd.s32 s31, s2  }
0x68: {  	[tilespmem:s9], [sflag:$0x2] =	stream.linear.gather [hbm4b:s4+s8], $0xFA0, $0x38;
	[tilespmem:$0x17900] =	vst v63  }
0x69: {  	s14 =	simm.s32 $0x9010;
	s20 =	rddreg [dreg:$0x7];
	s11 =	sadd.s32 s7, s2  }
0x6a: {  	[tilespmem:s14], [sflag:$0x2] =	stream.linear.gather [hbm4b:s11+s8], $0xFA0, $0x38;
	[tilespmem:$0x17900] =	vst v63  }
0x6b: {  	s25 =	simm.s32 $0x6000;
	p0 =	slt.s32 s1, $0x1;
	s4 =	sadd.s32 s20, s2  }
0x6c: {  	[tilespmem:s25], [sflag:$0x2] =	stream.linear.gather [hbm4b:s4+s8], $0xFA0, $0x38;
	[tilespmem:$0x17900] =	vst v63  }
.Ltmp5:
0x6d: {  	s26 =	rddreg [dreg:$0x8];
	(pc) =	sbr.rel @p0 .LBB2_8-.Ltmp5, $4  }
0x6e: {  	s28 =	simm.s32 $0x7000;
	s29 =	rddreg [dreg:$0x9];
	s4 =	sadd.s32 s26, s2  }
0x6f: {  	[tilespmem:s28], [sflag:$0x2] =	stream.linear.gather [hbm4b:s4+s8], $0xFA0, $0x38;
	[tilespmem:$0x17900] =	vst v63  }
0x70: {  	s30 =	simm.s32 $0x8000;
	s2 =	sadd.s32 s29, s2  }
0x71: {  	[tilespmem:s30], [sflag:$0x2] =	stream.linear.gather [hbm4b:s2+s8], $0xFA0, $0x38;
	[tilespmem:$0x17900] =	vst v63  }
0x72: {  	_ =	swait.ge [sflag:s15], $0x80  }
0x73: {  	[sflag:s15] =	ssyncset.done $0x0  }
0x74: {  	p0 =	sne.s32 s1, $0x1;
	[sflag:s15] =	ssyncadd.s32 $0xFFFFFF80  }
.Ltmp6:
0x75: {  	_ =	swait.ge [sflag:s15], $0x80;
	(pc) =	sbr.rel @!p0 .LBB2_7-.Ltmp6, $4  }
0x76: {  	[sflag:s15] =	ssyncset.done $0x0  }
0x77: {  	[sflag:s15] =	ssyncadd.s32 $0xFFFFFF80  }
0x78: {  	_ =	swait.ge [sflag:s15], $0x80  }
0x79: {  	s1 =	sadd.s32 $0xFFFFFFFF, s1;
	[sflag:s15] =	ssyncset.done $0x0  }
.LBB2_6:
0x7a: {  	p0 =	sne.s32 s1, $0x1;
	s1 =	sadd.s32 $0xFFFFFFFF, s1;
	[sflag:s15] =	ssyncadd.s32 $0xFFFFFF80  }
0x7b: {  	_ =	swait.ge [sflag:s15], $0x80  }
0x7c: {  	[sflag:s15] =	ssyncset.done $0x0  }
0x7d: {  	[sflag:s15] =	ssyncadd.s32 $0xFFFFFF80  }
.Ltmp7:
0x7e: {  	_ =	swait.ge [sflag:s15], $0x80;
	(pc) =	sbr.rel @p0 .LBB2_6-.Ltmp7, $4  }
0x7f: {  	[sflag:s15] =	ssyncset.done $0x0  }
0x80: {  	[sflag:s15] =	ssyncadd.s32 $0xFFFFFF80  }
0x81: {  	_ =	swait.ge [sflag:s15], $0x80  }
0x82: {  	[sflag:s15] =	ssyncset.done $0x0  }
.LBB2_7:
0x83: {  	[sflag:s15] =	ssyncadd.s32 $0xFFFFFF80  }
.LBB2_8:
0x84: {  	s1 =	simm.s32 $0x20  }
0x85: {  	s2 =	simm.s32 $0x1020;
	v14 =	vld [tilespmem:s1+$0x10]  }
0x86: {  	v6 =	vld [tilespmem:s2+$0x20]  }
0x87: {  	v36 =	vld [tilespmem:s1+$0x20]  }
0x88: {  	v7 =	vld [tilespmem:s2+$0x10]  }
0x89: {  	v8 =	vld [tilespmem:s2+$0x0]  }
0x8a: {  	v27 =	vld [tilespmem:s1+$0x0]  }
0x8b: {  	s25 =	simm.s32 $0x3F;
	v10 =	vld [tilespmem:s2+$0xFFFFFFF0]  }
0x8c: {  	s11 =	simm.s32 $0x41;
	v20 =	vld [tilespmem:s1+$0xFFFFFFF0];
	v12 =	vadd.s32 s25, v63  }
0x8d: {  	v11 =	vld [tilespmem:s2+$0xFFFFFFE0];
	v16 =	vadd.s32 s11, v63  }
0x8e: {  	s26 =	simm.s32 $0x4030;
	v15 =	vld [tilespmem:s1+$0xFFFFFFE0]  }
0x8f: {  	v13 =	vld [tilespmem:s26+$0x20];
	v6 =	vmul.f32 v6, v36  }
0x90: {  	s4 =	simm.s32 $0x4F;
	v2 =	vld [tilespmem:s26+$0x10];
	v7 =	vmul.f32 v7, v14  }
0x91: {  	s8 =	simm.s32 $0x2F;
	v9 =	vadd.s32 s4, v63;
	v12 =	vld.idx.msk [tilespmem:v12+s16+$0x0], $0xffff;
	(xrf2) =	vadd.scan.msk.f32 $0xffff, v6;
	v6 =	vmul.f32 v8, v27  }
0x92: {  	s9 =	simm.s32 $0x51;
	v16 =	vld.idx.msk [tilespmem:v16+s16+$0x0], $0xffff;
	v8 =	vadd.s32 s8, v63;
	(xrf2) =	vadd.scan.msk.f32 $0xffff, v7  }
0x93: {  	s10 =	simm.s32 $0xF;
	v18 =	vadd.s32 s9, v63;
	v62 =	vld [tilespmem:s26+$0x0];
	(xrf2) =	vadd.scan.msk.f32 $0xffff, v6;
	v6 =	vmul.f32 v11, v15  }
0x94: {  	v19 =	vadd.s32 s10, v63;
	v61 =	vld [tilespmem:s26+$0xFFFFFFF0]  }
0x95: {  	s14 =	simm.s32 $0x31;
	v5 =	vimm.s32 $0x0;
	s11 =	simm.s32 $0x1F;
	v0 =	vld [tilespmem:s26+$0xFFFFFFE0];
	(xrf2) =	vadd.scan.msk.f32 $0xffff, v6  }
0x96: {  	v22 =	vadd.s32 s14, v63;
	v17 =	vld.idx.msk [tilespmem:v9+s16+$0x0], $0xffff;
	v11 =	vadd.s32 s11, v63;
	vm1 =	veq.s32 v2, v12  }
0x97: {  	s20 =	simm.s32 $0x21;
	v12 =	vsel vm1, $0x7FFFFFFF, v1;
	vm1 =	vne.s32 v2, v16;
	v21 =	vld.idx.msk [tilespmem:v8+s16+$0x0], $0xffff;
	v8 =	vmul.f32 v10, v20  }
0x98: {  	v25 =	vld.idx.msk [tilespmem:v18+s16+$0x0], $0xffff;
	v10 =	vadd.s32 s20, v63;
	[tilespmem:$0x1FFA0] =	vst v2;
	vm2 =	vmor vm1, vm14;
	(xrf0) =	vmax.scan.msk.u32 $0xffff, v12  }
0x99: {  	s29 =	simm.s32 $0x1070;
	v18 =	vld.idx.msk [tilespmem:v19+s16+$0x0], $0xffff;
	v12 =	vsel vm2, $0x1, v5  }
0x9a: {  	s25 =	simm.s32 $0x11;
	v47 =	vld [tilespmem:s29+$0xFFFFFFF0];
	(xrf0) =	vadd.scan.msk.s32 $0xffff, v12  }
0x9b: {  	v16 =	vadd.s32 s25, v63;
	(xrf2) =	vadd.scan.msk.f32 $0xffff, v8;
	v24 =	vld.idx.msk [tilespmem:v11+s16+$0x0], $0xffff;
	v45, _, _ =	vpop (xrf2)  }
0x9c: {  	s14 =	simm.s32 $0xA070;
	vm1 =	veq.s32 v62, v21;
	v21 =	vld.idx.msk [tilespmem:v22+s16+$0x0], $0xffff;
	v28, _, _ =	vpop (xrf2)  }
0x9d: {  	s26 =	simm.s32 $0x2020;
	v22 =	vld.idx.msk [tilespmem:v10+s16+$0x0], $0xffff;
	v19 =	vsel vm1, $0x7FFFFFFF, v1;
	v11, _, _ =	vpop (xrf2);
	[tilespmem:s14+$0x20] =	vst v28  }
0x9e: {  	v33, _, _ =	vpop (xrf0);
	(xrf0) =	vmax.scan.msk.u32 $0xffff, v19;
	[tilespmem:s14+$0xFFFFFFF0] =	vst v11;
	v12 =	vld [tilespmem:s26+$0x10]  }
0x9f: {  	vm1 =	veq.s32 v0, v18;
	[tilespmem:s14+$0x50] =	vst v45;
	v10 =	vld [tilespmem:s26+$0x0];
	v42, _, _ =	vpop (xrf2)  }
0xa0: {  	v29 =	vld.idx.msk [tilespmem:v16+s16+$0x0], $0xffff;
	v16 =	vsel vm1, $0x7FFFFFFF, v1;
	v57, _, _ =	vpop (xrf0);
	[tilespmem:s14+$0xFFFFFF90] =	vst v42  }
0xa1: {  	vm1 =	veq.s32 v13, v17;
	v26 =	vld [tilespmem:s26+$0x20];
	(xrf0) =	vmax.scan.msk.u32 $0xffff, v16;
	v16 =	vxor.u32 $0x80000000, v33;
	[tilespmem:$0x1FFB0] =	vst v57  }
0xa2: {  	v17 =	vsel vm1, $0x7FFFFFFF, v1;
	vm3 =	vgt.s32 v16, $0x0;
	v31 =	vld [tilespmem:s26+$0xFFFFFFE0]  }
0xa3: {  	s30 =	simm.s32 $0x70;
	s4 =	simm.s32 $0x90;
	(xrf0) =	vmax.scan.msk.u32 $0xffff, v17;
	v16 =	vnsel vm3, $0x0, v16;
	v34 =	vld [tilespmem:s29+$0x20]  }
0xa4: {  	s9 =	simm.s32 $0x81;
	v23 =	vadd.s32 s4, v16;
	v48, _, _ =	vpop (xrf0);
	v16 =	vmul.f32 v12, v14;
	v12 =	vld [tilespmem:s30+$0x20];
	v10 =	vmul.f32 v10, v27  }
0xa5: {  	v30 =	vimm.s32 $0xFFFFFFFF;
	v32 =	vadd.s32 s9, v63;
	v17, _, _ =	vpop (xrf2);
	v43 =	vld [tilespmem:s29+$0x10];
	v18 =	vxor.u32 $0x80000000, v48  }
0xa6: {  	vm3 =	veq.s32 v61, v24;
	v51 =	vld [tilespmem:s29+$0x0];
	[tilespmem:s14+$0xFFFFFFC0] =	vst v17;
	vm1 =	vgt.s32 v18, $0x0;
	(xrf2) =	vadd.scan.msk.f32 $0xffff, v10  }
0xa7: {  	s10 =	simm.s32 $0x9F;
	s8 =	simm.s32 $0x60;
	v37 =	vsel vm3, $0x7FFFFFFF, v1;
	v35 =	vld [tilespmem:s26+$0xFFFFFFF0];
	v10 =	vnsel vm1, $0x0, v18;
	(xrf2) =	vadd.scan.msk.f32 $0xffff, v16;
	v16 =	vmul.f32 v26, v36  }
0xa8: {  	v50 =	vadd.s32 s10, v63;
	v2 =	vld [tilespmem:s30+$0x0];
	v49, _, _ =	vpop (xrf0);
	(xrf0) =	vmax.scan.msk.u32 $0xffff, v37;
	v24 =	vadd.s32 s8, v10;
	v26 =	vmul.f32 v31, v15  }
0xa9: {  	vm7 =	vne.s32 v13, v25;
	v52, _, _ =	vpop (xrf0);
	v44 =	vld.idx.msk [tilespmem:v23+s17+$0x0], $0xffff;
	v10 =	vxor.u32 $0x80000000, v49;
	(xrf2) =	vadd.scan.msk.f32 $0xffff, v16;
	v16 =	vmul.f32 v34, v12  }
0xaa: {  	s25 =	simm.s32 $0x5F;
	vm8 =	vmor vm7, vm14;
	v54 =	vld [tilespmem:s29+$0xFFFFFFE0];
	v58 =	vxor.u32 $0x80000000, v52;
	vm1 =	vgt.s32 v10, $0x0;
	(xrf2) =	vadd.scan.msk.f32 $0xffff, v26  }
0xab: {  	s11 =	simm.s32 $0x0;
	v41 =	vadd.s32 s25, v63;
	v37 =	vld [tilespmem:s30+$0xFFFFFFF0];
	v10 =	vnsel vm1, $0x0, v10;
	vm1 =	vgt.s32 v58, $0x0;
	(xrf2) =	vadd.scan.msk.f32 $0xffff, v16  }
0xac: {  	v18 =	vld [tilespmem:s30+$0x10];
	s8 =	simm.s32 $0xC0;
	v39 =	vmul.f32 v35, v20;
	v31 =	vadd.s32 s11, v10;
	v16 =	vnsel vm1, $0x0, v58  }
0xad: {  	vm4 =	vmmov vm2;
	vm6 =	vlt.s32 v33, $0x0;
	v53 =	vld.idx.msk [tilespmem:v24+s17+$0x0], $0xffff;
	v46 =	vadd.s32 s8, v16;
	[tilespmem:$0x1FFC0] =	vst v0  }
0xae: {  	vm9 =	vne.s32 v0, v29;
	vm10 =	vne.s32 v61, v22;
	s4 =	simm.s32 $0x4080;
	v57, _, _ =	vpop (xrf0);
	v25 =	vnsel vm6, $0x0, v44;
	(xrf2) =	vadd.scan.msk.f32 $0xffff, v39;
	v39 =	vld [tilespmem:s30+$0xFFFFFFE0]  }
0xaf: {  	s20 =	simm.s32 $0x7F;
	vm3 =	vne.s32 v62, v21;
	v21 =	vxor.u32 $0x80000000, v57;
	v29 =	vsub.f32 v28, v25;
	v28 =	vld [tilespmem:s4+$0x20]  }
0xb0: {  	v35 =	vadd.s32 s20, v63;
	s20 =	simm.s32 $0xA1;
	v56 =	vmul.f32 v47, v37;
	vm1 =	vgt.s32 v21, $0x0;
	v47 =	vld.idx.msk [tilespmem:v50+s16+$0x0], $0xffff  }
0xb1: {  	s25 =	simm.s32 $0x30;
	s26 =	simm.s32 $0x91;
	v55 =	vadd.s32 s20, v63;
	v59 =	vmul.f32 v43, v18;
	v21 =	vnsel vm1, $0x0, v21;
	v22 =	vld.idx.msk [tilespmem:v31+s17+$0x0], $0xffff;
	v16, _, _ =	vpop (xrf2)  }
0xb2: {  	vm2 =	vmor vm10, vm14;
	v38 =	vadd.s32 s26, v63;
	s26 =	simm.s32 $0x3020;
	v43 =	vadd.s32 s25, v21;
	[tilespmem:s14+$0x0] =	vst v16;
	v33, _, _ =	vpop (xrf2);
	v60 =	vld.idx.msk [tilespmem:v46+s17+$0x0], $0xffff  }
0xb3: {  	s10 =	simm.s32 $0x71;
	vm3 =	vmor vm3, vm14;
	vm5 =	vlt.s32 v49, $0x0;
	vm11 =	vlt.s32 v52, $0x0;
	v58 =	vld [tilespmem:s26+$0x0];
	v44, _, _ =	vpop (xrf2)  }
0xb4: {  	s9 =	simm.s32 $0x61;
	v51 =	vmul.f32 v51, v2;
	v34 =	vadd.s32 s10, v63;
	vm1 =	vlt.s32 v48, $0x0;
	[tilespmem:s14+$0x60] =	vst v44;
	v25, _, _ =	vpop (xrf2)  }
0xb5: {  	v26 =	vadd.s32 s9, v63;
	s11 =	simm.s32 $0x6F;
	(xrf2) =	vadd.scan.msk.f32 $0xffff, v59;
	v21 =	vnsel vm1, $0x0, v53;
	v53 =	vld [tilespmem:s26+$0x20];
	v59, _, _ =	vpop (xrf2);
	[tilespmem:s14+$0xFFFFFFA0] =	vst v25  }
0xb6: {  	v40 =	vadd.s32 s11, v63;
	vm7 =	vlt.s32 v57, $0x0;
	s25 =	simm.s32 $0xA160;
	v55 =	vld.idx.msk [tilespmem:v55+s16+$0x0], $0xffff;
	v21 =	vsub.f32 v11, v21;
	[tilespmem:$0x1FFD0] =	vst v59  }
0xb7: {  	(xrf2) =	vadd.scan.msk.f32 $0xffff, v51;
	v50 =	vmul.f32 v54, v39;
	vm13 =	veq.s32 v28, v47;
	[tilespmem:s25+$0x50] =	vst v59;
	v48 =	vld.idx.msk [tilespmem:v43+s17+$0x0], $0xffff  }
0xb8: {  	s7 =	smov.u32 s31;
	v22 =	vnsel vm5, $0x0, v22;
	v60 =	vnsel vm11, $0x0, v60;
	v51 =	vmul.f32 v58, v27;
	v27, _, _ =	vpop (xrf2);
	v52 =	vld [tilespmem:s26+$0xFFFFFFE0];
	[tilespmem:s14+$0x30] =	vst v33  }
0xb9: {  	s31 =	simm.s32 $0x2070;
	s28 =	simm.s32 $0x1B0;
	s1 =	simm.s32 $0x5;
	v19 =	vmovc v2;
	v22 =	vsub.f32 v42, v22;
	v42 =	vadd.s32 $0x10, v43;
	v49 =	vsub.f32 v45, v60;
	[tilespmem:s14+$0xFFFFFFD0] =	vst v27;
	v59 =	vld [tilespmem:s26+$0x10]  }
0xba: {  	s2 =	simm.s32 $0xF1;
	s11 =	simm.s32 $0x8F;
	v10 =	vmovc v1;
	(xrf2) =	vadd.scan.msk.f32 $0xffff, v50;
	v60 =	vsel vm2, $0x1, v5;
	v54 =	vld [tilespmem:s26+$0xFFFFFFF0];
	s26 =	simm.s32 $0x3070;
	v57 =	vmul.f32 v53, v36;
	v36 =	vimm.s32 $0xFFFFFFFF  }
.LBB2_9:
0xbb: {  	v58 =	vadd.s32 s11, v63;
	vm10 =	vmor vm9, vm14;
	v7 =	vlaneseq.u32  }
0xbc: {  	v45 =	vld.idx.msk [tilespmem:v34+s16+$0x0], $0xffff;
	v2 =	vsel vm8, $0x1, v5;
	v34 =	vadd.s32 $0x10, v46;
	v4 =	vadd.s32 $0x10, v23  }
0xbd: {  	s20 =	sadd.s32 $0xFFFFFFE0, s2;
	s8 =	sadd.s32 $0xFFFFFFFE, s2;
	v50 =	vld [tilespmem:s4+$0xFFFFFFF0];
	v53 =	vmpcnt.ones.xlane vm4;
	v46 =	vadd.s32 $0x20, v46;
	v11 =	vimm.s32 $0x0;
	(xrf0) =	vadd.scan.msk.s32 $0xffff, v2  }
0xbe: {  	[tilespmem:$0x1FF80] =	vst v22;
	v22 =	vmovc v62;
	v62 =	vadd.s32 s20, v63;
	v0 =	vadd.s32 s8, v63;
	v63 =	vld.idx.msk [tilespmem:v40+s16+$0x0], $0xffff;
	v40 =	vmpcnt.ones.xlane vm10;
	s20 =	sadd.s32 $0xFFFFFFF0, s2  }
0xbf: {  	v42 =	vld.idx.msk [tilespmem:v42+s17+$0x0], $0xffff;
	[tilespmem:$0x1FF70] =	vst v21;
	v6 =	vsel vm10, $0x1, v5;
	v2 =	vadd.s32 s20, v7;
	(xrf0) =	vadd.scan.msk.s32 $0xffff, v60  }
0xc0: {  	v21 =	vmovc v61;
	[tilespmem:$0x1FF90] =	vst v0;
	v1 =	vnsel vm7, $0x0, v48;
	v0 =	vadd.s32 v30, v40;
	v40 =	vsel vm3, $0x1, v5;
	v5 =	vld.idx.msk [tilespmem:v38+s16+$0x0], $0xffff  }
0xc1: {  	v3 =	vmul.f32 v52, v15;
	v15 =	vmovc v39;
	v39 =	vsub.f32 v17, v1;
	v17 =	vmul.f32 v54, v20;
	v54 =	vld [tilespmem:s4+$0x0]  }
0xc2: {  	s10 =	sadd.s32 $0xFFFFFFBE, s2;
	v61 =	vmpcnt.ones.xlane vm2;
	s8 =	sadd.s32 $0xFFFFFFDE, s2;
	v38 =	vmov v2;
	v2 =	vadd.s32 $0x10, v24;
	v1 =	vld.idx.msk [tilespmem:v32+s16+$0x0], $0xffff;
	v47, _, _ =	vpop (xrf2);
	(xrf2) =	vadd.scan.msk.f32 $0xffff, v57  }
0xc3: {  	v60 =	vadd.s32 s10, v7;
	v48 =	vadd.s32 s8, v7;
	(xrf0) =	vadd.scan.msk.s32 $0xffff, v6;
	vm12 =	vne.s32 v28, v55;
	v58 =	vld.idx.msk [tilespmem:v58+s16+$0x0], $0xffff;
	v55, _, _ =	vpop (xrf0)  }
0xc4: {  	s9 =	sadd.s32 $0xFFFFFFC0, s2;
	v30 =	vmpcnt.ones.xlane vm3;
	v59 =	vmul.f32 v59, v14;
	v14 =	vmov v18;
	v52, _, _ =	vpop (xrf2);
	(xrf2) =	vadd.scan.msk.f32 $0xffff, v17;
	v17 =	vld.idx.msk [tilespmem:v35+s16+$0x0], $0xffff  }
0xc5: {  	v18 =	vadd.s32 s9, v7;
	v32 =	vmov v62;
	v61 =	vadd.s32 v0, v61;
	v57 =	vld [tilespmem:s4+$0x10];
	v6, _, _ =	vpop (xrf0);
	(xrf0) =	vadd.scan.msk.s32 $0xffff, v40  }
0xc6: {  	v62 =	vld.idx.msk [tilespmem:v34+s17+$0x0], $0xffff;
	v35 =	vmov v48;
	[tilespmem:s25+$0xFFFFFFF0] =	vst v52;
	v48, _, _ =	vpop (xrf2);
	(xrf2) =	vadd.scan.msk.f32 $0xffff, v56;
	v56 =	vadd.s32 v61, v30  }
0xc7: {  	s10 =	sadd.s32 $0xFFFFFFCE, s2;
	vm9 =	veq.s32 v50, v63;
	v30 =	vmpcnt.ones.xlane vm8;
	v34 =	vadd.s32 v56, v53;
	v2 =	vld.idx.msk [tilespmem:v2+s17+$0x0], $0xffff  }
0xc8: {  	v20 =	vmovc v37;
	s9 =	sadd.s32 $0xFFFFFFD0, s2;
	v37 =	vld [tilespmem:s4+$0xFFFFFFE0];
	v40 =	vadd.s32 s10, v7;
	vm14 =	vne.s32 v54, v1;
	v55 =	vadd.s32 v34, v55  }
0xc9: {  	v30 =	vadd.s32 v34, v30;
	v34 =	vadd.s32 s9, v7;
	v7 =	vld.idx.msk [tilespmem:v41+s16+$0x0], $0xffff;
	vm15 =	veq.s32 v54, v17  }
0xca: {  	[tilespmem:s25+$0x20] =	vst v47;
	v1 =	vld.idx.msk [tilespmem:v26+s16+$0x0], $0xffff;
	v8, _, _ =	vpop (xrf0);
	v63 =	vsel vm15, $0x7FFFFFFF, v10;
	vm15 =	veq.s32 v57, v58;
	v58 =	vadd.s32 $0x10, v31  }
0xcb: {  	vm0 =	vcmask $0x3F3C;
	(xrf2) =	vadd.scan.msk.f32 $0xffff, v59;
	v62 =	vnsel vm11, $0x0, v62;
	[tilespmem:s25+$0xFFFFFF90] =	vst v48;
	v17 =	vld [tilespmem:s31+$0x0];
	v9, _, _ =	vpop (xrf0)  }
0xcc: {  	v41 =	vsel vm15, $0x7FFFFFFF, v10;
	vm15 =	vne.s32 v57, v5;
	v2 =	vnsel vm1, $0x0, v2;
	v59, _, _ =	vpop (xrf2);
	(xrf2) =	vadd.scan.msk.f32 $0xffff, v3;
	v3 =	vld.idx.msk [tilespmem:v4+s17+$0x0], $0xffff  }
0xcd: {  	v9 =	vadd.s32 v61, v9;
	vm15 =	vmor vm15, vm0;
	v4 =	vsub.f32 v44, v62;
	v62 =	vld [tilespmem:s31+$0x10];
	[tilespmem:s14+$0x70] =	vst v59  }
0xce: {  	v26 =	vmovc v12;
	(xrf0) =	vmax.scan.msk.u32 $0xffff, v41;
	vm0 =	veq.s32 v37, v7;
	v7 =	vadd.s32 $0x20, v31;
	v31 =	vadd.s32 $0x20, v24;
	v46 =	vld.idx.msk [tilespmem:v46+s17+$0x0], $0xffff  }
0xcf: {  	s30 =	sadd.s32 $0x50, s30;
	v44 =	vsel vm9, $0x7FFFFFFF, v10;
	vm9 =	vne.s32 v37, v1;
	v5, _, _ =	vpop (xrf2);
	(xrf2) =	vadd.scan.msk.f32 $0xffff, v51;
	[tilespmem:v55+s18+$0x0] =	vst.idx.msk vm8, v13;
	v24 =	vld.idx.msk [tilespmem:v58+s17+$0x0], $0xffff  }
0xd0: {  	v53 =	vmovc v18;
	v18 =	vld [tilespmem:s30+$0x10];
	v1 =	vmul.f32 v17, v19;
	[tilespmem:v55+s19+$0x0] =	vst.idx.msk vm8, v49;
	v49 =	vsel vm15, $0x1, v11;
	v11 =	vadd.s32 $0x20, v43  }
0xd1: {  	s29 =	sadd.s32 $0x50, s29;
	v12 =	vmovc v19;
	v19 =	vld [tilespmem:$0x1FFB0];
	[tilespmem:v55+s21+$0x0] =	vst.idx.msk vm8, v4;
	v4 =	vsel vm0, $0x7FFFFFFF, v10;
	(xrf0) =	vadd.scan.msk.s32 $0xffff, v49;
	v49 =	vadd.s32 v0, v6  }
0xd2: {  	v2 =	vsub.f32 v16, v2;
	v41 =	vmov v60;
	v17, _, _ =	vpop (xrf2);
	v43 =	vld [tilespmem:s29+$0xFFFFFFF0];
	[tilespmem:s14+$0xFFFFFFE0] =	vst v5;
	(xrf0) =	vmax.scan.msk.u32 $0xffff, v63  }
0xd3: {  	v51 =	vadd.s32 v36, v8;
	v13 =	vmovc v28;
	(xrf2) =	vadd.scan.msk.f32 $0xffff, v1;
	v1 =	vadd.s32 $0x20, v23;
	[tilespmem:s25+$0xFFFFFFC0] =	vst v17;
	v8 =	vld [tilespmem:s31+$0x20]  }
0xd4: {  	v60 =	vld [tilespmem:s31+$0xFFFFFFE0];
	v58 =	vmul.f32 v62, v14;
	(xrf0) =	vmax.scan.msk.u32 $0xffff, v4;
	v46 =	vnsel vm11, $0x0, v46;
	v4, _, _ =	vpop (xrf0);
	v24 =	vnsel vm5, $0x0, v24  }
0xd5: {  	v28, _, _ =	vpop (xrf2);
	v23 =	vsel vm13, $0x7FFFFFFF, v10;
	v61 =	vld [tilespmem:s31+$0xFFFFFFF0];
	v0 =	vsub.f32 v59, v46;
	v62 =	vxor.u32 $0x80000000, v4  }
0xd6: {  	v56 =	vadd.s32 v56, v19;
	(xrf2) =	vadd.scan.msk.f32 $0xffff, v58;
	v11 =	vld.idx.msk [tilespmem:v11+s17+$0x0], $0xffff;
	vm0 =	vgt.s32 v62, $0x0;
	[tilespmem:v49+s18+$0x0] =	vst.idx.msk vm2, v21;
	v6, _, _ =	vpop (xrf2)  }
0xd7: {  	s20 =	sadd.s32 $0xFFFFFFD0, s28;
	v25 =	vsub.f32 v25, v24;
	[tilespmem:v55+s22+$0x0] =	vst.idx.msk vm8, v0;
	v16 =	vnsel vm0, $0x0, v62;
	v19, _, _ =	vpop (xrf0);
	v24 =	vmov v37;
	v37 =	vld [tilespmem:s30+$0xFFFFFFF0]  }
0xd8: {  	v8 =	vmul.f32 v8, v26;
	v55, _, _ =	vpop (xrf0);
	(xrf0) =	vmax.scan.msk.u32 $0xffff, v23;
	[tilespmem:s14+$0xFFFFFFB0] =	vst v6;
	v23 =	vadd.s32 s20, v16;
	v16 =	vld [tilespmem:$0x1FFA0]  }
0xd9: {  	[tilespmem:s14+$0x40] =	vst v28;
	v7 =	vld.idx.msk [tilespmem:v7+s17+$0x0], $0xffff  }
0xda: {  	v3 =	vnsel vm6, $0x0, v3;
	[tilespmem:v49+s19+$0x0] =	vst.idx.msk vm2, v39;
	v59, _, _ =	vpop (xrf2);
	(xrf2) =	vadd.scan.msk.f32 $0xffff, v8;
	v8 =	vld [tilespmem:$0x1FFC0]  }
0xdb: {  	v3 =	vsub.f32 v33, v3;
	v0 =	vld [tilespmem:s29+$0x20];
	[tilespmem:$0x1FFB0] =	vst v19;
	v33 =	vxor.u32 $0x80000000, v55  }
0xdc: {  	v58 =	vld [tilespmem:s30+$0x20];
	[tilespmem:s14+$0x10] =	vst v59;
	vm0 =	vgt.s32 v33, $0x0  }
0xdd: {  	s9 =	sadd.s32 $0xFFFFFFA0, s28;
	v1 =	vld.idx.msk [tilespmem:v1+s17+$0x0], $0xffff;
	v62 =	vnsel vm0, $0x0, v33;
	[tilespmem:v56+s18+$0x0] =	vst.idx.msk vm4, v16  }
0xde: {  	[tilespmem:$0x1FFC0] =	vst v24;
	v33 =	vnsel vm7, $0x0, v42;
	v24 =	vadd.s32 s9, v62;
	v42 =	vld [tilespmem:s29+$0x10];
	v7 =	vnsel vm5, $0x0, v7  }
0xdf: {  	v46 =	vmul.f32 v60, v15;
	v60, _, _ =	vpop (xrf0);
	[tilespmem:v51+s18+$0x0] =	vst.idx.msk vm10, v8;
	v6 =	vsub.f32 v6, v7;
	v7 =	vld [tilespmem:$0x1FF70]  }
0xe0: {  	v11 =	vnsel vm7, $0x0, v11;
	v8 =	vxor.u32 $0x80000000, v60;
	[tilespmem:v56+s19+$0x0] =	vst.idx.msk vm4, v29;
	v29 =	vld.idx.msk [tilespmem:v31+s17+$0x0], $0xffff  }
0xe1: {  	v19 =	vmov v57;
	v5 =	vsub.f32 v5, v11;
	v11 =	vld [tilespmem:s29+$0x0];
	v16, _, _ =	vpop (xrf2);
	v0 =	vmul.f32 v0, v58;
	[tilespmem:v9+s18+$0x0] =	vst.idx.msk vm3, v22  }
0xe2: {  	[tilespmem:$0x1FFA0] =	vst v19;
	v27 =	vsub.f32 v27, v33;
	(xrf2) =	vadd.scan.msk.f32 $0xffff, v46;
	v33, _, _ =	vpop (xrf2);
	vm0 =	vgt.s32 v8, $0x0;
	v57 =	vld [tilespmem:s30+$0x0]  }
0xe3: {  	[tilespmem:v56+s21+$0x0] =	vst.idx.msk vm4, v3;
	(xrf2) =	vadd.scan.msk.f32 $0xffff, v0;
	v19 =	vnsel vm0, $0x0, v8;
	v8, _, _ =	vpop (xrf0);
	v0 =	vld.idx.msk [tilespmem:v24+s17+$0x0], $0xffff  }
0xe4: {  	vm13 =	vne.s32 v50, v45;
	v46 =	vxor.u32 $0x80000000, v8;
	[tilespmem:v9+s19+$0x0] =	vst.idx.msk vm3, v7;
	v7 =	vld [tilespmem:$0x1FF80]  }
0xe5: {  	(xrf0) =	vmax.scan.msk.u32 $0xffff, v44;
	vm0 =	vgt.s32 v46, $0x0;
	v22 =	vnsel vm1, $0x0, v29;
	[tilespmem:s25+$0x0] =	vst v16  }
0xe6: {  	v1 =	vnsel vm6, $0x0, v1;
	v3 =	vld.idx.msk [tilespmem:v23+s17+$0x0], $0xffff;
	v62 =	vnsel vm0, $0x0, v46;
	v22 =	vsub.f32 v59, v22;
	[tilespmem:v9+s21+$0x0] =	vst.idx.msk vm3, v2  }
0xe7: {  	v1 =	vsub.f32 v28, v1;
	v28 =	vmul.f32 v61, v20;
	v61 =	vmovc v50;
	v46 =	vadd.s32 s28, v62;
	v50 =	vld [tilespmem:s26+$0x0]  }
0xe8: {  	s10 =	sadd.s32 $0xFFFFFF40, s28;
	[tilespmem:v9+s22+$0x0] =	vst.idx.msk vm3, v22;
	v9 =	vld [tilespmem:$0x1FF90]  }
0xe9: {  	(xrf2) =	vadd.scan.msk.f32 $0xffff, v28;
	v31 =	vadd.s32 s10, v19;
	[tilespmem:v51+s19+$0x0] =	vst.idx.msk vm10, v7  }
0xea: {  	[tilespmem:v49+s21+$0x0] =	vst.idx.msk vm2, v27;
	v7 =	vld [tilespmem:s29+$0xFFFFFFE0]  }
0xeb: {  	v63 =	vlaneseq.u32;
	vm6 =	vlt.s32 v4, $0x0;
	vm5 =	vlt.s32 v60, $0x0;
	[tilespmem:v56+s22+$0x0] =	vst.idx.msk vm4, v1;
	v4, _, _ =	vpop (xrf0);
	v39 =	vld [tilespmem:s30+$0xFFFFFFE0]  }
0xec: {  	s4 =	sadd.s32 $0x50, s4;
	v56 =	vmul.f32 v43, v37;
	vm1 =	vlt.s32 v55, $0x0;
	[tilespmem:v51+s21+$0x0] =	vst.idx.msk vm10, v25;
	v25 =	vxor.u32 $0x80000000, v4;
	v59 =	vld.idx.msk [tilespmem:v46+s17+$0x0], $0xffff  }
0xed: {  	[tilespmem:v49+s22+$0x0] =	vst.idx.msk vm2, v5;
	v28 =	vld [tilespmem:s4+$0x20];
	v44, _, _ =	vpop (xrf2);
	v55 =	vadd.s32 s2, v63;
	v3 =	vnsel vm6, $0x0, v3;
	vm0 =	vgt.s32 v25, $0x0  }
0xee: {  	s20 =	sadd.s32 $0xFFFFFF70, s28;
	vm4 =	vmmov vm15;
	v29 =	vsub.f32 v47, v3;
	v62 =	vmovc v54;
	[tilespmem:s25+$0x60] =	vst v44;
	v3 =	vld.idx.msk [tilespmem:v31+s17+$0x0], $0xffff;
	v54 =	vnsel vm0, $0x0, v25  }
0xef: {  	s14 =	smov.u32 s25;
	vm11 =	vlt.s32 v8, $0x0;
	v21 =	vmul.f32 v42, v18;
	[tilespmem:v51+s22+$0x0] =	vst.idx.msk vm10, v6;
	v6 =	vld [tilespmem:s26+$0x20];
	v43 =	vadd.s32 s20, v54  }
0xf0: {  	s1 =	sadd.s32 $0x5, s1;
	v36 =	vmovc v30;
	[tilespmem:s14+$0x30] =	vst v33;
	vm7 =	vlt.s32 v4, $0x0;
	v11 =	vmul.f32 v11, v57;
	v0 =	vnsel vm1, $0x0, v0;
	v9 =	vld.idx.msk [tilespmem:v9+s16+$0x0], $0xffff  }
0xf1: {  	p0 =	slt.u32 s1, $0xF5;
	(xrf2) =	vadd.scan.msk.f32 $0xffff, v21;
	v51 =	vmul.f32 v50, v12;
	vm0 =	vcmask $0x3F3C;
	v25, _, _ =	vpop (xrf2);
	v50 =	vnsel vm11, $0x0, v59;
	v59 =	vld [tilespmem:$0x1FFD0]  }
.Ltmp8:
0xf2: {  	v21 =	vsub.f32 v52, v0;
	s25 =	sadd.s32 $0xF0, s25;
	v55 =	vld.idx.msk [tilespmem:v55+s16+$0x0], $0xffff;
	vm3 =	vmor vm14, vm0;
	vm14 =	vcmask $0x3F3C;
	v45, _, _ =	vpop (xrf2);
	[tilespmem:s14+$0xFFFFFFA0] =	vst v25;
	(pc) =	sbr.rel @p0 .LBB2_9-.Ltmp8, $4  }
0xf3: {  	(xrf2) =	vadd.scan.msk.f32 $0xffff, v11;
	vm8 =	vmor vm12, vm14;
	[tilespmem:s25+$0x50] =	vst v45;
	v27, _, _ =	vpop (xrf2);
	v52 =	vld [tilespmem:s26+$0xFFFFFFE0];
	v3 =	vnsel vm5, $0x0, v3  }
0xf4: {  	v5 =	vimm.s32 $0x0;
	v7 =	vmul.f32 v7, v39;
	v60 =	vmovc v45;
	v22 =	vsub.f32 v48, v3;
	v48 =	vld.idx.msk [tilespmem:v43+s17+$0x0], $0xffff;
	[tilespmem:s14+$0xFFFFFFD0] =	vst v27  }
0xf5: {  	s11 =	sadd.s32 $0xFFFFFFEE, s2;
	s31 =	sadd.s32 $0x50, s31;
	v19 =	vmovc v57;
	v12 =	vmovc v58;
	v42 =	vadd.s32 $0x10, v43;
	vm2 =	vmor vm13, vm14;
	[tilespmem:$0x1FFD0] =	vst v60;
	v57 =	vmul.f32 v6, v26;
	v54 =	vld [tilespmem:s26+$0xFFFFFFF0]  }
0xf6: {  	s2 =	sadd.s32 $0x50, s2;
	s28 =	sadd.s32 $0xF0, s28;
	v60 =	vsel vm2, $0x1, v5;
	v26 =	vmovc v53;
	(xrf2) =	vadd.scan.msk.f32 $0xffff, v7;
	v49 =	vsub.f32 v59, v50;
	vm13 =	veq.s32 v28, v9;
	v59 =	vld [tilespmem:s26+$0x10];
	s26 =	sadd.s32 $0x50, s26  }
0xf7: {  	_ = 	snop  }
0xf8: {  	v0 =	vadd.s32 s11, v63  }
0xf9: {  	v47 =	vld [tilespmem:s4+$0x10]  }
0xfa: {  	v45 =	vld [tilespmem:s4+$0x0]  }
0xfb: {  	v2 =	vld.idx.msk [tilespmem:v38+s16+$0x0], $0xffff  }
0xfc: {  	v11 =	vld.idx.msk [tilespmem:v35+s16+$0x0], $0xffff;
	vm9 =	vmor vm9, vm14  }
0xfd: {  	v1 =	vsel vm8, $0x1, v5;
	(xrf2) =	vadd.scan.msk.f32 $0xffff, v57;
	v3 =	vmul.f32 v54, v20;
	v20 =	vsel vm9, $0x1, v5;
	v0 =	vld.idx.msk [tilespmem:v0+s16+$0x0], $0xffff  }
0xfe: {  	v38 =	vld [tilespmem:s4+$0xFFFFFFE0];
	(xrf0) =	vadd.scan.msk.s32 $0xffff, v1  }
0xff: {  	v4 =	vld.idx.msk [tilespmem:v41+s16+$0x0], $0xffff;
	(xrf0) =	vadd.scan.msk.s32 $0xffff, v60;
	v41, _, _ =	vpop (xrf2)  }
0x100: {  	(xrf0) =	vadd.scan.msk.s32 $0xffff, v20;
	v20, _, _ =	vpop (xrf2)  }
0x101: {  	v35 =	vsel vm3, $0x1, v5;
	v8 =	vmul.f32 v59, v14;
	(xrf2) =	vadd.scan.msk.f32 $0xffff, v3;
	v58, _, _ =	vpop (xrf2)  }
0x102: {  	(xrf0) =	vadd.scan.msk.s32 $0xffff, v35;
	vm10 =	vne.s32 v47, v2;
	v2 =	vld.idx.msk [tilespmem:v32+s16+$0x0], $0xffff;
	vm0 =	veq.s32 v47, v0;
	[tilespmem:$0x1FF60] =	vst v58  }
0x103: {  	(xrf2) =	vadd.scan.msk.f32 $0xffff, v56;
	v0 =	vsel vm0, $0x7FFFFFFF, v10;
	vm0 =	veq.s32 v45, v11;
	[tilespmem:s25+$0xFFFFFFF0] =	vst v20  }
0x104: {  	vm10 =	vmor vm10, vm14;
	(xrf2) =	vadd.scan.msk.f32 $0xffff, v8;
	v53 =	vsel vm0, $0x7FFFFFFF, v10;
	vm0 =	veq.s32 v38, v4;
	v4 =	vld [tilespmem:s31+$0x0]  }
0x105: {  	v7 =	vadd.s32 $0x10, v46;
	v57 =	vmpcnt.ones.xlane vm9;
	v50 =	vsel vm10, $0x1, v5;
	(xrf0) =	vmax.scan.msk.u32 $0xffff, v0  }
0x106: {  	v15 =	vmul.f32 v52, v15;
	v52 =	vadd.s32 $0x20, v46;
	v1, _, _ =	vpop (xrf0);
	[tilespmem:s25+$0x20] =	vst v41;
	(xrf0) =	vadd.scan.msk.s32 $0xffff, v50  }
0x107: {  	v59 =	vmpcnt.ones.xlane vm2;
	v14 =	vmov v19;
	v6 =	vld [tilespmem:s31+$0x10];
	v54 =	vsel vm0, $0x7FFFFFFF, v10;
	v0, _, _ =	vpop (xrf0);
	(xrf0) =	vmax.scan.msk.u32 $0xffff, v53  }
0x108: {  	v56 =	vsel vm13, $0x7FFFFFFF, v10;
	v5 =	vadd.s32 v30, v57;
	v8 =	vmpcnt.ones.xlane vm3;
	v11 =	vld [tilespmem:s31+$0x20];
	v3, _, _ =	vpop (xrf0);
	(xrf0) =	vmax.scan.msk.u32 $0xffff, v54  }
0x109: {  	v35 =	vld [tilespmem:s4+$0xFFFFFFF0];
	v9, _, _ =	vpop (xrf0);
	(xrf0) =	vmax.scan.msk.u32 $0xffff, v56;
	v56 =	vadd.s32 v5, v59;
	v4 =	vmul.f32 v4, v19;
	v19 =	vmpcnt.ones.xlane vm4  }
0x10a: {  	v50 =	vld.idx.msk [tilespmem:v40+s16+$0x0], $0xffff;
	v53, _, _ =	vpop (xrf2);
	v8 =	vadd.s32 v56, v8  }
0x10b: {  	(xrf2) =	vadd.scan.msk.f32 $0xffff, v15;
	v40, _, _ =	vpop (xrf0);
	v15 =	vadd.s32 v8, v19  }
0x10c: {  	(xrf2) =	vadd.scan.msk.f32 $0xffff, v51;
	v7 =	vld.idx.msk [tilespmem:v7+s17+$0x0], $0xffff;
	v6 =	vmul.f32 v6, v18;
	v46, _, _ =	vpop (xrf0);
	v1 =	vadd.s32 v15, v1  }
0x10d: {  	v57 =	vmpcnt.ones.xlane vm8;
	v59 =	vmul.f32 v11, v12;
	[tilespmem:s14+$0x70] =	vst v53;
	(xrf2) =	vadd.scan.msk.f32 $0xffff, v4;
	v30, _, _ =	vpop (xrf0)  }
0x10e: {  	(xrf2) =	vadd.scan.msk.f32 $0xffff, v6;
	v6 =	vld.idx.msk [tilespmem:v52+s17+$0x0], $0xffff;
	v52, _, _ =	vpop (xrf2)  }
0x10f: {  	v11 =	vld.idx.msk [tilespmem:v26+s16+$0x0], $0xffff;
	[tilespmem:s25+$0xFFFFFF90] =	vst v58;
	vm0 =	veq.s32 v35, v50;
	v50 =	vadd.s32 v15, v57;
	(xrf2) =	vadd.scan.msk.f32 $0xffff, v59;
	v15, _, _ =	vpop (xrf2)  }
0x110: {  	vm12 =	vne.s32 v28, v55;
	vm13 =	vne.s32 v45, v2;
	v54 =	vadd.s32 $0x10, v23;
	v57 =	vld.idx.msk [tilespmem:v34+s16+$0x0], $0xffff;
	v32, _, _ =	vpop (xrf0);
	[tilespmem:s25+$0xFFFFFFC0] =	vst v15  }
0x111: {  	v2 =	vadd.s32 $0x10, v24;
	v23 =	vadd.s32 $0x20, v23;
	v7 =	vnsel vm11, $0x0, v7;
	v59 =	vld [tilespmem:s31+$0xFFFFFFE0];
	v51, _, _ =	vpop (xrf0);
	[tilespmem:v1+s18+$0x0] =	vst.idx.msk vm8, v13  }
0x112: {  	v26 =	vadd.s32 v5, v0;
	v7 =	vsub.f32 v44, v7;
	v19 =	vxor.u32 $0x80000000, v51;
	v55 =	vld [tilespmem:$0x1FFB0]  }
0x113: {  	v10 =	vsel vm0, $0x7FFFFFFF, v10;
	v34 =	vadd.s32 v36, v3;
	vm0 =	vgt.s32 v19, $0x0  }
0x114: {  	v3, _, _ =	vpop (xrf2);
	v0 =	vld [tilespmem:s31+$0xFFFFFFF0];
	v4 =	vnsel vm0, $0x0, v19;
	v19 =	vxor.u32 $0x80000000, v40;
	v13 =	vxor.u32 $0x80000000, v30  }
0x115: {  	v44 =	vld.idx.msk [tilespmem:v54+s17+$0x0], $0xffff;
	v36, _, _ =	vpop (xrf2);
	v5 =	vnsel vm11, $0x0, v6;
	v4 =	vadd.s32 s28, v4;
	vm11 =	vgt.s32 v19, $0x0  }
0x116: {  	v2 =	vld.idx.msk [tilespmem:v2+s17+$0x0], $0xffff;
	v54, _, _ =	vpop (xrf2);
	[tilespmem:s14+$0x40] =	vst v3;
	v5 =	vsub.f32 v53, v5;
	v6 =	vnsel vm11, $0x0, v19;
	vm11 =	vgt.s32 v13, $0x0  }
0x117: {  	[tilespmem:v1+s19+$0x0] =	vst.idx.msk vm8, v49;
	v8 =	vadd.s32 v8, v55;
	v55 =	vmul.f32 v59, v39;
	v59 =	vnsel vm11, $0x0, v13;
	v13, _, _ =	vpop (xrf2)  }
0x118: {  	v58 =	vadd.s32 $0x10, v31;
	(xrf0) =	vmax.scan.msk.u32 $0xffff, v10;
	v49 =	vld.idx.msk [tilespmem:v23+s17+$0x0], $0xffff;
	[tilespmem:v1+s21+$0x0] =	vst.idx.msk vm8, v7;
	v23, _, _ =	vpop (xrf2)  }
0x119: {  	vm0 =	vne.s32 v38, v11;
	v11 =	vadd.s32 $0x20, v31;
	[tilespmem:v1+s22+$0x0] =	vst.idx.msk vm8, v5;
	v0 =	vmul.f32 v0, v37;
	v31, _, _ =	vpop (xrf2)  }
0x11a: {  	v44 =	vnsel vm6, $0x0, v44;
	v53 =	vld.idx.msk [tilespmem:v4+s17+$0x0], $0xffff;
	(xrf2) =	vadd.scan.msk.f32 $0xffff, v55;
	[tilespmem:s25+$0x60] =	vst v31  }
0x11b: {  	(xrf2) =	vadd.scan.msk.f32 $0xffff, v0;
	v0 =	vsub.f32 v33, v44;
	v33 =	vld [tilespmem:$0x1FFA0];
	_ =	sdelay $0x1  }
0x11c: {  	v48 =	vnsel vm7, $0x0, v48  }
0x11d: {  	v60 =	vimm.s32 $0x0;
	v17 =	vsub.f32 v17, v48;
	v2 =	vnsel vm1, $0x0, v2  }
0x11e: {  	s1 =	sadd.s32 $0xFFFFFFD0, s28;
	v24 =	vadd.s32 $0x20, v24;
	v2 =	vsub.f32 v16, v2;
	v10 =	vxor.u32 $0x80000000, v32  }
0x11f: {  	v7 =	vadd.s32 $0x20, v43;
	v19, _, _ =	vpop (xrf0);
	v1 =	vadd.s32 v56, v9;
	v6 =	vadd.s32 s1, v6;
	v56 =	vld [tilespmem:s26+$0x20];
	[tilespmem:v8+s18+$0x0] =	vst.idx.msk vm4, v33  }
0x120: {  	vm11 =	vgt.s32 v10, $0x0;
	v55 =	vxor.u32 $0x80000000, v19;
	v44 =	vnsel vm6, $0x0, v49;
	v33 =	vld.idx.msk [tilespmem:v42+s17+$0x0], $0xffff;
	[tilespmem:s14+$0xFFFFFFE0] =	vst v52  }
0x121: {  	v43 =	vnsel vm11, $0x0, v10;
	vm11 =	vgt.s32 v55, $0x0;
	v3 =	vsub.f32 v3, v44;
	[tilespmem:v8+s19+$0x0] =	vst.idx.msk vm4, v29  }
0x122: {  	s20 =	sadd.s32 $0xFFFFFF70, s28;
	vm8 =	vmmov vm10;
	vm10 =	vmor vm13, vm14;
	v5 =	vnsel vm11, $0x0, v55;
	[tilespmem:v8+s21+$0x0] =	vst.idx.msk vm4, v0  }
0x123: {  	vm6 =	vmor vm0, vm14;
	vm11 =	vne.s32 v35, v57;
	[tilespmem:v8+s22+$0x0] =	vst.idx.msk vm4, v3;
	v3 =	vadd.s32 s20, v5  }
0x124: {  	v49 =	vmpcnt.ones.xlane vm6;
	v55 =	vmul.f32 v56, v12;
	v7 =	vld.idx.msk [tilespmem:v7+s17+$0x0], $0xffff;
	vm4 =	vmor vm11, vm14  }
0x125: {  	s11 =	sadd.s32 $0xFFFFFF40, s28;
	[tilespmem:s14+$0x10] =	vst v54;
	v42 =	vmpcnt.ones.xlane vm10;
	v0 =	vld.idx.msk [tilespmem:v58+s17+$0x0], $0xffff;
	vm11 =	vmor vm12, vm14;
	v56 =	vmpcnt.ones.xlane vm4  }
0x126: {  	v29 =	vadd.s32 s11, v43;
	[tilespmem:s14+$0xFFFFFFB0] =	vst v36;
	v5 =	vadd.s32 v50, v49;
	v49 =	vld.idx.msk [tilespmem:v24+s17+$0x0], $0xffff;
	v12, _, _ =	vpop (xrf2);
	v43 =	vsel vm11, $0x1, v60  }
0x127: {  	v58 =	vsel vm4, $0x1, v60;
	v9, _, _ =	vpop (xrf2);
	(xrf0) =	vadd.scan.msk.s32 $0xffff, v43;
	v8 =	vadd.s32 v5, v56;
	v56 =	vld.idx.msk [tilespmem:v6+s17+$0x0], $0xffff;
	[tilespmem:s25+$0x30] =	vst v23  }
0x128: {  	v57 =	vmpcnt.ones.xlane vm8;
	v10 =	vsel vm6, $0x1, v60;
	(xrf0) =	vadd.scan.msk.s32 $0xffff, v58;
	v24 =	vld.idx.msk [tilespmem:v3+s17+$0x0], $0xffff;
	[tilespmem:s25+$0xFFFFFFD0] =	vst v9  }
0x129: {  	v43 =	vmpcnt.ones.xlane vm11;
	v42 =	vadd.s32 v8, v42;
	(xrf0) =	vadd.scan.msk.s32 $0xffff, v10;
	v10 =	vld [tilespmem:$0x1FFC0];
	[tilespmem:v1+s18+$0x0] =	vst.idx.msk vm3, v62  }
0x12a: {  	s29 =	sadd.s32 $0xFFFFFFA0, s28;
	(xrf2) =	vadd.scan.msk.f32 $0xffff, v55;
	v11 =	vld.idx.msk [tilespmem:v11+s17+$0x0], $0xffff;
	v44 =	vadd.s32 v42, v57;
	[tilespmem:v26+s18+$0x0] =	vst.idx.msk vm2, v61  }
0x12b: {  	v60 =	vsel vm10, $0x1, v60;
	v57 =	vadd.s32 s29, v59;
	v43 =	vadd.s32 v44, v43;
	v58 =	vld [tilespmem:s26+$0xFFFFFFF0];
	[tilespmem:v1+s19+$0x0] =	vst.idx.msk vm3, v21  }
0x12c: {  	v55 =	vld [tilespmem:s26+$0x10];
	(xrf0) =	vadd.scan.msk.s32 $0xffff, v60;
	v49 =	vnsel vm1, $0x0, v49;
	v43 =	vxor.u32 $0x80000000, v43;
	[tilespmem:v26+s19+$0x0] =	vst.idx.msk vm2, v17  }
0x12d: {  	v16 =	vsub.f32 v54, v49;
	(xrf0) =	vmax.scan.msk.u32 $0xffff, v43;
	v43 =	vld.idx.msk [tilespmem:v29+s17+$0x0], $0xffff;
	[tilespmem:s25+$0xFFFFFFA0] =	vst v12  }
0x12e: {  	[tilespmem:v1+s21+$0x0] =	vst.idx.msk vm3, v2  }
0x12f: {  	v60 =	vld [tilespmem:s26+$0xFFFFFFE0];
	[tilespmem:v1+s22+$0x0] =	vst.idx.msk vm3, v16  }
0x130: {  	v0 =	vnsel vm5, $0x0, v0;
	v62 =	vld.idx.msk [tilespmem:v57+s17+$0x0], $0xffff;
	[tilespmem:s25+$0x0] =	vst v13;
	v21 =	vmul.f32 v58, v37;
	v37 =	vadd.s32 $0x10, v4  }
0x131: {  	v0 =	vsub.f32 v25, v0;
	[tilespmem:v34+s18+$0x0] =	vst.idx.msk vm9, v10;
	v10 =	vmul.f32 v55, v18;
	v55 =	vnsel vm7, $0x0, v33  }
0x132: {  	v11 =	vnsel vm5, $0x0, v11;
	[tilespmem:v34+s19+$0x0] =	vst.idx.msk vm9, v22;
	v17 =	vsub.f32 v27, v55  }
0x133: {  	v11 =	vsub.f32 v36, v11;
	v59, _, _ =	vpop (xrf0);
	(xrf2) =	vadd.scan.msk.f32 $0xffff, v21;
	[tilespmem:v34+s21+$0x0] =	vst.idx.msk vm9, v0  }
0x134: {  	v61, _, _ =	vpop (xrf0);
	v22 =	vld [tilespmem:s26+$0x0];
	v60 =	vmul.f32 v60, v39;
	v39 =	vadd.s32 v44, v59;
	v44 =	vnsel vm7, $0x0, v7;
	[tilespmem:v26+s21+$0x0] =	vst.idx.msk vm2, v17  }
0x135: {  	(xrf2) =	vadd.scan.msk.f32 $0xffff, v10;
	[tilespmem:v34+s22+$0x0] =	vst.idx.msk vm9, v11;
	v0 =	vsub.f32 v52, v44;
	v33 =	vld.idx.msk [tilespmem:v37+s17+$0x0], $0xffff;
	v37, _, _ =	vpop (xrf2)  }
0x136: {  	v58, _, _ =	vpop (xrf0);
	v4 =	vadd.s32 $0x20, v4;
	[tilespmem:s25+$0x70] =	vst v37  }
0x137: {  	v25, _, _ =	vpop (xrf0);
	[tilespmem:v26+s22+$0x0] =	vst.idx.msk vm2, v0  }
0x138: {  	v48, _, _ =	vpop (xrf0);
	v55 =	vld [tilespmem:$0x1FFD0]  }
0x139: {  	v54 =	vadd.s32 $0x10, v3;
	(v2sf) =	vpush v48, $0xF;
	(xrf2) =	vadd.scan.msk.f32 $0xffff, v60;
	v48 =	vmul.f32 v22, v14;
	_ =	sdelay $0x1  }
0x13a: {  	v49 =	vadd.s32 $0x10, v6;
	vm7 =	vlt.s32 v51, $0x0;
	v4 =	vld.idx.msk [tilespmem:v4+s17+$0x0], $0xffff;
	(xrf2) =	vadd.scan.msk.f32 $0xffff, v48  }
0x13b: {  	v27 =	vadd.s32 $0x20, v29;
	v59 =	vadd.s32 $0x10, v29;
	v53 =	vnsel vm7, $0x0, v53  }
0x13c: {  	v29 =	vadd.s32 v42, v46;
	v26 =	vadd.s32 $0x20, v6;
	[tilespmem:v39+s18+$0x0] =	vst.idx.msk vm11, v28;
	v1 =	vsub.f32 v55, v53;
	v60, _, _ =	vpop (xrf2)  }
0x13d: {  	v0 =	vld.idx.msk [tilespmem:v54+s17+$0x0], $0xffff;
	v2 =	vnsel vm7, $0x0, v33;
	[tilespmem:s25+$0xFFFFFFE0] =	vst v60  }
0x13e: {  	v2 =	vsub.f32 v31, v2;
	v28, _, _ =	vpop (xrf2);
	[tilespmem:v39+s19+$0x0] =	vst.idx.msk vm11, v1  }
0x13f: {  	v7 =	vld.idx.msk [tilespmem:v49+s17+$0x0], $0xffff;
	v33 =	vadd.s32 v50, v58;
	v22 =	vnsel vm7, $0x0, v4;
	[tilespmem:s25+$0x40] =	vst v28  }
0x140: {  	v31 =	vadd.s32 $0x10, v57;
	v1 =	vsub.f32 v37, v22;
	[tilespmem:v39+s21+$0x0] =	vst.idx.msk vm11, v2  }
0x141: {  	v4 =	vld.idx.msk [tilespmem:v26+s17+$0x0], $0xffff;
	[tilespmem:v29+s18+$0x0] =	vst.idx.msk vm8, v47  }
0x142: {  	v5 =	vadd.s32 v5, v61;
	vm9 =	vlt.s32 v40, $0x0;
	v34 =	vadd.s32 $0x20, v3;
	v37, _, _ =	vpop (xrf2);
	[tilespmem:v39+s22+$0x0] =	vst.idx.msk vm11, v1  }
0x143: {  	v8 =	vadd.s32 v8, v25;
	v40 =	vadd.s32 $0x20, v57;
	v36 =	vld.idx.msk [tilespmem:v59+s17+$0x0], $0xffff;
	v39 =	vnsel vm9, $0x0, v56;
	[tilespmem:s25+$0xFFFFFFB0] =	vst v37  }
0x144: {  	v7 =	vnsel vm9, $0x0, v7;
	v21 =	vsub.f32 v41, v39;
	v2 =	vld.idx.msk [tilespmem:v27+s17+$0x0], $0xffff;
	[tilespmem:v33+s18+$0x0] =	vst.idx.msk vm6, v38;
	v41, _, _ =	vpop (xrf2)  }
0x145: {  	v7 =	vsub.f32 v23, v7;
	v17 =	vld.idx.msk [tilespmem:v31+s17+$0x0], $0xffff;
	[tilespmem:s25+$0x10] =	vst v41  }
0x146: {  	vm11 =	vlt.s32 v30, $0x0;
	[tilespmem:v29+s19+$0x0] =	vst.idx.msk vm8, v21  }
0x147: {  	vm7 =	vlt.s32 v19, $0x0;
	v1 =	vld.idx.msk [tilespmem:v34+s17+$0x0], $0xffff;
	v42 =	vnsel vm11, $0x0, v62;
	[tilespmem:v29+s21+$0x0] =	vst.idx.msk vm8, v7  }
0x148: {  	v49 =	vnsel vm7, $0x0, v24;
	v44 =	vsub.f32 v20, v42;
	s30 =	spop (v2sf);
	v22 =	vld.idx.msk [tilespmem:v40+s17+$0x0], $0xffff;
	[tilespmem:v8+s18+$0x0] =	vst.idx.msk vm10, v45  }
0x149: {  	s4 =	simm.s32 $0x1;
	v50 =	vsub.f32 v15, v49;
	s2 =	sadd.s32 $0x80000001, s30;
	p0 =	slt.s32 s30, $0xFFFFFFFF;
	v4 =	vnsel vm9, $0x0, v4;
	v47 =	vld [tilespmem:$0x1FF60];
	[tilespmem:v5+s18+$0x0] =	vst.idx.msk vm4, v35  }
0x14a: {  	v0 =	vnsel vm7, $0x0, v0;
	s8 =	sshra.s32 s2, $0x1F;
	s4 =	simm.s32 @!p0 $0x0;
	[tilespmem:v8+s19+$0x0] =	vst.idx.msk vm10, v44;
	v4 =	vsub.f32 v28, v4  }
0x14b: {  	v0 =	vsub.f32 v9, v0;
	s9 =	sand.u32 $0xF, s2;
	v51 =	vnsel vm11, $0x0, v17;
	s4 =	sadd.s32 s4, s8;
	[tilespmem:v5+s19+$0x0] =	vst.idx.msk vm4, v50  }
0x14c: {  	vm5 =	vlt.s32 v32, $0x0;
	v1 =	vnsel vm7, $0x0, v1;
	p1 =	sne.s32 s9, $0x0;
	v7 =	vsub.f32 v13, v51;
	p4 =	sne.s32 s4, $0x1;
	[tilespmem:v29+s22+$0x0] =	vst.idx.msk vm8, v4  }
0x14d: {  	v46 =	vnsel vm5, $0x0, v43;
	s8 =	sshrl.u32 s8, $0x1C;
	v1 =	vsub.f32 v60, v1;
	[tilespmem:v5+s21+$0x0] =	vst.idx.msk vm4, v0;
	p0 =	por !p1, !p4  }
0x14e: {  	s4 =	sadd.s32 s8, s2;
	s8 =	simm.s32 $0x1;
	[tilespmem:v8+s21+$0x0] =	vst.idx.msk vm10, v7;
	p0 =	por !p0, !p0;
	v52 =	vnsel vm11, $0x0, v22;
	v48 =	vsub.f32 v47, v46  }
0x14f: {  	v3 =	vnsel vm5, $0x0, v36;
	s4 =	sshrl.u32 s4, $0x4;
	[tilespmem:v5+s22+$0x0] =	vst.idx.msk vm4, v1;
	s8 =	simm.s32 @!p0 $0x0;
	v6 =	vsub.f32 v41, v52  }
0x150: {  	v3 =	vsub.f32 v12, v3;
	v2 =	vnsel vm5, $0x0, v2;
	s4 =	ssub.s32 s4, s8;
	[tilespmem:v33+s19+$0x0] =	vst.idx.msk vm6, v48  }
0x151: {  	v2 =	vsub.f32 v37, v2;
	s8 =	sshll.u32 s4, $0x4;
	[tilespmem:v8+s22+$0x0] =	vst.idx.msk vm10, v6  }
0x152: {  	[tilespmem:v33+s21+$0x0] =	vst.idx.msk vm6, v3;
	v53 =	vor.u32 s8, v63;
	s4 =	sadd.s32 $0x10, s8  }
0x153: {  	s9 =	sadd.s32 $0x20, s8;
	vm8 =	vge.s32 v53, s2;
	v54 =	vor.u32 s4, v63;
	[tilespmem:v33+s22+$0x0] =	vst.idx.msk vm6, v2  }
0x154: {  	s10 =	sadd.s32 $0x30, s8;
	v55 =	vor.u32 s9, v63;
	vm9 =	vge.s32 v54, s2;
	v8 =	vld [tilespmem:$0x1FFE0]  }
0x155: {  	v56 =	vor.u32 s10, v63;
	vm10 =	vge.s32 v55, s2  }
0x156: {  	vm11 =	vge.s32 v56, s2  }
0x157: {  	s28 =	sadd.s32 $0x80000080, s30;
	s1 =	sand.u32 $0x7F, s30;
	s11 =	sadd.s32 $0x40, s8  }
0x158: {  	s29 =	sshra.s32 s28, $0x1F;
	s14 =	sadd.s32 $0x50, s8;
	v57 =	vor.u32 s11, v63;
	s4 =	simm.s32 $0xCF00  }
0x159: {  	p5 =	slt.s32 s28, $0x1;
	s20 =	sadd.s32 $0x60, s8;
	s25 =	sadd.s32 $0x70, s8;
	v58 =	vor.u32 s14, v63;
	vm5 =	vge.s32 v57, s2;
	[tilespmem:v53+s4+$0x0] =	vst.idx.msk vm8, v8  }
0x15a: {  	p6 =	sne.s32 s1, $0x0;
	s26 =	sadd.s32 $0x80, s8;
	s8 =	sadd.s32 $0x90, s8;
	v59 =	vor.u32 s20, v63;
	v60 =	vor.u32 s25, v63;
	vm4 =	vge.s32 v58, s2;
	[tilespmem:v54+s4+$0x0] =	vst.idx.msk vm9, v8  }
0x15b: {  	s30 =	sshrl.u32 s29, $0x19;
	p0 =	por !p5, !p6;
	v61 =	vor.u32 s26, v63;
	v62 =	vor.u32 s8, v63;
	vm8 =	vge.s32 v59, s2;
	[tilespmem:v55+s4+$0x0] =	vst.idx.msk vm10, v8  }
0x15c: {  	s1 =	sadd.s32 s30, s28;
	p0 =	por !p0, !p0;
	vm9 =	vge.s32 v60, s2;
	vm10 =	vge.s32 v61, s2;
	[tilespmem:v56+s4+$0x0] =	vst.idx.msk vm11, v8;
	vm11 =	vge.s32 v62, s2;
	s2 =	simm.s32 $0x1  }
0x15d: {  	s1 =	sshra.s32 s1, $0x7;
	s2 =	simm.s32 @!p0 $0x0  }
0x15e: {  	s1 =	ssub.s32 s1, s2  }
0x15f: {  	[tilespmem:v57+s4+$0x0] =	vst.idx.msk vm5, v8;
	p0 =	slt.s32 s1, $0x1  }
.Ltmp9:
0x160: {  	[tilespmem:v58+s4+$0x0] =	vst.idx.msk vm4, v8;
	(pc) =	sbr.rel @p0 .LBB2_14-.Ltmp9, $4  }
0x161: {  	[tilespmem:v59+s4+$0x0] =	vst.idx.msk vm8, v8  }
0x162: {  	[tilespmem:v60+s4+$0x0] =	vst.idx.msk vm9, v8  }
0x163: {  	[tilespmem:v61+s4+$0x0] =	vst.idx.msk vm10, v8  }
0x164: {  	s31 =	smov.u32 s7;
	s7 =	rddreg [dreg:$0x2];
	[tilespmem:v62+s4+$0x0] =	vst.idx.msk vm11, v8  }
0x165: {  	p1 =	sne.s32 s1, $0x1  }
.Ltmp10:
0x166: {  	s2 =	simm.s32 $0xDF80;
	s30 =	simm.s32 $0xF000;
	(pc) =	sbr.rel @!p1 .LBB2_13-.Ltmp10, $4  }
0x167: {  	s25 =	simm.s32 $0x10080;
	s11 =	simm.s32 $0x10100;
	s14 =	simm.s32 $0xE000  }
0x168: {  	[spmem:s3] =	stream.indirect.scatter.add.f32 [tilespmem:s2], [sflag:$0x1], $0x1, s4, s23, $0xb8;
	[tilespmem:$0x17900] =	vst v63  }
0x169: {  	s26 =	simm.s32 $0xCF80;
	s28 =	simm.s32 $0xF080;
	s2 =	sadd.s32 $0xFFFFFFFF, s1  }
0x16a: {  	[spmem:s5] =	stream.indirect.scatter.add.f32 [tilespmem:s30], [sflag:$0x1], $0x1, s4, s23, $0xb8;
	[tilespmem:$0x17900] =	vst v63  }
.LBB2_12:
0x16b: {  	[spmem:s6] =	stream.indirect.scatter.add.f32 [tilespmem:s25], [sflag:$0x1], $0x1, s4, s23, $0xb8;
	[tilespmem:$0x17900] =	vst v63  }
0x16c: {  	p1 =	sne.s32 s2, $0x1  }
.Ltmp11:
0x16d: {  	s2 =	sadd.s32 $0xFFFFFFFF, s2;
	(pc) =	sbr.rel @p1 .LBB2_12-.Ltmp11, $4  }
0x16e: {  	[spmem:s3] =	stream.indirect.scatter.add.f32 [tilespmem:s14], [sflag:$0x1], $0x1, s26, s23, $0xb8;
	[tilespmem:$0x17900] =	vst v63  }
0x16f: {  	s25 =	smov.u32 s11;
	s11 =	sadd.s32 $0x80, s11;
	s4 =	smov.u32 s26  }
0x170: {  	[spmem:s5] =	stream.indirect.scatter.add.f32 [tilespmem:s28], [sflag:$0x1], $0x1, s26, s23, $0xb8;
	[tilespmem:$0x17900] =	vst v63  }
0x171: {  	s14 =	sadd.s32 $0x80, s14;
	s26 =	sadd.s32 $0x80, s26;
	s28 =	sadd.s32 $0x80, s28  }
.LBB2_13:
0x172: {  	[spmem:s6] =	stream.indirect.scatter.add.f32 [tilespmem:s25], [sflag:$0x1], $0x1, s4, s23, $0xb8;
	[tilespmem:$0x17900] =	vst v63  }
.LBB2_14:
0x173: {  	_ =	swait.ge [sflag:s0], $0xFA0  }
0x174: {  	[sflag:s0] =	ssyncset.done $0x0  }
0x175: {  	[sflag:s0] =	ssyncadd.s32 $0xFFFFF060  }
0x176: {  	_ =	swait.ge [sflag:s0], $0xFA0  }
0x177: {  	[sflag:s0] =	ssyncset.done $0x0  }
0x178: {  	[sflag:s0] =	ssyncadd.s32 $0xFFFFF060  }
0x179: {  	_ =	swait.ge [sflag:s0], $0xFA0  }
0x17a: {  	[sflag:s0] =	ssyncset.done $0x0  }
0x17b: {  	[sflag:s0] =	ssyncadd.s32 $0xFFFFF060  }
0x17c: {  	_ =	swait.ge [sflag:s0], $0xFA0  }
0x17d: {  	p1 =	seq.s32 s12, $0x18;
	[sflag:s0] =	ssyncset.done $0x0;
	s2 =	rddreg [dreg:$0x13]  }
0x17e: {  	[sflag:s0] =	ssyncadd.s32 $0xFFFFF060;
	s2 =	sadd.s32 @!p1 s2, s13  }
0x17f: {  	_ =	swait.ge [sflag:s0], $0xFA0;
	s2 =	smul.u32 @!p1 $0x1F4, s2  }
0x180: {  	[sflag:s0] =	ssyncset.done $0x0  }
0x181: {  	s8 =	simm.s32 @!p1 $0x0;
	[sflag:s0] =	ssyncadd.s32 $0xFFFFF060;
	s4 =	sadd.s32 @!p1 s31, s2  }
0x182: {  	[tilespmem:s8], [sflag:$0x2] =	stream.linear.gather @!p1 [hbm4b:s4+s8], $0xFA0, $0x38;
	[tilespmem:$0x17900] =	vst v63  }
0x183: {  	s9 =	simm.s32 @!p1 $0x4010;
	s4 =	sadd.s32 @!p1 s7, s2  }
0x184: {  	[tilespmem:s9], [sflag:$0x2] =	stream.linear.gather @!p1 [hbm4b:s4+s8], $0xFA0, $0x38;
	[tilespmem:$0x17900] =	vst v63  }
0x185: {  	s4 =	rddreg [dreg:$0x7]  }
0x186: {  	s9 =	simm.s32 @!p1 $0x1000;
	s4 =	sadd.s32 @!p1 s4, s2  }
0x187: {  	[tilespmem:s9], [sflag:$0x2] =	stream.linear.gather @!p1 [hbm4b:s4+s8], $0xFA0, $0x38;
	[tilespmem:$0x17900] =	vst v63  }
0x188: {  	s4 =	rddreg [dreg:$0x8]  }
.Ltmp12:
0x189: {  	s9 =	simm.s32 @!p1 $0x2000;
	s4 =	sadd.s32 @!p1 s4, s2;
	(pc) =	sbr.rel @p0 .LBB2_18-.Ltmp12, $4  }
0x18a: {  	[tilespmem:s9], [sflag:$0x2] =	stream.linear.gather @!p1 [hbm4b:s4+s8], $0xFA0, $0x38;
	[tilespmem:$0x17900] =	vst v63  }
0x18b: {  	s4 =	rddreg [dreg:$0x9]  }
0x18c: {  	s2 =	sadd.s32 @!p1 s4, s2;
	s4 =	simm.s32 @!p1 $0x3000  }
0x18d: {  	v8 =	vimm.s32 $0x0;
	[tilespmem:s4], [sflag:$0x2] =	stream.linear.gather @!p1 [hbm4b:s2+s8], $0xFA0, $0x38;
	[tilespmem:$0x17900] =	vst v63  }
0x18e: {  	_ =	swait.ge [sflag:s15], $0x80  }
0x18f: {  	[sflag:s15] =	ssyncset.done $0x0  }
0x190: {  	p0 =	sne.s32 s1, $0x1;
	[sflag:s15] =	ssyncadd.s32 $0xFFFFFF80  }
.Ltmp13:
0x191: {  	_ =	swait.ge [sflag:s15], $0x80;
	(pc) =	sbr.rel @!p0 .LBB2_17-.Ltmp13, $4  }
0x192: {  	[sflag:s15] =	ssyncset.done $0x0  }
0x193: {  	[sflag:s15] =	ssyncadd.s32 $0xFFFFFF80  }
0x194: {  	_ =	swait.ge [sflag:s15], $0x80  }
0x195: {  	s1 =	sadd.s32 $0xFFFFFFFF, s1;
	[sflag:s15] =	ssyncset.done $0x0  }
.LBB2_16:
0x196: {  	p0 =	sne.s32 s1, $0x1;
	s1 =	sadd.s32 $0xFFFFFFFF, s1;
	[sflag:s15] =	ssyncadd.s32 $0xFFFFFF80  }
0x197: {  	_ =	swait.ge [sflag:s15], $0x80  }
0x198: {  	[sflag:s15] =	ssyncset.done $0x0  }
0x199: {  	[sflag:s15] =	ssyncadd.s32 $0xFFFFFF80  }
.Ltmp14:
0x19a: {  	_ =	swait.ge [sflag:s15], $0x80;
	(pc) =	sbr.rel @p0 .LBB2_16-.Ltmp14, $4  }
0x19b: {  	[sflag:s15] =	ssyncset.done $0x0  }
0x19c: {  	[sflag:s15] =	ssyncadd.s32 $0xFFFFFF80  }
0x19d: {  	_ =	swait.ge [sflag:s15], $0x80  }
0x19e: {  	[sflag:s15] =	ssyncset.done $0x0  }
.LBB2_17:
0x19f: {  	[sflag:s15] =	ssyncadd.s32 $0xFFFFFF80  }
.LBB2_18:
0x1a0: {  	s1 =	simm.s32 $0x5020;
	v45 =	vld [tilespmem:$0x1FFF0]  }
0x1a1: {  	s2 =	simm.s32 $0x6020;
	v14 =	vld [tilespmem:s1+$0x10]  }
0x1a2: {  	v0 =	vld [tilespmem:s2+$0x20]  }
0x1a3: {  	v36 =	vld [tilespmem:s1+$0x20]  }
0x1a4: {  	v1 =	vld [tilespmem:s2+$0x10]  }
0x1a5: {  	v2 =	vld [tilespmem:s2+$0x0]  }
0x1a6: {  	v27 =	vld [tilespmem:s1+$0x0]  }
0x1a7: {  	v4 =	vld [tilespmem:s2+$0xFFFFFFF0]  }
0x1a8: {  	v20 =	vld [tilespmem:s1+$0xFFFFFFF0]  }
0x1a9: {  	s26 =	simm.s32 $0x3F;
	v5 =	vld [tilespmem:s2+$0xFFFFFFE0]  }
0x1aa: {  	s8 =	simm.s32 $0x41;
	s9 =	simm.s32 $0x9030;
	v6 =	vadd.s32 s26, v63;
	v15 =	vld [tilespmem:s1+$0xFFFFFFE0]  }
0x1ab: {  	v7 =	vadd.s32 s8, v63;
	v13 =	vld [tilespmem:s9+$0x20];
	v0 =	vmul.f32 v0, v36  }
0x1ac: {  	s10 =	simm.s32 $0x2F;
	v17 =	vld [tilespmem:s9+$0x10];
	v1 =	vmul.f32 v1, v14  }
0x1ad: {  	s4 =	simm.s32 $0x4F;
	v53 =	vadd.s32 s10, v63;
	v62 =	vld [tilespmem:s9+$0xFFFFFFF0];
	v52 =	vmul.f32 v2, v27;
	(xrf2) =	vadd.scan.msk.f32 $0xffff, v0  }
0x1ae: {  	s11 =	simm.s32 $0x51;
	v3 =	vadd.s32 s4, v63;
	v9 =	vld [tilespmem:s9+$0xFFFFFFE0];
	(xrf2) =	vadd.scan.msk.f32 $0xffff, v1  }
0x1af: {  	s14 =	simm.s32 $0x1F;
	v57 =	vadd.s32 s11, v63;
	v58 =	vld.idx.msk [tilespmem:v6+s24+$0x0], $0xffff;
	(xrf2) =	vadd.scan.msk.f32 $0xffff, v52  }
0x1b0: {  	s13 =	simm.s32 $0xF;
	v12 =	vadd.s32 s14, v63;
	v10 =	vld.idx.msk [tilespmem:v7+s24+$0x0], $0xffff  }
0x1b1: {  	s20 =	simm.s32 $0x31;
	v11 =	vadd.s32 s13, v63;
	v5 =	vmul.f32 v5, v15;
	v7 =	vld [tilespmem:s9+$0x0]  }
0x1b2: {  	s25 =	simm.s32 $0x21;
	v16 =	vadd.s32 s20, v63;
	v2 =	vld.idx.msk [tilespmem:v53+s24+$0x0], $0xffff  }
0x1b3: {  	v59 =	vadd.s32 s25, v63;
	v54 =	vld.idx.msk [tilespmem:v3+s24+$0x0], $0xffff;
	v4 =	vmul.f32 v4, v20;
	(xrf2) =	vadd.scan.msk.f32 $0xffff, v5  }
0x1b4: {  	v3 =	vld.idx.msk [tilespmem:v57+s24+$0x0], $0xffff;
	[tilespmem:$0x1FF10] =	vst v17;
	vm0 =	veq.s32 v17, v58  }
0x1b5: {  	v18 =	vld.idx.msk [tilespmem:v12+s24+$0x0], $0xffff;
	(xrf2) =	vadd.scan.msk.f32 $0xffff, v4;
	v0 =	vsel vm0, $0x7FFFFFFF, v45;
	vm0 =	vne.s32 v17, v10  }
0x1b6: {  	v10 =	vld.idx.msk [tilespmem:v11+s24+$0x0], $0xffff;
	vm2 =	vmor vm0, vm14;
	(xrf0) =	vmax.scan.msk.u32 $0xffff, v0  }
0x1b7: {  	v21 =	vld.idx.msk [tilespmem:v16+s24+$0x0], $0xffff;
	vm0 =	veq.s32 v7, v2;
	v55 =	vsel vm2, $0x1, v8;
	v6, _, _ =	vpop (xrf2)  }
0x1b8: {  	s28 =	simm.s32 $0x6070;
	v56 =	vld.idx.msk [tilespmem:v59+s24+$0x0], $0xffff;
	v12 =	vsel vm0, $0x7FFFFFFF, v45;
	(xrf0) =	vadd.scan.msk.s32 $0xffff, v55;
	v61, _, _ =	vpop (xrf2)  }
0x1b9: {  	s26 =	simm.s32 $0x11;
	s13 =	simm.s32 $0xA070;
	v25 =	vld [tilespmem:s28+$0xFFFFFFF0];
	(xrf0) =	vmax.scan.msk.u32 $0xffff, v12;
	v11, _, _ =	vpop (xrf2)  }
0x1ba: {  	s4 =	simm.s32 $0x7020;
	v60 =	vadd.s32 s26, v63;
	v29 =	vld [tilespmem:s28+$0x20];
	[tilespmem:s13+$0xFFFFFFF0] =	vst v11  }
0x1bb: {  	vm0 =	veq.s32 v9, v10;
	[tilespmem:s13+$0x20] =	vst v61;
	v57 =	vld [tilespmem:s4+$0x0]  }
0x1bc: {  	v12 =	vsel vm0, $0x7FFFFFFF, v45;
	vm0 =	veq.s32 v13, v54;
	v22, _, _ =	vpop (xrf0);
	v10 =	vld [tilespmem:s4+$0x10]  }
0x1bd: {  	v43 =	vld [tilespmem:s28+$0x10];
	[tilespmem:s13+$0x50] =	vst v6;
	(xrf0) =	vmax.scan.msk.u32 $0xffff, v12;
	v17 =	vsel vm0, $0x7FFFFFFF, v45;
	v1, _, _ =	vpop (xrf2)  }
0x1be: {  	v12 =	vxor.u32 $0x80000000, v22;
	v16 =	vld [tilespmem:s4+$0x20];
	v19, _, _ =	vpop (xrf0)  }
0x1bf: {  	v4 =	vld.idx.msk [tilespmem:v60+s24+$0x0], $0xffff;
	vm1 =	vgt.s32 v12, $0x0;
	[tilespmem:s13+$0xFFFFFF90] =	vst v1;
	v28, _, _ =	vpop (xrf0)  }
0x1c0: {  	s29 =	simm.s32 $0x5070;
	s8 =	simm.s32 $0x90;
	(xrf0) =	vmax.scan.msk.u32 $0xffff, v17;
	v12 =	vnsel vm1, $0x0, v12;
	v17, _, _ =	vpop (xrf2);
	v26 =	vld [tilespmem:s4+$0xFFFFFFE0];
	v24 =	vxor.u32 $0x80000000, v28;
	v5 =	vmul.f32 v57, v27  }
0x1c1: {  	v23 =	vadd.s32 s8, v12;
	[tilespmem:s13+$0xFFFFFFC0] =	vst v17;
	v12 =	vld [tilespmem:s29+$0x20];
	vm0 =	vgt.s32 v24, $0x0;
	v10 =	vmul.f32 v10, v14  }
0x1c2: {  	s9 =	simm.s32 $0x60;
	vm1 =	veq.s32 v62, v18;
	v58 =	vld [tilespmem:s4+$0xFFFFFFF0];
	v24 =	vnsel vm0, $0x0, v24;
	(xrf2) =	vadd.scan.msk.f32 $0xffff, v5  }
0x1c3: {  	v48 =	vld [tilespmem:s28+$0x0];
	v31 =	vsel vm1, $0x7FFFFFFF, v45;
	v42, _, _ =	vpop (xrf0);
	v24 =	vadd.s32 s9, v24;
	(xrf2) =	vadd.scan.msk.f32 $0xffff, v10;
	v10 =	vmul.f32 v16, v36  }
0x1c4: {  	v30 =	vimm.s32 $0xFFFFFFFF;
	v37 =	vld [tilespmem:s29+$0xFFFFFFF0];
	(xrf0) =	vmax.scan.msk.u32 $0xffff, v31;
	v16 =	vxor.u32 $0x80000000, v42  }
0x1c5: {  	s10 =	simm.s32 $0x81;
	vm7 =	vne.s32 v13, v3;
	v3 =	vld [tilespmem:s28+$0xFFFFFFE0];
	v26 =	vmul.f32 v26, v15;
	vm0 =	vgt.s32 v16, $0x0;
	(xrf2) =	vadd.scan.msk.f32 $0xffff, v10  }
0x1c6: {  	s11 =	simm.s32 $0x9F;
	s20 =	simm.s32 $0x7F;
	v32 =	vadd.s32 s10, v63;
	v18 =	vld [tilespmem:s29+$0x10];
	v10 =	vnsel vm0, $0x0, v16;
	v16 =	vmul.f32 v29, v12  }
0x1c7: {  	s25 =	simm.s32 $0x91;
	v47 =	vadd.s32 s11, v63;
	v35 =	vadd.s32 s20, v63;
	s11 =	simm.s32 $0x71;
	v49, _, _ =	vpop (xrf0);
	v33 =	vld.idx.msk [tilespmem:v23+s17+$0x0], $0xffff;
	v5 =	vmul.f32 v58, v20;
	(xrf2) =	vadd.scan.msk.f32 $0xffff, v26  }
0x1c8: {  	s14 =	simm.s32 $0x0;
	v38 =	vadd.s32 s25, v63;
	v34 =	vadd.s32 s11, v63;
	v50 =	vld.idx.msk [tilespmem:v24+s17+$0x0], $0xffff;
	v29 =	vxor.u32 $0x80000000, v49;
	(xrf2) =	vadd.scan.msk.f32 $0xffff, v16  }
0x1c9: {  	vm3 =	vne.s32 v7, v21;
	v31 =	vadd.s32 s14, v10;
	v10 =	vld [tilespmem:s29+$0x0];
	vm0 =	vgt.s32 v29, $0x0;
	[tilespmem:$0x1FF20] =	vst v7  }
0x1ca: {  	s26 =	simm.s32 $0xC0;
	vm10 =	vne.s32 v62, v56;
	[tilespmem:$0x1FF30] =	vst v9;
	v16 =	vnsel vm0, $0x0, v29;
	(xrf2) =	vadd.scan.msk.f32 $0xffff, v5  }
0x1cb: {  	vm9 =	vne.s32 v9, v4;
	vm6 =	vlt.s32 v22, $0x0;
	s4 =	simm.s32 $0x9080;
	v39 =	vld [tilespmem:s29+$0xFFFFFFE0];
	v46 =	vadd.s32 s26, v16;
	v5, _, _ =	vpop (xrf0)  }
0x1cc: {  	vm1 =	vlt.s32 v28, $0x0;
	v21 =	vnsel vm6, $0x0, v33;
	v28 =	vld [tilespmem:s4+$0x20];
	v59 =	vxor.u32 $0x80000000, v5  }
0x1cd: {  	s20 =	simm.s32 $0xA1;
	v29 =	vsub.f32 v61, v21;
	v47 =	vld.idx.msk [tilespmem:v47+s24+$0x0], $0xffff;
	v21 =	vnsel vm1, $0x0, v50;
	vm0 =	vgt.s32 v59, $0x0;
	v16, _, _ =	vpop (xrf2)  }
0x1ce: {  	s25 =	simm.s32 $0x8020;
	v22 =	vadd.s32 s20, v63;
	s26 =	simm.s32 $0x30;
	v7 =	vsub.f32 v11, v21;
	v2 =	vld.idx.msk [tilespmem:v31+s17+$0x0], $0xffff;
	v4 =	vnsel vm0, $0x0, v59;
	[tilespmem:s13+$0x0] =	vst v16;
	v33, _, _ =	vpop (xrf2)  }
0x1cf: {  	v56 =	vmul.f32 v25, v37;
	v52 =	vmul.f32 v43, v18;
	v43 =	vadd.s32 s26, v4;
	v51 =	vld [tilespmem:s25+$0x0];
	v44, _, _ =	vpop (xrf2)  }
0x1d0: {  	vm8 =	vmor vm7, vm14;
	vm3 =	vmor vm3, vm14;
	vm4 =	vmmov vm2;
	s9 =	simm.s32 $0x5F;
	v60 =	vld.idx.msk [tilespmem:v46+s17+$0x0], $0xffff;
	[tilespmem:s13+$0x60] =	vst v44  }
0x1d1: {  	s10 =	simm.s32 $0x61;
	vm2 =	vmor vm10, vm14;
	vm5 =	vlt.s32 v42, $0x0;
	v41 =	vadd.s32 s9, v63;
	v25, _, _ =	vpop (xrf2);
	[tilespmem:$0x1FF40] =	vst v7  }
0x1d2: {  	vm11 =	vlt.s32 v49, $0x0;
	v26 =	vadd.s32 s10, v63;
	s14 =	simm.s32 $0x6F;
	v61 =	vmul.f32 v48, v10;
	v7, _, _ =	vpop (xrf2);
	v50 =	vld [tilespmem:s25+$0x20];
	[tilespmem:s13+$0xFFFFFFA0] =	vst v25  }
0x1d3: {  	v40 =	vadd.s32 s14, v63;
	(xrf2) =	vadd.scan.msk.f32 $0xffff, v52;
	v3 =	vmul.f32 v3, v39;
	v55 =	vld.idx.msk [tilespmem:v22+s24+$0x0], $0xffff;
	[tilespmem:$0x1FF50] =	vst v7  }
0x1d4: {  	vm7 =	vlt.s32 v5, $0x0;
	vm13 =	veq.s32 v28, v47;
	(xrf2) =	vadd.scan.msk.f32 $0xffff, v61;
	v51 =	vmul.f32 v51, v27;
	v27, _, _ =	vpop (xrf2);
	v48 =	vld.idx.msk [tilespmem:v43+s17+$0x0], $0xffff  }
0x1d5: {  	s30 =	simm.s32 $0x7070;
	v42 =	vadd.s32 $0x10, v43;
	(xrf2) =	vadd.scan.msk.f32 $0xffff, v3;
	v2 =	vnsel vm5, $0x0, v2;
	v52 =	vld [tilespmem:s25+$0xFFFFFFE0];
	[tilespmem:s13+$0xFFFFFFD0] =	vst v27  }
0x1d6: {  	s1 =	simm.s32 $0x5;
	s2 =	simm.s32 $0xF1;
	s14 =	simm.s32 $0xA160;
	v22 =	vsub.f32 v1, v2;
	v0 =	vnsel vm11, $0x0, v60;
	v60 =	vsel vm2, $0x1, v8;
	[tilespmem:s13+$0x30] =	vst v33;
	v54 =	vld [tilespmem:s25+$0xFFFFFFF0]  }
0x1d7: {  	s11 =	simm.s32 $0x8F;
	s26 =	simm.s32 $0x1B0;
	v49 =	vsub.f32 v6, v0;
	[tilespmem:s14+$0x50] =	vst v7;
	v59 =	vld [tilespmem:s25+$0x10];
	s25 =	simm.s32 $0x8070;
	v57 =	vmul.f32 v50, v36;
	v36 =	vimm.s32 $0xFFFFFFFF  }
.LBB2_19:
0x1d8: {  	s9 =	sadd.s32 $0xFFFFFFFE, s2;
	v50 =	vld [tilespmem:s4+$0xFFFFFFF0];
	v0 =	vadd.s32 s11, v63;
	vm10 =	vmor vm9, vm14;
	v1 =	vmpcnt.ones.xlane vm2  }
0x1d9: {  	v53 =	vld.idx.msk [tilespmem:v34+s24+$0x0], $0xffff;
	v61 =	vsel vm8, $0x1, v8;
	v34 =	vadd.s32 $0x10, v46;
	v3 =	vadd.s32 s9, v63  }
0x1da: {  	s8 =	sadd.s32 $0xFFFFFFE0, s2;
	v21 =	vmovc v62;
	v62 =	vadd.s32 $0x10, v23;
	v9 =	vmpcnt.ones.xlane vm4;
	v7 =	vlaneseq.u32;
	[tilespmem:$0x1FF00] =	vst v3;
	v3 =	vld.idx.msk [tilespmem:v40+s24+$0x0], $0xffff  }
0x1db: {  	s20 =	sadd.s32 $0xFFFFFFBE, s2;
	v6 =	vld.idx.msk [tilespmem:v38+s24+$0x0], $0xffff;
	v46 =	vadd.s32 $0x20, v46;
	v11 =	vimm.s32 $0x0;
	v2 =	vadd.s32 s8, v63;
	s9 =	sadd.s32 $0xFFFFFFF0, s2;
	(xrf0) =	vadd.scan.msk.s32 $0xffff, v61  }
0x1dc: {  	v4 =	vmpcnt.ones.xlane vm10;
	v61 =	vld.idx.msk [tilespmem:v32+s24+$0x0], $0xffff;
	v58 =	vadd.s32 s9, v63;
	(xrf0) =	vadd.scan.msk.s32 $0xffff, v60;
	v60 =	vadd.s32 s20, v63  }
0x1dd: {  	s8 =	sadd.s32 $0xFFFFFFDE, s2;
	v38 =	vmov v58;
	v58 =	vld.idx.msk [tilespmem:v26+s24+$0x0], $0xffff;
	v5 =	vmul.f32 v52, v15;
	v52 =	vnsel vm7, $0x0, v48;
	v47, _, _ =	vpop (xrf2);
	(xrf2) =	vadd.scan.msk.f32 $0xffff, v57  }
0x1de: {  	v15 =	vmovc v39;
	v48 =	vadd.s32 s8, v63;
	v39 =	vsub.f32 v17, v52;
	v17 =	vmul.f32 v54, v20;
	v54 =	vld [tilespmem:s4+$0x0]  }
0x1df: {  	s10 =	sadd.s32 $0xFFFFFFC0, s2;
	v59 =	vmul.f32 v59, v14;
	v0 =	vld.idx.msk [tilespmem:v0+s24+$0x0], $0xffff;
	vm0 =	veq.s32 v50, v3;
	v3 =	vadd.s32 $0x10, v24  }
0x1e0: {  	v14 =	vmov v18;
	v18 =	vadd.s32 s10, v63;
	v63 =	vsel vm10, $0x1, v8;
	v52, _, _ =	vpop (xrf2);
	(xrf2) =	vadd.scan.msk.f32 $0xffff, v17;
	v17 =	vld.idx.msk [tilespmem:v35+s24+$0x0], $0xffff  }
0x1e1: {  	v32 =	vmovc v2;
	v40 =	vsel vm3, $0x1, v8;
	s9 =	sadd.s32 $0xFFFFFFD0, s2;
	v4 =	vadd.s32 v30, v4;
	v30 =	vmpcnt.ones.xlane vm3;
	(xrf0) =	vadd.scan.msk.s32 $0xffff, v63;
	v63 =	vld.idx.msk [tilespmem:v34+s17+$0x0], $0xffff  }
0x1e2: {  	v1 =	vadd.s32 v4, v1;
	vm12 =	vne.s32 v28, v55;
	v20 =	vmovc v37;
	v34 =	vadd.s32 s9, v7;
	v57 =	vld [tilespmem:s4+$0x10];
	[tilespmem:s14+$0x20] =	vst v47  }
0x1e3: {  	v37 =	vld [tilespmem:s4+$0xFFFFFFE0];
	v35 =	vmov v48;
	[tilespmem:s14+$0xFFFFFFF0] =	vst v52;
	v48, _, _ =	vpop (xrf2);
	(xrf2) =	vadd.scan.msk.f32 $0xffff, v56;
	v56 =	vadd.s32 v1, v30  }
0x1e4: {  	s10 =	sadd.s32 $0xFFFFFFCE, s2;
	v2, _, _ =	vpop (xrf0);
	v30 =	vmpcnt.ones.xlane vm8;
	v8 =	vadd.s32 v56, v9;
	vm14 =	vne.s32 v54, v61;
	(xrf2) =	vadd.scan.msk.f32 $0xffff, v59;
	v3 =	vld.idx.msk [tilespmem:v3+s17+$0x0], $0xffff  }
0x1e5: {  	s29 =	sadd.s32 $0x50, s29;
	v55 =	vadd.s32 v8, v2;
	v2, _, _ =	vpop (xrf0);
	(xrf0) =	vadd.scan.msk.s32 $0xffff, v40;
	v40 =	vadd.s32 s10, v7;
	v7 =	vld.idx.msk [tilespmem:v41+s24+$0x0], $0xffff;
	vm9 =	veq.s32 v54, v17  }
0x1e6: {  	v26 =	vmovc v18;
	v18 =	vld [tilespmem:s29+$0x10];
	v63 =	vnsel vm11, $0x0, v63;
	v30 =	vadd.s32 v8, v30;
	[tilespmem:s14+$0xFFFFFF90] =	vst v48;
	v61 =	vsel vm9, $0x7FFFFFFF, v45  }
0x1e7: {  	v17 =	vld [tilespmem:s30+$0x0];
	vm9 =	veq.s32 v57, v0;
	v0 =	vadd.s32 $0x10, v31;
	v31 =	vadd.s32 $0x20, v31;
	v59, _, _ =	vpop (xrf2);
	(xrf2) =	vadd.scan.msk.f32 $0xffff, v5  }
0x1e8: {  	v41 =	vsel vm9, $0x7FFFFFFF, v45;
	vm9 =	vne.s32 v57, v6;
	v6 =	vsub.f32 v44, v63;
	v5 =	vld.idx.msk [tilespmem:v62+s17+$0x0], $0xffff;
	[tilespmem:s13+$0x70] =	vst v59  }
0x1e9: {  	v8, _, _ =	vpop (xrf0);
	(xrf0) =	vmax.scan.msk.u32 $0xffff, v41;
	v62 =	vsel vm0, $0x7FFFFFFF, v45;
	vm0 =	vcmask $0x3F3C;
	v3 =	vnsel vm1, $0x0, v3;
	v46 =	vld.idx.msk [tilespmem:v46+s17+$0x0], $0xffff  }
0x1ea: {  	v63 =	vld [tilespmem:s30+$0x10];
	v44, _, _ =	vpop (xrf2);
	vm15 =	vmor vm9, vm0;
	(xrf2) =	vadd.scan.msk.f32 $0xffff, v51;
	vm0 =	veq.s32 v37, v7;
	[tilespmem:v55+s18+$0x0] =	vst.idx.msk vm8, v13  }
0x1eb: {  	v41 =	vmovc v60;
	v60 =	vadd.s32 $0x20, v24;
	v24 =	vld.idx.msk [tilespmem:v42+s17+$0x0], $0xffff;
	v7 =	vsel vm0, $0x7FFFFFFF, v45;
	[tilespmem:v55+s19+$0x0] =	vst.idx.msk vm8, v49;
	v49 =	vsel vm15, $0x1, v11  }
0x1ec: {  	s28 =	sadd.s32 $0x50, s28;
	v9, _, _ =	vpop (xrf0);
	v0 =	vld.idx.msk [tilespmem:v0+s17+$0x0], $0xffff;
	v11 =	vadd.s32 $0x20, v43;
	[tilespmem:v55+s21+$0x0] =	vst.idx.msk vm8, v6;
	v6 =	vmul.f32 v17, v10;
	(xrf0) =	vadd.scan.msk.s32 $0xffff, v49  }
0x1ed: {  	vm9 =	vne.s32 v37, v58;
	v51 =	vadd.s32 v36, v8;
	v43 =	vld [tilespmem:s28+$0xFFFFFFF0];
	[tilespmem:s13+$0xFFFFFFE0] =	vst v44;
	v17, _, _ =	vpop (xrf2);
	(xrf0) =	vmax.scan.msk.u32 $0xffff, v61  }
0x1ee: {  	v42 =	vadd.s32 v56, v19;
	v8 =	vld [tilespmem:s30+$0x20];
	[tilespmem:s14+$0xFFFFFFC0] =	vst v17;
	(xrf2) =	vadd.scan.msk.f32 $0xffff, v6;
	v46 =	vnsel vm11, $0x0, v46  }
0x1ef: {  	v49 =	vadd.s32 v4, v2;
	v6 =	vadd.s32 $0x20, v23;
	(xrf0) =	vmax.scan.msk.u32 $0xffff, v7;
	v7, _, _ =	vpop (xrf0);
	v56 =	vld [tilespmem:s30+$0xFFFFFFF0];
	v2 =	vsub.f32 v59, v46  }
0x1f0: {  	v13 =	vmov v28;
	v58 =	vmul.f32 v63, v14;
	v28, _, _ =	vpop (xrf2);
	v61 =	vxor.u32 $0x80000000, v7;
	v46 =	vld [tilespmem:s30+$0xFFFFFFE0]  }
0x1f1: {  	v3 =	vsub.f32 v16, v3;
	vm0 =	vgt.s32 v61, $0x0;
	v11 =	vld.idx.msk [tilespmem:v11+s17+$0x0], $0xffff;
	[tilespmem:v55+s22+$0x0] =	vst.idx.msk vm8, v2;
	v4, _, _ =	vpop (xrf2)  }
0x1f2: {  	s20 =	sadd.s32 $0xFFFFFFD0, s26;
	v1 =	vadd.s32 v1, v9;
	v23 =	vsel vm13, $0x7FFFFFFF, v45;
	(xrf2) =	vadd.scan.msk.f32 $0xffff, v58;
	v16 =	vnsel vm0, $0x0, v61;
	v19, _, _ =	vpop (xrf0);
	v2 =	vld [tilespmem:s28+$0x20]  }
0x1f3: {  	v5 =	vnsel vm6, $0x0, v5;
	[tilespmem:s13+$0x40] =	vst v28;
	v9, _, _ =	vpop (xrf0);
	(xrf0) =	vmax.scan.msk.u32 $0xffff, v23;
	v23 =	vadd.s32 s20, v16;
	v16 =	vld [tilespmem:$0x1FF10]  }
0x1f4: {  	v5 =	vsub.f32 v33, v5;
	v0 =	vnsel vm5, $0x0, v0;
	v8 =	vmul.f32 v8, v12;
	[tilespmem:s13+$0xFFFFFFB0] =	vst v4;
	v6 =	vld.idx.msk [tilespmem:v6+s17+$0x0], $0xffff  }
0x1f5: {  	v33 =	vmov v57;
	v0 =	vsub.f32 v25, v0;
	[tilespmem:v49+s18+$0x0] =	vst.idx.msk vm2, v21;
	v55, _, _ =	vpop (xrf2);
	v61 =	vxor.u32 $0x80000000, v9;
	v25 =	vld.idx.msk [tilespmem:v31+s17+$0x0], $0xffff  }
0x1f6: {  	[tilespmem:$0x1FF10] =	vst v33;
	(xrf2) =	vadd.scan.msk.f32 $0xffff, v8;
	v8 =	vld [tilespmem:$0x1FF30];
	v31 =	vnsel vm7, $0x0, v24;
	v24 =	vmovc v37;
	vm0 =	vgt.s32 v61, $0x0  }
0x1f7: {  	s9 =	sadd.s32 $0xFFFFFFA0, s26;
	v58 =	vld [tilespmem:s29+$0x20];
	[tilespmem:$0x1FF30] =	vst v24;
	v61 =	vnsel vm0, $0x0, v61  }
0x1f8: {  	v24 =	vadd.s32 s9, v61;
	v61 =	vld [tilespmem:$0x1FF20];
	[tilespmem:v42+s18+$0x0] =	vst.idx.msk vm4, v16  }
0x1f9: {  	v59, _, _ =	vpop (xrf0);
	[tilespmem:s13+$0x10] =	vst v55;
	(xrf0) =	vmax.scan.msk.u32 $0xffff, v62;
	v46 =	vmul.f32 v46, v15;
	v57 =	vld [tilespmem:s28+$0x10]  }
0x1fa: {  	[tilespmem:v42+s19+$0x0] =	vst.idx.msk vm4, v29;
	v29 =	vld.idx.msk [tilespmem:v60+s17+$0x0], $0xffff  }
0x1fb: {  	v21 =	vld [tilespmem:$0x1FF40];
	v27 =	vsub.f32 v27, v31;
	v16, _, _ =	vpop (xrf2);
	(xrf2) =	vadd.scan.msk.f32 $0xffff, v46;
	[tilespmem:v51+s18+$0x0] =	vst.idx.msk vm10, v8;
	v8 =	vxor.u32 $0x80000000, v59  }
0x1fc: {  	v6 =	vnsel vm6, $0x0, v6;
	v2 =	vmul.f32 v2, v58;
	v60 =	vld [tilespmem:s28+$0x0];
	vm0 =	vgt.s32 v8, $0x0;
	[tilespmem:v51+s19+$0x0] =	vst.idx.msk vm10, v22  }
0x1fd: {  	s10 =	sadd.s32 $0xFFFFFF40, s26;
	vm6 =	vlt.s32 v7, $0x0;
	v6 =	vsub.f32 v28, v6;
	v33, _, _ =	vpop (xrf2);
	[tilespmem:v42+s21+$0x0] =	vst.idx.msk vm4, v5;
	v37 =	vnsel vm0, $0x0, v8;
	v22 =	vld [tilespmem:s28+$0xFFFFFFE0]  }
0x1fe: {  	v25 =	vnsel vm5, $0x0, v25;
	(xrf2) =	vadd.scan.msk.f32 $0xffff, v2;
	v31 =	vadd.s32 s10, v37;
	v8, _, _ =	vpop (xrf0);
	[tilespmem:v1+s18+$0x0] =	vst.idx.msk vm3, v61;
	v37 =	vld [tilespmem:s29+$0xFFFFFFF0]  }
0x1ff: {  	v4 =	vsub.f32 v4, v25;
	[tilespmem:v49+s19+$0x0] =	vst.idx.msk vm2, v39;
	v39 =	vld [tilespmem:s29+$0xFFFFFFE0];
	v46 =	vxor.u32 $0x80000000, v8;
	v7, _, _ =	vpop (xrf0);
	v25 =	vnsel vm1, $0x0, v29  }
0x200: {  	[tilespmem:v51+s21+$0x0] =	vst.idx.msk vm10, v0;
	v2 =	vld.idx.msk [tilespmem:v24+s17+$0x0], $0xffff;
	vm0 =	vgt.s32 v46, $0x0;
	v0 =	vsub.f32 v55, v25;
	v25 =	vxor.u32 $0x80000000, v7  }
0x201: {  	v5 =	vld.idx.msk [tilespmem:v23+s17+$0x0], $0xffff;
	v62 =	vnsel vm0, $0x0, v46;
	vm0 =	vgt.s32 v25, $0x0  }
0x202: {  	s20 =	sadd.s32 $0xFFFFFF70, s26;
	s13 =	smov.u32 s14;
	v28 =	vmul.f32 v56, v20;
	[tilespmem:v42+s22+$0x0] =	vst.idx.msk vm4, v6;
	v61 =	vld [tilespmem:s29+$0x0];
	v46 =	vadd.s32 s26, v62;
	v6 =	vnsel vm0, $0x0, v25  }
0x203: {  	[tilespmem:s13+$0x30] =	vst v33;
	v56 =	vmul.f32 v43, v37;
	v43 =	vadd.s32 s20, v6;
	v6 =	vld [tilespmem:$0x1FF00]  }
0x204: {  	(xrf2) =	vadd.scan.msk.f32 $0xffff, v28;
	[tilespmem:v1+s19+$0x0] =	vst.idx.msk vm3, v21;
	v21 =	vmov v54;
	vm1 =	vlt.s32 v9, $0x0  }
0x205: {  	s4 =	sadd.s32 $0x50, s4;
	[tilespmem:$0x1FF20] =	vst v21;
	v2 =	vnsel vm1, $0x0, v2  }
0x206: {  	vm13 =	vne.s32 v50, v53;
	v28 =	vld [tilespmem:s4+$0x20];
	[tilespmem:s14+$0x0] =	vst v16;
	v2 =	vsub.f32 v52, v2  }
0x207: {  	v11 =	vnsel vm7, $0x0, v11;
	[tilespmem:v1+s21+$0x0] =	vst.idx.msk vm3, v3;
	v62 =	vmov v50;
	v50 =	vmul.f32 v60, v61;
	v60 =	vld.idx.msk [tilespmem:v46+s17+$0x0], $0xffff  }
0x208: {  	v63 =	vlaneseq.u32;
	v11 =	vsub.f32 v44, v11;
	v44, _, _ =	vpop (xrf2);
	v53 =	vld.idx.msk [tilespmem:v31+s17+$0x0], $0xffff;
	[tilespmem:$0x1FF40] =	vst v2  }
0x209: {  	v21 =	vmul.f32 v57, v18;
	v55 =	vadd.s32 s2, v63;
	v5 =	vnsel vm6, $0x0, v5;
	v2 =	vld [tilespmem:s25+$0x0];
	[tilespmem:s14+$0x60] =	vst v44  }
0x20a: {  	vm5 =	vlt.s32 v59, $0x0;
	vm4 =	vmmov vm15;
	[tilespmem:v49+s21+$0x0] =	vst.idx.msk vm2, v27;
	v29 =	vsub.f32 v47, v5;
	v47 =	vld [tilespmem:s25+$0x20]  }
0x20b: {  	s1 =	sadd.s32 $0x5, s1;
	vm11 =	vlt.s32 v8, $0x0;
	[tilespmem:v49+s22+$0x0] =	vst.idx.msk vm2, v11;
	vm7 =	vlt.s32 v7, $0x0;
	(xrf2) =	vadd.scan.msk.f32 $0xffff, v21;
	v6 =	vld.idx.msk [tilespmem:v6+s24+$0x0], $0xffff  }
0x20c: {  	p0 =	slt.u32 s1, $0xF5;
	v57 =	vmul.f32 v22, v39;
	vm0 =	vcmask $0x3F3C;
	v25, _, _ =	vpop (xrf2);
	[tilespmem:v1+s22+$0x0] =	vst.idx.msk vm3, v0;
	v1 =	vnsel vm11, $0x0, v60;
	v60 =	vld [tilespmem:$0x1FF50]  }
.Ltmp15:
0x20d: {  	v59 =	vld [tilespmem:s25+$0x10];
	[tilespmem:v51+s22+$0x0] =	vst.idx.msk vm10, v4;
	v9, _, _ =	vpop (xrf2);
	(xrf2) =	vadd.scan.msk.f32 $0xffff, v50;
	vm3 =	vmor vm14, vm0;
	vm14 =	vcmask $0x3F3C;
	(pc) =	sbr.rel @p0 .LBB2_19-.Ltmp15, $4  }
0x20e: {  	[tilespmem:s13+$0xFFFFFFA0] =	vst v25;
	v27, _, _ =	vpop (xrf2);
	(xrf2) =	vadd.scan.msk.f32 $0xffff, v57;
	v42 =	vnsel vm5, $0x0, v53;
	v55 =	vld.idx.msk [tilespmem:v55+s24+$0x0], $0xffff;
	vm8 =	vmor vm12, vm14  }
0x20f: {  	v36 =	vmovc v30;
	s14 =	sadd.s32 $0xF0, s14;
	vm2 =	vmor vm13, vm14;
	v22 =	vsub.f32 v48, v42;
	v48 =	vld.idx.msk [tilespmem:v43+s17+$0x0], $0xffff;
	[tilespmem:s13+$0xFFFFFFD0] =	vst v27;
	v42 =	vadd.s32 $0x10, v43  }
0x210: {  	s11 =	sadd.s32 $0xFFFFFFEE, s2;
	s30 =	sadd.s32 $0x50, s30;
	v8 =	vimm.s32 $0x0;
	v52 =	vld [tilespmem:s25+$0xFFFFFFE0];
	v51 =	vmul.f32 v2, v10;
	[tilespmem:s14+$0x50] =	vst v9;
	v10 =	vmovc v61;
	v61 =	vmovc v9;
	v57 =	vmul.f32 v47, v12  }
0x211: {  	s2 =	sadd.s32 $0x50, s2;
	s26 =	sadd.s32 $0xF0, s26;
	v54 =	vld [tilespmem:s25+$0xFFFFFFF0];
	s25 =	sadd.s32 $0x50, s25;
	[tilespmem:$0x1FF50] =	vst v61;
	v12 =	vmovc v58;
	v49 =	vsub.f32 v60, v1;
	vm13 =	veq.s32 v28, v6;
	v60 =	vsel vm2, $0x1, v8  }
0x212: {  	_ = 	snop  }
0x213: {  	v0 =	vadd.s32 s11, v63  }
0x214: {  	v47 =	vld [tilespmem:s4+$0x10]  }
0x215: {  	v5 =	vld [tilespmem:s4+$0x0]  }
0x216: {  	v2 =	vld.idx.msk [tilespmem:v38+s24+$0x0], $0xffff  }
0x217: {  	v1 =	vsel vm8, $0x1, v8;
	(xrf2) =	vadd.scan.msk.f32 $0xffff, v57;
	v11 =	vld.idx.msk [tilespmem:v35+s24+$0x0], $0xffff  }
0x218: {  	vm9 =	vmor vm9, vm14;
	(xrf0) =	vadd.scan.msk.s32 $0xffff, v1;
	v0 =	vld.idx.msk [tilespmem:v0+s24+$0x0], $0xffff  }
0x219: {  	v38 =	vld [tilespmem:s4+$0xFFFFFFE0];
	v21 =	vsel vm9, $0x1, v8;
	(xrf0) =	vadd.scan.msk.s32 $0xffff, v60  }
0x21a: {  	v4 =	vld.idx.msk [tilespmem:v41+s24+$0x0], $0xffff;
	v35 =	vsel vm3, $0x1, v8;
	(xrf0) =	vadd.scan.msk.s32 $0xffff, v21;
	v3 =	vmul.f32 v54, v20  }
0x21b: {  	(xrf0) =	vadd.scan.msk.s32 $0xffff, v35  }
0x21c: {  	v7 =	vadd.s32 $0x10, v46;
	v57 =	vmul.f32 v59, v14;
	v41, _, _ =	vpop (xrf2);
	vm10 =	vne.s32 v47, v2;
	(xrf2) =	vadd.scan.msk.f32 $0xffff, v3  }
0x21d: {  	v35, _, _ =	vpop (xrf2);
	[tilespmem:s14+$0x20] =	vst v41;
	vm10 =	vmor vm10, vm14;
	(xrf2) =	vadd.scan.msk.f32 $0xffff, v56;
	vm0 =	veq.s32 v47, v0  }
0x21e: {  	v2 =	vld.idx.msk [tilespmem:v32+s24+$0x0], $0xffff;
	[tilespmem:s14+$0xFFFFFFF0] =	vst v35;
	(xrf2) =	vadd.scan.msk.f32 $0xffff, v57;
	v0 =	vsel vm0, $0x7FFFFFFF, v45;
	vm0 =	veq.s32 v5, v11  }
0x21f: {  	v21, _, _ =	vpop (xrf2);
	v50 =	vsel vm10, $0x1, v8;
	(xrf0) =	vmax.scan.msk.u32 $0xffff, v0;
	v53 =	vsel vm0, $0x7FFFFFFF, v45;
	vm0 =	veq.s32 v38, v4;
	v4 =	vld [tilespmem:s30+$0x0]  }
0x220: {  	v15 =	vmul.f32 v52, v15;
	v6 =	vld [tilespmem:s30+$0x10];
	v1, _, _ =	vpop (xrf0);
	(xrf0) =	vadd.scan.msk.s32 $0xffff, v50  }
0x221: {  	v11 =	vld [tilespmem:s30+$0x20];
	v0, _, _ =	vpop (xrf0);
	(xrf0) =	vmax.scan.msk.u32 $0xffff, v53  }
0x222: {  	v59 =	vmpcnt.ones.xlane vm2;
	v58 =	vmpcnt.ones.xlane vm9;
	(xrf2) =	vadd.scan.msk.f32 $0xffff, v15;
	v54 =	vsel vm0, $0x7FFFFFFF, v45;
	v3, _, _ =	vpop (xrf0)  }
0x223: {  	v52 =	vadd.s32 $0x20, v46;
	v20 =	vmov v5;
	v56 =	vsel vm13, $0x7FFFFFFF, v45;
	(xrf0) =	vmax.scan.msk.u32 $0xffff, v54;
	v53, _, _ =	vpop (xrf2)  }
0x224: {  	v7 =	vld.idx.msk [tilespmem:v7+s17+$0x0], $0xffff;
	v8 =	vmpcnt.ones.xlane vm3;
	v5 =	vadd.s32 v30, v58;
	v9, _, _ =	vpop (xrf0);
	(xrf0) =	vmax.scan.msk.u32 $0xffff, v56;
	v4 =	vmul.f32 v4, v10  }
0x225: {  	v61 =	vmpcnt.ones.xlane vm4;
	(xrf2) =	vadd.scan.msk.f32 $0xffff, v51;
	v6 =	vmul.f32 v6, v18;
	v50 =	vld.idx.msk [tilespmem:v40+s24+$0x0], $0xffff;
	v56 =	vadd.s32 v5, v59;
	v40, _, _ =	vpop (xrf0)  }
0x226: {  	v14 =	vld [tilespmem:s4+$0xFFFFFFF0];
	v58 =	vmul.f32 v11, v12;
	v8 =	vadd.s32 v56, v8;
	v46, _, _ =	vpop (xrf0);
	(xrf2) =	vadd.scan.msk.f32 $0xffff, v4  }
0x227: {  	[tilespmem:s13+$0x70] =	vst v53;
	v59 =	vadd.s32 v8, v61;
	v30, _, _ =	vpop (xrf0);
	(xrf2) =	vadd.scan.msk.f32 $0xffff, v6  }
0x228: {  	vm12 =	vne.s32 v28, v55;
	v1 =	vadd.s32 v59, v1;
	v6 =	vld.idx.msk [tilespmem:v52+s17+$0x0], $0xffff;
	v52, _, _ =	vpop (xrf2);
	(xrf2) =	vadd.scan.msk.f32 $0xffff, v58  }
0x229: {  	v57 =	vmpcnt.ones.xlane vm8;
	v7 =	vnsel vm11, $0x0, v7;
	v54 =	vadd.s32 $0x10, v23;
	v32, _, _ =	vpop (xrf0)  }
0x22a: {  	v7 =	vsub.f32 v44, v7;
	v23 =	vadd.s32 $0x20, v23;
	v11 =	vld.idx.msk [tilespmem:v26+s24+$0x0], $0xffff;
	[tilespmem:s14+$0xFFFFFF90] =	vst v21;
	v26 =	vadd.s32 v5, v0;
	v51, _, _ =	vpop (xrf0)  }
0x22b: {  	vm0 =	veq.s32 v14, v50;
	v50 =	vadd.s32 v59, v57;
	v59 =	vld [tilespmem:s30+$0xFFFFFFE0];
	v15, _, _ =	vpop (xrf2);
	v61 =	vxor.u32 $0x80000000, v51  }
0x22c: {  	v55 =	vsel vm0, $0x7FFFFFFF, v45;
	v57 =	vld.idx.msk [tilespmem:v34+s24+$0x0], $0xffff;
	v34 =	vadd.s32 v36, v3;
	[tilespmem:s14+$0xFFFFFFC0] =	vst v15;
	vm0 =	vgt.s32 v61, $0x0  }
0x22d: {  	v3, _, _ =	vpop (xrf2);
	v0 =	vld [tilespmem:s30+$0xFFFFFFF0];
	[tilespmem:v1+s18+$0x0] =	vst.idx.msk vm8, v13;
	v13 =	vxor.u32 $0x80000000, v30;
	v4 =	vnsel vm0, $0x0, v61;
	v61 =	vxor.u32 $0x80000000, v40  }
0x22e: {  	v44 =	vld.idx.msk [tilespmem:v54+s17+$0x0], $0xffff;
	v36, _, _ =	vpop (xrf2);
	v5 =	vnsel vm11, $0x0, v6;
	v4 =	vadd.s32 s26, v4;
	vm11 =	vgt.s32 v61, $0x0  }
0x22f: {  	[tilespmem:s13+$0x40] =	vst v3;
	v54, _, _ =	vpop (xrf2);
	v6 =	vnsel vm11, $0x0, v61;
	vm11 =	vgt.s32 v13, $0x0  }
0x230: {  	[tilespmem:v1+s19+$0x0] =	vst.idx.msk vm8, v49;
	v5 =	vsub.f32 v53, v5;
	v61 =	vmul.f32 v59, v39;
	v59 =	vnsel vm11, $0x0, v13;
	v13, _, _ =	vpop (xrf2)  }
0x231: {  	(xrf0) =	vmax.scan.msk.u32 $0xffff, v55;
	v58 =	vadd.s32 $0x10, v31;
	v49 =	vld.idx.msk [tilespmem:v23+s17+$0x0], $0xffff;
	[tilespmem:v1+s21+$0x0] =	vst.idx.msk vm8, v7;
	v23, _, _ =	vpop (xrf2)  }
0x232: {  	vm0 =	vne.s32 v38, v11;
	v11 =	vadd.s32 $0x20, v31;
	v0 =	vmul.f32 v0, v37;
	[tilespmem:v1+s22+$0x0] =	vst.idx.msk vm8, v5;
	v31, _, _ =	vpop (xrf2)  }
0x233: {  	v44 =	vnsel vm6, $0x0, v44;
	(xrf2) =	vadd.scan.msk.f32 $0xffff, v61;
	v53 =	vld.idx.msk [tilespmem:v4+s17+$0x0], $0xffff;
	[tilespmem:s14+$0x60] =	vst v31  }
0x234: {  	v8 =	vadd.s32 v8, v19;
	(xrf2) =	vadd.scan.msk.f32 $0xffff, v0;
	v0 =	vsub.f32 v33, v44;
	v44 =	vld [tilespmem:$0x1FF10]  }
0x235: {  	v60 =	vimm.s32 $0x0  }
0x236: {  	vm13 =	vne.s32 v20, v2;
	v2 =	vadd.s32 $0x10, v24;
	v45 =	vmovc v21;
	v21 =	vxor.u32 $0x80000000, v32  }
0x237: {  	s1 =	sadd.s32 $0xFFFFFFD0, s26;
	v24 =	vadd.s32 $0x20, v24;
	v7 =	vadd.s32 $0x20, v43;
	v19, _, _ =	vpop (xrf0);
	vm11 =	vgt.s32 v21, $0x0  }
0x238: {  	v1 =	vadd.s32 v56, v9;
	v56 =	vxor.u32 $0x80000000, v19;
	v6 =	vadd.s32 s1, v6;
	v61 =	vld [tilespmem:s25+$0x20]  }
0x239: {  	vm8 =	vmmov vm10;
	vm10 =	vmor vm13, vm14;
	v55 =	vnsel vm6, $0x0, v49;
	[tilespmem:v8+s18+$0x0] =	vst.idx.msk vm4, v44  }
0x23a: {  	v43 =	vnsel vm11, $0x0, v21;
	vm11 =	vgt.s32 v56, $0x0;
	v3 =	vsub.f32 v3, v55;
	[tilespmem:v8+s19+$0x0] =	vst.idx.msk vm4, v29  }
0x23b: {  	s28 =	sadd.s32 $0xFFFFFF70, s26;
	v5 =	vnsel vm11, $0x0, v56;
	vm11 =	vne.s32 v14, v57;
	vm6 =	vmor vm0, vm14;
	[tilespmem:v8+s21+$0x0] =	vst.idx.msk vm4, v0  }
0x23c: {  	v2 =	vld.idx.msk [tilespmem:v2+s17+$0x0], $0xffff;
	v56 =	vmpcnt.ones.xlane vm6;
	[tilespmem:v8+s22+$0x0] =	vst.idx.msk vm4, v3;
	v3 =	vadd.s32 s28, v5;
	vm4 =	vmor vm11, vm14  }
0x23d: {  	[tilespmem:s13+$0x10] =	vst v54;
	v57 =	vmul.f32 v61, v12;
	v0 =	vld.idx.msk [tilespmem:v58+s17+$0x0], $0xffff;
	vm11 =	vmor vm12, vm14;
	v58 =	vmpcnt.ones.xlane vm4  }
0x23e: {  	v33 =	vld.idx.msk [tilespmem:v42+s17+$0x0], $0xffff;
	[tilespmem:s13+$0xFFFFFFE0] =	vst v52;
	v61 =	vmpcnt.ones.xlane vm10;
	v5 =	vadd.s32 v50, v56;
	v21 =	vsel vm11, $0x1, v60  }
0x23f: {  	v49 =	vld.idx.msk [tilespmem:v24+s17+$0x0], $0xffff;
	[tilespmem:s13+$0xFFFFFFB0] =	vst v36;
	v12, _, _ =	vpop (xrf2);
	(xrf0) =	vadd.scan.msk.s32 $0xffff, v21;
	v8 =	vadd.s32 v5, v58;
	v58 =	vsel vm4, $0x1, v60  }
0x240: {  	v9, _, _ =	vpop (xrf2);
	v56 =	vld.idx.msk [tilespmem:v6+s17+$0x0], $0xffff;
	[tilespmem:s14+$0x30] =	vst v23;
	v42 =	vadd.s32 v8, v61;
	(xrf0) =	vadd.scan.msk.s32 $0xffff, v58;
	v61 =	vsel vm6, $0x1, v60  }
0x241: {  	v21 =	vsel vm10, $0x1, v60;
	v24 =	vld.idx.msk [tilespmem:v3+s17+$0x0], $0xffff;
	[tilespmem:s14+$0xFFFFFFD0] =	vst v9;
	(xrf0) =	vadd.scan.msk.s32 $0xffff, v61  }
0x242: {  	(xrf0) =	vadd.scan.msk.s32 $0xffff, v21;
	v21 =	vld [tilespmem:$0x1FF30];
	_ =	sdelay $0x2  }
0x243: {  	s20 =	sadd.s32 $0xFFFFFF40, s26  }
0x244: {  	v29 =	vadd.s32 s20, v43;
	(xrf2) =	vadd.scan.msk.f32 $0xffff, v57;
	v57 =	vmpcnt.ones.xlane vm8  }
0x245: {  	v11 =	vld.idx.msk [tilespmem:v11+s17+$0x0], $0xffff;
	v43 =	vmpcnt.ones.xlane vm11;
	[tilespmem:v34+s18+$0x0] =	vst.idx.msk vm9, v21  }
0x246: {  	v44 =	vadd.s32 v42, v57;
	v21 =	vld [tilespmem:$0x1FF20]  }
0x247: {  	v43 =	vadd.s32 v44, v43  }
0x248: {  	s29 =	sadd.s32 $0xFFFFFFA0, s26;
	v43 =	vxor.u32 $0x80000000, v43  }
0x249: {  	v57 =	vadd.s32 s29, v59;
	(xrf0) =	vmax.scan.msk.u32 $0xffff, v43;
	v43 =	vld.idx.msk [tilespmem:v29+s17+$0x0], $0xffff;
	[tilespmem:s14+$0xFFFFFFA0] =	vst v12  }
0x24a: {  	v7 =	vld.idx.msk [tilespmem:v7+s17+$0x0], $0xffff;
	[tilespmem:v26+s18+$0x0] =	vst.idx.msk vm2, v62  }
0x24b: {  	v58 =	vld [tilespmem:s25+$0xFFFFFFF0];
	[tilespmem:v1+s18+$0x0] =	vst.idx.msk vm3, v21  }
0x24c: {  	v21 =	vld [tilespmem:$0x1FF40]  }
0x24d: {  	v55 =	vld [tilespmem:s25+$0x10]  }
0x24e: {  	v62 =	vld.idx.msk [tilespmem:v57+s17+$0x0], $0xffff  }
0x24f: {  	v48 =	vnsel vm7, $0x0, v48;
	v60 =	vld [tilespmem:s25+$0xFFFFFFE0];
	[tilespmem:s14+$0x0] =	vst v13  }
0x250: {  	v17 =	vsub.f32 v17, v48;
	v0 =	vnsel vm5, $0x0, v0;
	v11 =	vnsel vm5, $0x0, v11;
	[tilespmem:v34+s19+$0x0] =	vst.idx.msk vm9, v22  }
0x251: {  	v0 =	vsub.f32 v25, v0;
	[tilespmem:v1+s19+$0x0] =	vst.idx.msk vm3, v21;
	v21 =	vmul.f32 v58, v37;
	v37 =	vadd.s32 $0x10, v4  }
0x252: {  	v2 =	vnsel vm1, $0x0, v2;
	v11 =	vsub.f32 v36, v11;
	[tilespmem:v26+s19+$0x0] =	vst.idx.msk vm2, v17  }
0x253: {  	v2 =	vsub.f32 v16, v2;
	v49 =	vnsel vm1, $0x0, v49;
	v55 =	vmul.f32 v55, v18;
	[tilespmem:v34+s21+$0x0] =	vst.idx.msk vm9, v0  }
0x254: {  	v16 =	vsub.f32 v54, v49;
	v59, _, _ =	vpop (xrf0);
	v60 =	vmul.f32 v60, v39;
	[tilespmem:v34+s22+$0x0] =	vst.idx.msk vm9, v11;
	(xrf2) =	vadd.scan.msk.f32 $0xffff, v21  }
0x255: {  	v61, _, _ =	vpop (xrf0);
	v39 =	vadd.s32 v44, v59;
	v22 =	vld [tilespmem:s25+$0x0];
	[tilespmem:v1+s21+$0x0] =	vst.idx.msk vm3, v2;
	(xrf2) =	vadd.scan.msk.f32 $0xffff, v55;
	v55 =	vnsel vm7, $0x0, v33  }
0x256: {  	v44 =	vnsel vm7, $0x0, v7;
	[tilespmem:v1+s22+$0x0] =	vst.idx.msk vm3, v16;
	v17 =	vsub.f32 v27, v55;
	v33 =	vld.idx.msk [tilespmem:v37+s17+$0x0], $0xffff;
	v37, _, _ =	vpop (xrf2)  }
0x257: {  	v0 =	vsub.f32 v52, v44;
	v58, _, _ =	vpop (xrf0);
	[tilespmem:s14+$0x70] =	vst v37  }
0x258: {  	v4 =	vadd.s32 $0x20, v4;
	v25, _, _ =	vpop (xrf0);
	[tilespmem:v26+s21+$0x0] =	vst.idx.msk vm2, v17  }
0x259: {  	v48, _, _ =	vpop (xrf0);
	(xrf2) =	vadd.scan.msk.f32 $0xffff, v60;
	[tilespmem:v26+s22+$0x0] =	vst.idx.msk vm2, v0  }
0x25a: {  	v54 =	vadd.s32 $0x10, v3;
	(v2sf) =	vpush v48, $0xF;
	v48 =	vmul.f32 v22, v10;
	v55 =	vld [tilespmem:$0x1FF50]  }
0x25b: {  	v49 =	vadd.s32 $0x10, v6  }
0x25c: {  	v59 =	vadd.s32 $0x10, v29;
	vm7 =	vlt.s32 v51, $0x0;
	(xrf2) =	vadd.scan.msk.f32 $0xffff, v48  }
0x25d: {  	v27 =	vadd.s32 $0x20, v29;
	v29 =	vadd.s32 v42, v46;
	v4 =	vld.idx.msk [tilespmem:v4+s17+$0x0], $0xffff;
	v26 =	vadd.s32 $0x20, v6  }
0x25e: {  	v53 =	vnsel vm7, $0x0, v53;
	[tilespmem:v39+s18+$0x0] =	vst.idx.msk vm11, v28;
	v60, _, _ =	vpop (xrf2)  }
0x25f: {  	v0 =	vld.idx.msk [tilespmem:v54+s17+$0x0], $0xffff;
	v1 =	vsub.f32 v55, v53;
	v28, _, _ =	vpop (xrf2);
	[tilespmem:s14+$0xFFFFFFE0] =	vst v60  }
0x260: {  	v7 =	vld.idx.msk [tilespmem:v49+s17+$0x0], $0xffff;
	v2 =	vnsel vm7, $0x0, v33;
	[tilespmem:s14+$0x40] =	vst v28  }
0x261: {  	v33 =	vadd.s32 v50, v58;
	v2 =	vsub.f32 v31, v2;
	[tilespmem:v39+s19+$0x0] =	vst.idx.msk vm11, v1  }
0x262: {  	v31 =	vadd.s32 $0x10, v57;
	v22 =	vnsel vm7, $0x0, v4;
	v4 =	vld.idx.msk [tilespmem:v26+s17+$0x0], $0xffff;
	[tilespmem:v29+s18+$0x0] =	vst.idx.msk vm8, v47  }
0x263: {  	v5 =	vadd.s32 v5, v61;
	v34 =	vadd.s32 $0x20, v3;
	v1 =	vsub.f32 v37, v22;
	v37, _, _ =	vpop (xrf2);
	[tilespmem:v39+s21+$0x0] =	vst.idx.msk vm11, v2  }
0x264: {  	vm9 =	vlt.s32 v40, $0x0;
	v40 =	vadd.s32 $0x20, v57;
	v36 =	vld.idx.msk [tilespmem:v59+s17+$0x0], $0xffff;
	v8 =	vadd.s32 v8, v25;
	[tilespmem:s14+$0xFFFFFFB0] =	vst v37  }
0x265: {  	[tilespmem:v39+s22+$0x0] =	vst.idx.msk vm11, v1  }
0x266: {  	vm5 =	vlt.s32 v32, $0x0;
	v42, _, _ =	vpop (xrf2);
	v2 =	vld.idx.msk [tilespmem:v27+s17+$0x0], $0xffff;
	[tilespmem:v33+s18+$0x0] =	vst.idx.msk vm6, v38  }
0x267: {  	vm7 =	vlt.s32 v19, $0x0;
	v47 =	vnsel vm5, $0x0, v43;
	v17 =	vld.idx.msk [tilespmem:v31+s17+$0x0], $0xffff;
	[tilespmem:s14+$0x10] =	vst v42  }
0x268: {  	v49 =	vnsel vm7, $0x0, v24;
	v48 =	vsub.f32 v45, v47;
	v1 =	vld.idx.msk [tilespmem:v34+s17+$0x0], $0xffff;
	[tilespmem:v5+s18+$0x0] =	vst.idx.msk vm4, v14  }
0x269: {  	v3 =	vnsel vm5, $0x0, v36;
	v50 =	vsub.f32 v15, v49;
	v22 =	vld.idx.msk [tilespmem:v40+s17+$0x0], $0xffff;
	[tilespmem:v8+s18+$0x0] =	vst.idx.msk vm10, v20  }
0x26a: {  	v3 =	vsub.f32 v12, v3;
	v0 =	vnsel vm7, $0x0, v0;
	s30 =	spop (v2sf);
	[tilespmem:v33+s19+$0x0] =	vst.idx.msk vm6, v48  }
0x26b: {  	s4 =	simm.s32 $0x1;
	v0 =	vsub.f32 v9, v0;
	v39 =	vnsel vm9, $0x0, v56;
	[tilespmem:v5+s19+$0x0] =	vst.idx.msk vm4, v50;
	s2 =	sadd.s32 $0x80000001, s30;
	p0 =	slt.s32 s30, $0xFFFFFFFF  }
0x26c: {  	v7 =	vnsel vm9, $0x0, v7;
	vm11 =	vlt.s32 v30, $0x0;
	v21 =	vsub.f32 v41, v39;
	[tilespmem:v33+s21+$0x0] =	vst.idx.msk vm6, v3;
	s8 =	sshra.s32 s2, $0x1F;
	s4 =	simm.s32 @!p0 $0x0  }
0x26d: {  	v7 =	vsub.f32 v23, v7;
	v44 =	vnsel vm11, $0x0, v62;
	[tilespmem:v5+s21+$0x0] =	vst.idx.msk vm4, v0;
	s9 =	sand.u32 $0xF, s2;
	s4 =	sadd.s32 s4, s8  }
0x26e: {  	v46 =	vsub.f32 v35, v44;
	[tilespmem:v29+s19+$0x0] =	vst.idx.msk vm8, v21;
	v4 =	vnsel vm9, $0x0, v4;
	p1 =	sne.s32 s9, $0x0;
	p4 =	sne.s32 s4, $0x1  }
0x26f: {  	[tilespmem:v29+s21+$0x0] =	vst.idx.msk vm8, v7;
	s9 =	sshrl.u32 s8, $0x1C;
	v51 =	vnsel vm11, $0x0, v17;
	v4 =	vsub.f32 v28, v4;
	p0 =	por !p1, !p4  }
0x270: {  	s8 =	simm.s32 $0x1;
	[tilespmem:v8+s19+$0x0] =	vst.idx.msk vm10, v46;
	s4 =	sadd.s32 s9, s2;
	v7 =	vsub.f32 v13, v51;
	v2 =	vnsel vm5, $0x0, v2;
	p0 =	por !p0, !p0  }
0x271: {  	v1 =	vnsel vm7, $0x0, v1;
	s4 =	sshrl.u32 s4, $0x4;
	[tilespmem:v29+s22+$0x0] =	vst.idx.msk vm8, v4;
	v2 =	vsub.f32 v37, v2;
	s8 =	simm.s32 @!p0 $0x0  }
0x272: {  	v52 =	vnsel vm11, $0x0, v22;
	v1 =	vsub.f32 v60, v1;
	[tilespmem:v8+s21+$0x0] =	vst.idx.msk vm10, v7;
	s4 =	ssub.s32 s4, s8  }
0x273: {  	v6 =	vsub.f32 v42, v52;
	[tilespmem:v33+s22+$0x0] =	vst.idx.msk vm6, v2;
	s8 =	sshll.u32 s4, $0x4  }
0x274: {  	[tilespmem:v5+s22+$0x0] =	vst.idx.msk vm4, v1;
	v53 =	vor.u32 s8, v63;
	s4 =	sadd.s32 $0x10, s8  }
0x275: {  	[tilespmem:v8+s22+$0x0] =	vst.idx.msk vm10, v6;
	s10 =	sadd.s32 $0x20, s8;
	vm8 =	vge.s32 v53, s2;
	v54 =	vor.u32 s4, v63  }
0x276: {  	v8 =	vld [tilespmem:$0x1FFE0];
	s11 =	sadd.s32 $0x30, s8;
	v55 =	vor.u32 s10, v63;
	vm9 =	vge.s32 v54, s2  }
0x277: {  	v56 =	vor.u32 s11, v63;
	vm10 =	vge.s32 v55, s2  }
0x278: {  	vm11 =	vge.s32 v56, s2  }
0x279: {  	s28 =	sadd.s32 $0x80000080, s30;
	s1 =	sand.u32 $0x7F, s30;
	s13 =	sadd.s32 $0x40, s8  }
0x27a: {  	s29 =	sshra.s32 s28, $0x1F;
	s14 =	sadd.s32 $0x50, s8;
	v57 =	vor.u32 s13, v63;
	s4 =	simm.s32 $0xCF00  }
0x27b: {  	p5 =	slt.s32 s28, $0x1;
	s20 =	sadd.s32 $0x60, s8;
	s25 =	sadd.s32 $0x70, s8;
	v58 =	vor.u32 s14, v63;
	vm5 =	vge.s32 v57, s2;
	[tilespmem:v53+s4+$0x0] =	vst.idx.msk vm8, v8  }
0x27c: {  	p6 =	sne.s32 s1, $0x0;
	s26 =	sadd.s32 $0x80, s8;
	s8 =	sadd.s32 $0x90, s8;
	v59 =	vor.u32 s20, v63;
	v60 =	vor.u32 s25, v63;
	vm4 =	vge.s32 v58, s2;
	[tilespmem:v54+s4+$0x0] =	vst.idx.msk vm9, v8  }
0x27d: {  	s30 =	sshrl.u32 s29, $0x19;
	p0 =	por !p5, !p6;
	v61 =	vor.u32 s26, v63;
	v62 =	vor.u32 s8, v63;
	vm8 =	vge.s32 v59, s2;
	[tilespmem:v55+s4+$0x0] =	vst.idx.msk vm10, v8  }
0x27e: {  	s1 =	sadd.s32 s30, s28;
	p0 =	por !p0, !p0;
	vm9 =	vge.s32 v60, s2;
	vm10 =	vge.s32 v61, s2;
	[tilespmem:v56+s4+$0x0] =	vst.idx.msk vm11, v8;
	vm11 =	vge.s32 v62, s2;
	s2 =	simm.s32 $0x1  }
0x27f: {  	s1 =	sshra.s32 s1, $0x7;
	s2 =	simm.s32 @!p0 $0x0  }
0x280: {  	s1 =	ssub.s32 s1, s2  }
0x281: {  	[tilespmem:v57+s4+$0x0] =	vst.idx.msk vm5, v8;
	p0 =	slt.s32 s1, $0x1  }
.Ltmp16:
0x282: {  	[tilespmem:v58+s4+$0x0] =	vst.idx.msk vm4, v8;
	(pc) =	sbr.rel @p0 .LBB2_29-.Ltmp16, $4  }
0x283: {  	[tilespmem:v59+s4+$0x0] =	vst.idx.msk vm8, v8  }
0x284: {  	[tilespmem:v60+s4+$0x0] =	vst.idx.msk vm9, v8  }
0x285: {  	[tilespmem:v61+s4+$0x0] =	vst.idx.msk vm10, v8  }
0x286: {  	[tilespmem:v62+s4+$0x0] =	vst.idx.msk vm11, v8  }
0x287: {  	p0 =	sne.s32 s1, $0x1  }
.Ltmp17:
0x288: {  	s2 =	simm.s32 $0xDF80;
	s30 =	simm.s32 $0xF000;
	(pc) =	sbr.rel @!p0 .LBB2_23-.Ltmp17, $4  }
0x289: {  	s14 =	simm.s32 $0x10080;
	s11 =	simm.s32 $0x10100;
	s13 =	simm.s32 $0xE000  }
0x28a: {  	[spmem:s3] =	stream.indirect.scatter.add.f32 [tilespmem:s2], [sflag:$0x1], $0x1, s4, s23, $0xb8;
	[tilespmem:$0x17900] =	vst v63  }
0x28b: {  	s25 =	simm.s32 $0xCF80;
	s26 =	simm.s32 $0xF080;
	s2 =	sadd.s32 $0xFFFFFFFF, s1  }
0x28c: {  	v0 =	vimm.f32 $0.0e+00;
	[spmem:s5] =	stream.indirect.scatter.add.f32 [tilespmem:s30], [sflag:$0x1], $0x1, s4, s23, $0xb8;
	[tilespmem:$0x17900] =	vst v63  }
.LBB2_22:
0x28d: {  	[spmem:s6] =	stream.indirect.scatter.add.f32 [tilespmem:s14], [sflag:$0x1], $0x1, s4, s23, $0xb8;
	[tilespmem:$0x17900] =	vst v63  }
0x28e: {  	p0 =	sne.s32 s2, $0x1  }
.Ltmp18:
0x28f: {  	s2 =	sadd.s32 $0xFFFFFFFF, s2;
	(pc) =	sbr.rel @p0 .LBB2_22-.Ltmp18, $4  }
0x290: {  	[spmem:s3] =	stream.indirect.scatter.add.f32 [tilespmem:s13], [sflag:$0x1], $0x1, s25, s23, $0xb8;
	[tilespmem:$0x17900] =	vst v63  }
0x291: {  	s14 =	smov.u32 s11;
	s11 =	sadd.s32 $0x80, s11;
	s4 =	smov.u32 s25  }
0x292: {  	[spmem:s5] =	stream.indirect.scatter.add.f32 [tilespmem:s26], [sflag:$0x1], $0x1, s25, s23, $0xb8;
	[tilespmem:$0x17900] =	vst v63  }
0x293: {  	s13 =	sadd.s32 $0x80, s13;
	s25 =	sadd.s32 $0x80, s25;
	s26 =	sadd.s32 $0x80, s26  }
.LBB2_23:
0x294: {  	s12 =	sadd.s32 $0x1, s12  }
0x295: {  	p0 =	seq.s32 s12, $0x19  }
.Ltmp19:
0x296: {  	_ = 	snop;
	(pc) =	sbr.rel @!p0 .LBB2_4-.Ltmp19, $2  }
0x297: {  	_ =	sdelay $0x2  }
0x298: {  	[spmem:s6] =	stream.indirect.scatter.add.f32 [tilespmem:s14], [sflag:$0x1], $0x1, s4, s23, $0xb8;
	v1 =	vld [tilespmem:$0x1FFF0]  }
0x299: {  	_ =	swait.ge [sflag:s15], $0x80  }
0x29a: {  	[sflag:s15] =	ssyncset.done $0x0  }
0x29b: {  	p0 =	sgt.s32 s1, $0x1;
	[sflag:s15] =	ssyncadd.s32 $0xFFFFFF80  }
.Ltmp20:
0x29c: {  	_ =	swait.ge [sflag:s15], $0x80;
	(pc) =	sbr.rel @!p0 .LBB2_26-.Ltmp20, $4  }
0x29d: {  	[sflag:s15] =	ssyncset.done $0x0  }
0x29e: {  	[sflag:s15] =	ssyncadd.s32 $0xFFFFFF80  }
0x29f: {  	_ =	swait.ge [sflag:s15], $0x80  }
0x2a0: {  	s2 =	simm.s32 $0x1;
	[sflag:s15] =	ssyncset.done $0x0  }
.LBB2_25:
0x2a1: {  	s2 =	sadd.s32 $0x1, s2;
	[sflag:s15] =	ssyncadd.s32 $0xFFFFFF80  }
0x2a2: {  	_ =	swait.ge [sflag:s15], $0x80;
	p0 =	slt.s32 s2, s1  }
0x2a3: {  	[sflag:s15] =	ssyncset.done $0x0  }
0x2a4: {  	[sflag:s15] =	ssyncadd.s32 $0xFFFFFF80  }
.Ltmp21:
0x2a5: {  	_ =	swait.ge [sflag:s15], $0x80;
	(pc) =	sbr.rel @p0 .LBB2_25-.Ltmp21, $4  }
0x2a6: {  	[sflag:s15] =	ssyncset.done $0x0  }
0x2a7: {  	[sflag:s15] =	ssyncadd.s32 $0xFFFFFF80  }
0x2a8: {  	_ =	swait.ge [sflag:s15], $0x80  }
0x2a9: {  	[sflag:s15] =	ssyncset.done $0x0  }
.Ltmp22:
0x2aa: {  	_ = 	snop;
	(pc) =	sbr.rel .LBB2_26-.Ltmp22, $1  }
0x2ab: {  	_ =	sdelay $0x3  }
.LBB2_28:
0x2ac: {  	_ =	sfence.sel $0x180000  }
0x2ad: {  	[bflag:$0x0] =	sbarrier.arrive $0xFFFF  }
0x2ae: {  	_ =	strace $0x90000047  }
0x2af: {  	s0 =	stileid.u32;
	[bflag:$0x2] =	sbarrier.arrive $0xFFFF  }
0x2b0: {  	p0 =	sne.s32 s0, $0x0;
	s0 =	rddreg [dreg:$0x6]  }
0x2b1: {  	s0 =	sadd.s32 @!p0 $0x100000, s0  }
0x2b2: {  	[sflag:s0] =	ssyncadd.tile.s32 @!p0 $0x1;
	_ =	shalt  }
.Lfunc_end2:
_tile_overlayer_lowered:
.L_overlay_start_2:
0x2b3: {  	(tag) =	ssettag $0x2  }
0x2b4: {  	s0 =	rddreg [dreg:$0x0];
	s2 =	stileid.u32  }
0x2b5: {  	s1 =	rddreg [dreg:$0x1];
	p0 =	sne.s32 s2, $0x0  }
0x2b6: {  	s3 =	rddreg [dreg:$0x2];
	[bflag:$0x3] =	sbarrier.arrive $0xFFFF;
	s2 =	simm.s32 @!p0 $0x1C03  }
0x2b7: {  	[timem:s3], [sflag:s2] =	dma.local @!p0 [hbm:s0], s1  }
0x2b8: {  	s0 =	simm.s32 @!p0 $0x3  }
0x2b9: {  	_ =	swait.ge @!p0 [sflag:s0], s1  }
0x2ba: {  	s1 =	ssub.s32 @!p0 $0x0, s1;
	[sflag:s0] =	ssyncset.done @!p0 $0x0  }
0x2bb: {  	[sflag:s0] =	ssyncadd.s32 @!p0 s1  }
0x2bc: {  	[bflag:$0x3] =	sbarrier.arrive $0xFFFF  }
0x2bd: {  	_ =	shalt  }

</sc_bundles>
